<compile_context>
chip_gen: v7x
topology: tpu7x:2x2x1
jax: 0.10.2.dev20260603
libtpu: 0.0.44.dev20260713+nightly
codegen_flags: <defaults>
</compile_context>

<pallas_src>
import functools
import jax
import jax.numpy as jnp
from jax import lax
from jax.experimental import pallas as pl
from jax.experimental.pallas import tpu as pltpu
from jax.experimental.pallas import tpu_sc as plsc

N = 2000; E = 16000; B = 8; D = 1024; C = 128; S = 7
H = 256; P = 50; K = 10; TOPX = 100
NPG = N // B; EPG = E // B
SS = S * S
EB = 1000
TW = 16

_INTERPRET = False


CSS = C * SS


def _conv_stats_body(cv_ref, pooled_ref, pos_ref, neg_ref, G_ref):
    i = pl.program_id(0)

    @pl.when(i == 0)
    def _():
        j = lax.broadcasted_iota(jnp.int32, (CSS, C), 0)
        c = lax.broadcasted_iota(jnp.int32, (CSS, C), 1)
        G_ref[...] = ((j >= c * SS) & (j < c * SS + SS)).astype(jnp.float32)

    x = cv_ref[...]
    G = G_ref[...]
    sum_x = jnp.dot(x, G, preferred_element_type=jnp.float32)
    posm = jnp.dot(jnp.maximum(x, 0.0), G, preferred_element_type=jnp.float32)
    pooled_ref[...] = sum_x * (1.0 / SS)
    pos_ref[...] = posm
    neg_ref[...] = posm - sum_x


def _conv_stats(cv2):
    BN = 400
    grid = (N // BN,)
    return pl.pallas_call(
        _conv_stats_body, grid=grid,
        in_specs=[pl.BlockSpec((BN, CSS), lambda i: (i, 0))],
        out_specs=[pl.BlockSpec((BN, C), lambda i: (i, 0))] * 3,
        out_shape=[jax.ShapeDtypeStruct((N, C), jnp.float32)] * 3,
        scratch_shapes=[pltpu.VMEM((CSS, C), jnp.float32)],
        interpret=_INTERPRET,
    )(cv2)


def _node_fwd_body(ol_ref, pooled_ref, W1_ref, W2_ref, node_ref, gnode_ref):
    pre = (jnp.dot(ol_ref[0], W1_ref[...], preferred_element_type=jnp.float32)
           + jnp.dot(pooled_ref[0], W2_ref[...], preferred_element_type=jnp.float32))
    nr = jnp.maximum(pre, 0.0)
    node_ref[0] = nr
    gnode_ref[0, 0] = jnp.sum(nr, axis=0)


def _node_fwd(ol3, pooled3, W1, W2):
    return pl.pallas_call(
        _node_fwd_body, grid=(B,),
        in_specs=[
            pl.BlockSpec((1, NPG, D), lambda b: (b, 0, 0)),
            pl.BlockSpec((1, NPG, C), lambda b: (b, 0, 0)),
            pl.BlockSpec((D, H), lambda b: (0, 0)),
            pl.BlockSpec((C, H), lambda b: (0, 0)),
        ],
        out_specs=[
            pl.BlockSpec((1, NPG, H), lambda b: (b, 0, 0)),
            pl.BlockSpec((1, 1, H), lambda b: (b, 0, 0)),
        ],
        out_shape=[
            jax.ShapeDtypeStruct((B, NPG, H), jnp.float32),
            jax.ShapeDtypeStruct((B, 1, H), jnp.float32),
        ],
        interpret=_INTERPRET,
    )(ol3, pooled3, W1, W2)


def _edge_fwd_body(rl_ref, W3_ref, edge_ref, gedge_ref):
    j = pl.program_id(1)
    pre = jnp.dot(rl_ref[0], W3_ref[...], preferred_element_type=jnp.float32)
    nr = jnp.maximum(pre, 0.0)
    edge_ref[0] = nr
    s = jnp.sum(nr, axis=0)

    @pl.when(j == 0)
    def _():
        gedge_ref[0, 0] = s

    @pl.when(j > 0)
    def _():
        gedge_ref[0, 0] += s


def _edge_fwd(rl3, W3):
    return pl.pallas_call(
        _edge_fwd_body, grid=(B, EPG // EB),
        in_specs=[
            pl.BlockSpec((1, EB, D), lambda b, j: (b, j, 0)),
            pl.BlockSpec((D, H), lambda b, j: (0, 0)),
        ],
        out_specs=[
            pl.BlockSpec((1, EB, H), lambda b, j: (b, j, 0)),
            pl.BlockSpec((1, 1, H), lambda b, j: (b, 0, 0)),
        ],
        out_shape=[
            jax.ShapeDtypeStruct((B, EPG, H), jnp.float32),
            jax.ShapeDtypeStruct((B, 1, H), jnp.float32),
        ],
        interpret=_INTERPRET,
    )(rl3, W3)


def _head_body(gn_ref, ge_ref, Wout_ref, WoutT_ref,
               ps_ref, cls_ref, u_ref, ue_ref):
    g = gn_ref[:, 0, :] + ge_ref[:, 0, :]
    logits = jnp.dot(g, Wout_ref[...], preferred_element_type=jnp.float32)
    probs = jax.nn.sigmoid(logits)
    iota = lax.broadcasted_iota(jnp.int32, (B, P), 1)
    v = probs
    vals, clss = [], []
    for _ in range(K):
        m = jnp.max(v, axis=1, keepdims=True)
        cls = jnp.min(jnp.where(v >= m, iota, P), axis=1, keepdims=True)
        vals.append(m)
        clss.append(cls)
        v = jnp.where(iota == cls, -1.0, v)
    ps = jnp.concatenate(vals, axis=1)
    ps_ref[...] = ps
    cls_ref[...] = jnp.concatenate(clss, axis=1)
    us, ues = [], []
    for k in range(K):
        onehot = (iota == clss[k]).astype(jnp.float32)
        sp = vals[k] * (1.0 - vals[k])
        u_k = jnp.dot(onehot * sp, WoutT_ref[...],
                      preferred_element_type=jnp.float32)
        us.append(u_k[:, None, :])
        ues.append((u_k * vals[k])[:, None, :])
    u_ref[...] = jnp.concatenate(us, axis=1)
    ue_ref[...] = jnp.concatenate(ues, axis=1)


def _head(gnode, gedge, Wout, WoutT):
    return pl.pallas_call(
        _head_body,
        in_specs=[
            pl.BlockSpec((B, 1, H), lambda: (0, 0, 0)),
            pl.BlockSpec((B, 1, H), lambda: (0, 0, 0)),
            pl.BlockSpec((H, P), lambda: (0, 0)),
            pl.BlockSpec((P, H), lambda: (0, 0)),
        ],
        out_specs=[
            pl.BlockSpec((B, K), lambda: (0, 0)),
            pl.BlockSpec((B, K), lambda: (0, 0)),
            pl.BlockSpec((B, K, H), lambda: (0, 0, 0)),
            pl.BlockSpec((B, K, H), lambda: (0, 0, 0)),
        ],
        out_shape=[
            jax.ShapeDtypeStruct((B, K), jnp.float32),
            jax.ShapeDtypeStruct((B, K), jnp.int32),
            jax.ShapeDtypeStruct((B, K, H), jnp.float32),
            jax.ShapeDtypeStruct((B, K, H), jnp.float32),
        ],
        interpret=_INTERPRET,
    )(gnode, gedge, Wout, WoutT)


def _node_rel_body(ol_ref, node_ref, pos_ref, neg_ref, os_ref, u_ref,
                   W1T_ref, W2T_ref, table_ref):
    mask = (node_ref[0] > 0.0).astype(jnp.float32)
    ol = ol_ref[0]
    pos = pos_ref[0]
    neg = neg_ref[0]
    lane = lax.broadcasted_iota(jnp.int32, (NPG, TW), 1)
    tbl = jnp.zeros((NPG, TW), jnp.float32)
    for k in range(K):
        mk = mask * u_ref[0, k][None, :]
        gol = jnp.dot(mk, W1T_ref[...], preferred_element_type=jnp.float32)
        rel_lin = jnp.sum(jnp.maximum(ol * gol, 0.0), axis=1)
        gp = jnp.dot(mk, W2T_ref[...], preferred_element_type=jnp.float32) * (1.0 / SS)
        rel_conv = jnp.sum(jnp.maximum(gp, 0.0) * pos
                           + jnp.maximum(-gp, 0.0) * neg, axis=1)
        tbl = jnp.where(lane == k, (rel_lin + rel_conv)[:, None], tbl)
    tbl = jnp.where(lane == K, os_ref[0, 0][:, None], tbl)
    table_ref[0] = tbl


def _node_rel(ol3, node_relu, pos3, neg3, os3, u, W1T, W2T):
    return pl.pallas_call(
        _node_rel_body, grid=(B,),
        in_specs=[
            pl.BlockSpec((1, NPG, D), lambda b: (b, 0, 0)),
            pl.BlockSpec((1, NPG, H), lambda b: (b, 0, 0)),
            pl.BlockSpec((1, NPG, C), lambda b: (b, 0, 0)),
            pl.BlockSpec((1, NPG, C), lambda b: (b, 0, 0)),
            pl.BlockSpec((1, 1, NPG), lambda b: (b, 0, 0)),
            pl.BlockSpec((1, K, H), lambda b: (b, 0, 0)),
            pl.BlockSpec((H, D), lambda b: (0, 0)),
            pl.BlockSpec((H, C), lambda b: (0, 0)),
        ],
        out_specs=[pl.BlockSpec((1, NPG, TW), lambda b: (b, 0, 0))],
        out_shape=[jax.ShapeDtypeStruct((B, NPG, TW), jnp.float32)],
        interpret=_INTERPRET,
    )(ol3, node_relu, pos3, neg3, os3, u, W1T, W2T)[0]


def _edge_rel_body(rl_ref, edge_ref, ue_ref, W3T_ref, re_ref):
    mask = (edge_ref[0] > 0.0).astype(jnp.float32)
    rl = rl_ref[0]
    lane = lax.broadcasted_iota(jnp.int32, (EB, TW), 1)
    re = jnp.zeros((EB, TW), jnp.float32)
    for k in range(K):
        mk = mask * ue_ref[0, k][None, :]
        grl = jnp.dot(mk, W3T_ref[...], preferred_element_type=jnp.float32)
        re_k = jnp.sum(jnp.maximum(rl * grl, 0.0), axis=1)
        re = jnp.where(lane == k, re_k[:, None], re)
    zt = jnp.zeros((EPWP - EPW, TW), jnp.float32)
    re_ref[0, :EPW] = re[:EPW]
    re_ref[0, EPW:] = zt
    re_ref[1, :EPW] = re[EPW:]
    re_ref[1, EPW:] = zt


def _edge_rel(rl3, edge_relu, ue, W3T):
    return pl.pallas_call(
        _edge_rel_body, grid=(NW // 2,),
        in_specs=[
            pl.BlockSpec((1, EB, D), lambda g: (g // 2, g % 2, 0)),
            pl.BlockSpec((1, EB, H), lambda g: (g // 2, g % 2, 0)),
            pl.BlockSpec((1, K, H), lambda g: (g // 2, 0, 0)),
            pl.BlockSpec((H, D), lambda g: (0, 0)),
        ],
        out_specs=[pl.BlockSpec((2, EPWP, TW), lambda g: (g, 0, 0))],
        out_shape=[jax.ShapeDtypeStruct((NW, EPWP, TW), jnp.float32)],
        interpret=_INTERPRET,
    )(rl3, edge_relu, ue, W3T)[0]


NW = 32
EPW = E // NW
EPWP = 512
NG = EPWP // 16


def _sc_score_body(tbl_hbm, src_hbm, dst_hbm, re_hbm, out_hbm,
                   tbl_v, src_v, dst_v, re_v, out_v):
    wid = lax.axis_index("s") * 2 + lax.axis_index("c")
    pltpu.sync_copy(tbl_hbm, tbl_v)
    pltpu.sync_copy(src_hbm.at[wid], src_v)
    pltpu.sync_copy(dst_hbm.at[wid], dst_v)
    pltpu.sync_copy(re_hbm.at[wid], re_v)
    iota = lax.broadcasted_iota(jnp.int32, (16,), 0)

    def group(i, carry):
        eloc = i * 16 + iota
        sidx = src_v[pl.ds(i * 16, 16)] * TW
        didx = dst_v[pl.ds(i * 16, 16)] * TW
        os_s = plsc.load_gather(tbl_v, [sidx + K])
        os_d = plsc.load_gather(tbl_v, [didx + K])
        osp = os_s * os_d
        base_re = eloc * TW
        base_out = eloc * K
        for k in range(K):
            rn_s = plsc.load_gather(tbl_v, [sidx + k])
            rn_d = plsc.load_gather(tbl_v, [didx + k])
            re_k = plsc.load_gather(re_v, [base_re + k])
            sc = rn_s * rn_d * re_k * osp
            plsc.store_scatter(out_v, [base_out + k], sc)
        return carry

    lax.fori_loop(0, NG, group, 0)
    pltpu.sync_copy(out_v, out_hbm.at[wid])


def _sc_score(tbl_flat, src2, dst2, re2):
    mesh = plsc.VectorSubcoreMesh(core_axis_name="c", subcore_axis_name="s")
    f = functools.partial(
        pl.kernel, mesh=mesh,
        compiler_params=pltpu.CompilerParams(needs_layout_passes=False),
        out_type=jax.ShapeDtypeStruct((NW, EPWP * K), jnp.float32),
        scratch_types=[
            pltpu.VMEM((N * TW,), jnp.float32),
            pltpu.VMEM((EPWP,), jnp.int32),
            pltpu.VMEM((EPWP,), jnp.int32),
            pltpu.VMEM((EPWP * TW,), jnp.float32),
            pltpu.VMEM((EPWP * K,), jnp.float32),
        ],
    )(_sc_score_body)
    return f(tbl_flat, src2, dst2, re2)


CPG = EPG // EPW
CW = EPWP * K
M = CPG * CW
MV = EPW * K


def _topk_body(score_ref, vals_ref, idxs_ref, scratch):
    iota = lax.broadcasted_iota(jnp.int32, (B, M), 1)
    valid = (iota % CW) < MV
    scratch[...] = jnp.where(valid, score_ref[...], -jnp.inf)
    r128 = lax.broadcasted_iota(jnp.int32, (B, 128), 1)

    def body(r, carry):
        vals, idxs = carry
        v = scratch[...]
        m = jnp.max(v, axis=1, keepdims=True)
        f = jnp.min(jnp.where(v >= m, iota, M), axis=1, keepdims=True)
        scratch[...] = jnp.where(iota == f, -jnp.inf, v)
        vals = jnp.where(r128 == r, m, vals)
        idxs = jnp.where(r128 == r, f, idxs)
        return vals, idxs

    vals, idxs = lax.fori_loop(
        0, TOPX, body,
        (jnp.zeros((B, 128), jnp.float32), jnp.zeros((B, 128), jnp.int32)))
    vals_ref[...] = vals
    idxs_ref[...] = idxs


def _topk(score_flat):
    return pl.pallas_call(
        _topk_body,
        in_specs=[pl.BlockSpec((B, M), lambda: (0, 0))],
        out_specs=[pl.BlockSpec((B, 128), lambda: (0, 0)),
                   pl.BlockSpec((B, 128), lambda: (0, 0))],
        out_shape=[jax.ShapeDtypeStruct((B, 128), jnp.float32),
                   jax.ShapeDtypeStruct((B, 128), jnp.int32)],
        scratch_shapes=[pltpu.VMEM((B, M), jnp.float32)],
        interpret=_INTERPRET,
    )(score_flat)


def _assemble_body(idx_ref, sd_ref, ps_ref, clsf_ref,
                   src_ref, dst_ref, psel_ref, csel_ref):
    f = idx_ref[0]
    chunk = f // CW
    rem = f - chunk * CW
    r_loc = rem // K
    pred = rem - r_loc * K
    rel = chunk * EPW + r_loc
    relb = jax.lax.broadcast_in_dim(rel, (EPG, 128), (0, 1))
    eio = lax.broadcasted_iota(jnp.int32, (EPG, 128), 0)
    ohT = (eio == relb).astype(jnp.float32)
    src_sel = jnp.dot(sd_ref[0, 0:1, :], ohT, preferred_element_type=jnp.float32)
    dst_sel = jnp.dot(sd_ref[0, 1:2, :], ohT, preferred_element_type=jnp.float32)
    predb = jax.lax.broadcast_in_dim(pred, (K, 128), (0, 1))
    kio = lax.broadcasted_iota(jnp.int32, (K, 128), 0)
    ohP = (kio == predb).astype(jnp.float32)
    psel = jnp.dot(ps_ref[0], ohP, preferred_element_type=jnp.float32)
    csel = jnp.dot(clsf_ref[0], ohP, preferred_element_type=jnp.float32)
    src_ref[0] = src_sel.astype(jnp.int32)
    dst_ref[0] = dst_sel.astype(jnp.int32)
    psel_ref[0] = psel
    csel_ref[0] = csel.astype(jnp.int32)


def _assemble(idxs3, sdf3, ps3, clsf3):
    return pl.pallas_call(
        _assemble_body, grid=(B,),
        in_specs=[
            pl.BlockSpec((1, 1, 128), lambda b: (b, 0, 0)),
            pl.BlockSpec((1, 2, EPG), lambda b: (b, 0, 0)),
            pl.BlockSpec((1, 1, K), lambda b: (b, 0, 0)),
            pl.BlockSpec((1, 1, K), lambda b: (b, 0, 0)),
        ],
        out_specs=[pl.BlockSpec((1, 1, 128), lambda b: (b, 0, 0))] * 4,
        out_shape=[
            jax.ShapeDtypeStruct((B, 1, 128), jnp.int32),
            jax.ShapeDtypeStruct((B, 1, 128), jnp.int32),
            jax.ShapeDtypeStruct((B, 1, 128), jnp.float32),
            jax.ShapeDtypeStruct((B, 1, 128), jnp.int32),
        ],
        interpret=_INTERPRET,
    )(idxs3, sdf3, ps3, clsf3)


def kernel(object_linear_features, object_conv_features, relation_linear_features,
           object_scores, W1, W2, W3, Wout, batch, relation_indexes):
    del batch
    cv2 = object_conv_features.reshape(N, CSS)
    ol3 = object_linear_features.reshape(B, NPG, D)
    rl3 = relation_linear_features.reshape(B, EPG, D)
    os3 = object_scores.reshape(B, 1, NPG)
    src3 = relation_indexes[0].reshape(B, 1, EPG)
    dst3 = relation_indexes[1].reshape(B, 1, EPG)
    W1T = jnp.transpose(W1)
    W2T = jnp.transpose(W2)
    W3T = jnp.transpose(W3)
    WoutT = jnp.transpose(Wout)

    pooled, pos, neg = _conv_stats(cv2)
    pooled3 = pooled.reshape(B, NPG, C)
    pos3 = pos.reshape(B, NPG, C)
    neg3 = neg.reshape(B, NPG, C)

    node_relu, gnode = _node_fwd(ol3, pooled3, W1, W2)
    edge_relu, gedge = _edge_fwd(rl3, W3)
    ps, cls, u, ue = _head(gnode, gedge, Wout, WoutT)

    table = _node_rel(ol3, node_relu, pos3, neg3, os3, u, W1T, W2T)
    re = _edge_rel(rl3, edge_relu, ue, W3T)
    pad = EPWP - EPW
    src_p = jnp.pad(relation_indexes[0].reshape(NW, EPW), ((0, 0), (0, pad)))
    dst_p = jnp.pad(relation_indexes[1].reshape(NW, EPW), ((0, 0), (0, pad)))
    score = _sc_score(table.reshape(N * TW), src_p, dst_p,
                      re.reshape(NW, EPWP * TW))
    vals, idxs = _topk(score.reshape(B, M))

    sdf3 = jnp.stack([src3[:, 0, :], dst3[:, 0, :]], axis=1).astype(jnp.float32)
    ps3 = ps.reshape(B, 1, K)
    clsf3 = cls.astype(jnp.float32).reshape(B, 1, K)
    src_sel, dst_sel, psel, csel = _assemble(idxs.reshape(B, 1, 128),
                                             sdf3, ps3, clsf3)

    relation_scores_sorted = vals[:, :TOPX].reshape(-1)
    relation_indexes_sorted = jnp.stack(
        [src_sel[:, 0, :TOPX].reshape(-1), dst_sel[:, 0, :TOPX].reshape(-1)], axis=0)
    predicate_scores_out = psel[:, 0, :TOPX].reshape(-1)
    predicate_classes_out = csel[:, 0, :TOPX].reshape(-1)
    n_relations = jnp.full((B,), TOPX, dtype=jnp.int32)
    return (relation_scores_sorted, relation_indexes_sorted, predicate_scores_out,
            predicate_classes_out, n_relations)

# --- scband reference (transcript-rebuilt; emitter-appended) ---
"""Pipeline reference for scband-visual-relation-explainer-10041633538616 (READ-ONLY COPY).

The authoritative reference and input builder live on the scoring server;
editing this copy changes nothing except your own understanding.
"""

import jax, jax.numpy as jnp
import numpy as np

N = 2000; E = 16000; B = 8; D = 1024; C = 128; S = 7
H = 256; P = 50; TOPK_PRED = 10; TOPX_REL = 100
NPG = N // B; EPG = E // B


def setup_inputs(seed: int = 0) -> dict:
    key = jax.random.key(seed)
    ks = jax.random.split(key, 12)
    object_linear_features = jax.random.normal(ks[0], (N, D), dtype=jnp.float32)
    object_conv_features = jax.random.normal(ks[1], (N, C, S, S), dtype=jnp.float32)
    relation_linear_features = jax.random.normal(ks[2], (E, D), dtype=jnp.float32)
    object_scores = jax.random.uniform(ks[3], (N,), dtype=jnp.float32)
    batch = jnp.repeat(jnp.arange(B, dtype=jnp.int32), NPG)
    off_e = jnp.repeat(jnp.arange(B, dtype=jnp.int32), EPG) * NPG
    src = jax.random.randint(ks[4], (E,), 0, NPG, dtype=jnp.int32) + off_e
    dst = jax.random.randint(ks[5], (E,), 0, NPG, dtype=jnp.int32) + off_e
    relation_indexes = jnp.stack([src, dst], axis=0)
    W1 = jax.random.normal(ks[6], (D, H), dtype=jnp.float32) * 0.02
    W2 = jax.random.normal(ks[7], (C, H), dtype=jnp.float32) * 0.02
    W3 = jax.random.normal(ks[8], (D, H), dtype=jnp.float32) * 0.02
    Wout = jax.random.normal(ks[9], (H, P), dtype=jnp.float32) * 0.05
    return {
        'object_linear_features': object_linear_features,
        'object_conv_features': object_conv_features,
        'relation_linear_features': relation_linear_features,
        'object_scores': object_scores,
        'W1': W1, 'W2': W2, 'W3': W3, 'Wout': Wout,
        'batch': batch,
        'relation_indexes': relation_indexes,
    }


def reference(object_linear_features, object_conv_features, relation_linear_features,
              object_scores, W1, W2, W3, Wout, batch, relation_indexes):
    src = relation_indexes[0]
    dst = relation_indexes[1]
    e2g = batch[src]

    def model_logits(ol, cv, rl):
        # surrogate relation model: ROI conv pooled + linear feats -> per-graph predicate logits
        pooled = cv.reshape(cv.shape[0], cv.shape[1], -1).mean(axis=2)
        node = jax.nn.relu(ol @ W1 + pooled @ W2)
        edge = jax.nn.relu(rl @ W3)
        g = jax.ops.segment_sum(node, batch, num_segments=B) + jax.ops.segment_sum(edge, e2g, num_segments=B)
        return g @ Wout

    logits = model_logits(object_linear_features, object_conv_features, relation_linear_features)
    probs = jax.nn.sigmoid(logits)
    pred_scores_sorted, pred_classes_sorted = jax.lax.top_k(probs, TOPK_PRED)

    rn_cols = []
    re_cols = []
    for k in range(TOPK_PRED):
        cls_k = pred_classes_sorted[:, k]

        def score_k(ol, cv, rl):
            s = jax.nn.sigmoid(model_logits(ol, cv, rl))
            return jnp.take_along_axis(s, cls_k[:, None], axis=1).sum()

        g_ol, g_cv, g_rl = jax.grad(score_k, argnums=(0, 1, 2))(
            object_linear_features, object_conv_features, relation_linear_features)
        # _relevance_1d with activations=True: x * grad, then relu_sum
        rel_lin = jax.nn.relu(object_linear_features * g_ol).sum(axis=1)
        # _relevance_2d with activations=True, cam=True: channel-mean of grads
        ch_rel = g_cv.reshape(g_cv.shape[0], g_cv.shape[1], -1).mean(axis=2)
        rel2d = object_conv_features * ch_rel[:, :, None, None]
        rel_conv = jax.nn.relu(rel2d).reshape(rel2d.shape[0], -1).sum(axis=1)
        rn_cols.append(rel_lin + rel_conv)
        re_cols.append(jax.nn.relu(relation_linear_features * g_rl).sum(axis=1))

    relevance_nodes = jnp.stack(rn_cols, axis=1)
    relevance_edges = jnp.stack(re_cols, axis=1)

    ps_det = jax.lax.stop_gradient(pred_scores_sorted)
    relation_scores = relevance_nodes[src] * relevance_edges * relevance_nodes[dst] * ps_det[e2g]
    relation_scores = relation_scores * object_scores[src][:, None] * object_scores[dst][:, None]

    # scatter_topk_2d_flat: edges are grouped contiguously per graph (EPG each)
    flat = relation_scores.reshape(B, EPG * TOPK_PRED)
    top_vals, top_idx = jax.lax.top_k(flat, TOPX_REL)
    rel_idx = top_idx // TOPK_PRED + (jnp.arange(B) * EPG)[:, None]
    pred_idx = top_idx % TOPK_PRED

    relation_scores_sorted = top_vals.reshape(-1)
    relation_indexes_sorted = relation_indexes[:, rel_idx.reshape(-1)]
    predicate_scores_out = jnp.take_along_axis(ps_det, pred_idx, axis=1).reshape(-1)
    predicate_classes_out = jnp.take_along_axis(pred_classes_sorted, pred_idx, axis=1).reshape(-1)
    n_relations = jnp.full((B,), TOPX_REL, dtype=jnp.int32)
    return (relation_scores_sorted, relation_indexes_sorted, predicate_scores_out,
            predicate_classes_out, n_relations)

if __name__ == "__main__":
    import jax
    _d = setup_inputs()
    print(jax.jit(kernel)(*tuple(_d.values())))

</pallas_src>

<mosaic_0001>
#map = affine_map<(d0, d1) -> (0)>
#map1 = affine_map<(d0, d1) -> (0, 0)>
module attributes {stable_mosaic.version = 14 : i64} {
  func.func @_sc_score_body(%arg0: i32, %arg1: i32, %arg2: memref<32000xf32, #tpu.memory_space<hbm>>, %arg3: memref<32x512xi32, #tpu.memory_space<hbm>>, %arg4: memref<32x512xi32, #tpu.memory_space<hbm>>, %arg5: memref<32x8192xf32, #tpu.memory_space<hbm>>, %arg6: memref<32x5120xf32, #tpu.memory_space<hbm>>, %arg7: memref<32000xf32, #tpu.memory_space<vmem>>, %arg8: memref<512xi32, #tpu.memory_space<vmem>>, %arg9: memref<512xi32, #tpu.memory_space<vmem>>, %arg10: memref<8192xf32, #tpu.memory_space<vmem>>, %arg11: memref<5120xf32, #tpu.memory_space<vmem>>) attributes {dimension_semantics = [#tpu.dimension_semantics<core_parallel>, #tpu.dimension_semantics<subcore_parallel>], iteration_bounds = array<i64: 2, 16>, scalar_prefetch = 0 : i64, scratch_operands = 5 : i64, tpu.core_type = #tpu.core_type<sc_vector_subcore>, window_params = [{transform_indices = #map}, {transform_indices = #map1}, {transform_indices = #map1}, {transform_indices = #map1}, {transform_indices = #map1}]} {
    %mul3A = arith.constant 2 : i32
    %mul3A_0 = arith.muli %arg1, %mul3A : i32
    %add3A = arith.addi %mul3A_0, %arg0 : i32
    "tpu.region"() ({
      %run_scoped3A = tpu.sem_alloc : memref<!tpu.dma_semaphore, #tpu.memory_space<semaphore_mem>>
      tpu.enqueue_dma source(%arg2 : memref<32000xf32, #tpu.memory_space<hbm>>) target(%arg7 : memref<32000xf32, #tpu.memory_space<vmem>>) target_semaphore(%run_scoped3A : memref<!tpu.dma_semaphore, #tpu.memory_space<semaphore_mem>>)
      tpu.wait_dma2 semaphore(%run_scoped3A : memref<!tpu.dma_semaphore, #tpu.memory_space<semaphore_mem>>) src(%arg2 : memref<32000xf32, #tpu.memory_space<hbm>>) dst(%arg7 : memref<32000xf32, #tpu.memory_space<vmem>>)
      tpu.yield
    }) : () -> ()
    "tpu.region"() ({
      %run_scoped3A = tpu.sem_alloc : memref<!tpu.dma_semaphore, #tpu.memory_space<semaphore_mem>>
      %dma_start3A = arith.constant 0 : i32
      %dma_start3A_6 = tpu.memref_slice %arg3[%add3A, %dma_start3A] : memref<32x512xi32, #tpu.memory_space<hbm>> -> memref<1x512xi32, #tpu.memory_space<hbm>>
      %dma_start3A_7 = tpu.memref_squeeze %dma_start3A_6 : memref<1x512xi32, #tpu.memory_space<hbm>> -> memref<512xi32, #tpu.memory_space<hbm>>
      %dma_start3A_8 = arith.constant 0 : i32
      %dma_start3A_9 = tpu.memref_slice %arg3[%add3A, %dma_start3A_8] : memref<32x512xi32, #tpu.memory_space<hbm>> -> memref<1x512xi32, #tpu.memory_space<hbm>>
      %dma_start3A_10 = tpu.memref_squeeze %dma_start3A_9 : memref<1x512xi32, #tpu.memory_space<hbm>> -> memref<512xi32, #tpu.memory_space<hbm>>
      tpu.enqueue_dma source(%dma_start3A_10 : memref<512xi32, #tpu.memory_space<hbm>>) target(%arg8 : memref<512xi32, #tpu.memory_space<vmem>>) target_semaphore(%run_scoped3A : memref<!tpu.dma_semaphore, #tpu.memory_space<semaphore_mem>>)
      %dma_wait3A = arith.constant 0 : i32
      %dma_wait3A_11 = tpu.memref_slice %arg3[%add3A, %dma_wait3A] : memref<32x512xi32, #tpu.memory_space<hbm>> -> memref<1x512xi32, #tpu.memory_space<hbm>>
      %dma_wait3A_12 = tpu.memref_squeeze %dma_wait3A_11 : memref<1x512xi32, #tpu.memory_space<hbm>> -> memref<512xi32, #tpu.memory_space<hbm>>
      %dma_wait3A_13 = arith.constant 0 : i32
      %dma_wait3A_14 = tpu.memref_slice %arg3[%add3A, %dma_wait3A_13] : memref<32x512xi32, #tpu.memory_space<hbm>> -> memref<1x512xi32, #tpu.memory_space<hbm>>
      %dma_wait3A_15 = tpu.memref_squeeze %dma_wait3A_14 : memref<1x512xi32, #tpu.memory_space<hbm>> -> memref<512xi32, #tpu.memory_space<hbm>>
      tpu.wait_dma2 semaphore(%run_scoped3A : memref<!tpu.dma_semaphore, #tpu.memory_space<semaphore_mem>>) src(%dma_wait3A_15 : memref<512xi32, #tpu.memory_space<hbm>>) dst(%arg8 : memref<512xi32, #tpu.memory_space<vmem>>)
      tpu.yield
    }) : () -> ()
    "tpu.region"() ({
      %run_scoped3A = tpu.sem_alloc : memref<!tpu.dma_semaphore, #tpu.memory_space<semaphore_mem>>
      %dma_start3A = arith.constant 0 : i32
      %dma_start3A_6 = tpu.memref_slice %arg4[%add3A, %dma_start3A] : memref<32x512xi32, #tpu.memory_space<hbm>> -> memref<1x512xi32, #tpu.memory_space<hbm>>
      %dma_start3A_7 = tpu.memref_squeeze %dma_start3A_6 : memref<1x512xi32, #tpu.memory_space<hbm>> -> memref<512xi32, #tpu.memory_space<hbm>>
      %dma_start3A_8 = arith.constant 0 : i32
      %dma_start3A_9 = tpu.memref_slice %arg4[%add3A, %dma_start3A_8] : memref<32x512xi32, #tpu.memory_space<hbm>> -> memref<1x512xi32, #tpu.memory_space<hbm>>
      %dma_start3A_10 = tpu.memref_squeeze %dma_start3A_9 : memref<1x512xi32, #tpu.memory_space<hbm>> -> memref<512xi32, #tpu.memory_space<hbm>>
      tpu.enqueue_dma source(%dma_start3A_10 : memref<512xi32, #tpu.memory_space<hbm>>) target(%arg9 : memref<512xi32, #tpu.memory_space<vmem>>) target_semaphore(%run_scoped3A : memref<!tpu.dma_semaphore, #tpu.memory_space<semaphore_mem>>)
      %dma_wait3A = arith.constant 0 : i32
      %dma_wait3A_11 = tpu.memref_slice %arg4[%add3A, %dma_wait3A] : memref<32x512xi32, #tpu.memory_space<hbm>> -> memref<1x512xi32, #tpu.memory_space<hbm>>
      %dma_wait3A_12 = tpu.memref_squeeze %dma_wait3A_11 : memref<1x512xi32, #tpu.memory_space<hbm>> -> memref<512xi32, #tpu.memory_space<hbm>>
      %dma_wait3A_13 = arith.constant 0 : i32
      %dma_wait3A_14 = tpu.memref_slice %arg4[%add3A, %dma_wait3A_13] : memref<32x512xi32, #tpu.memory_space<hbm>> -> memref<1x512xi32, #tpu.memory_space<hbm>>
      %dma_wait3A_15 = tpu.memref_squeeze %dma_wait3A_14 : memref<1x512xi32, #tpu.memory_space<hbm>> -> memref<512xi32, #tpu.memory_space<hbm>>
      tpu.wait_dma2 semaphore(%run_scoped3A : memref<!tpu.dma_semaphore, #tpu.memory_space<semaphore_mem>>) src(%dma_wait3A_15 : memref<512xi32, #tpu.memory_space<hbm>>) dst(%arg9 : memref<512xi32, #tpu.memory_space<vmem>>)
      tpu.yield
    }) : () -> ()
    "tpu.region"() ({
      %run_scoped3A = tpu.sem_alloc : memref<!tpu.dma_semaphore, #tpu.memory_space<semaphore_mem>>
      %dma_start3A = arith.constant 0 : i32
      %dma_start3A_6 = tpu.memref_slice %arg5[%add3A, %dma_start3A] : memref<32x8192xf32, #tpu.memory_space<hbm>> -> memref<1x8192xf32, #tpu.memory_space<hbm>>
      %dma_start3A_7 = tpu.memref_squeeze %dma_start3A_6 : memref<1x8192xf32, #tpu.memory_space<hbm>> -> memref<8192xf32, #tpu.memory_space<hbm>>
      %dma_start3A_8 = arith.constant 0 : i32
      %dma_start3A_9 = tpu.memref_slice %arg5[%add3A, %dma_start3A_8] : memref<32x8192xf32, #tpu.memory_space<hbm>> -> memref<1x8192xf32, #tpu.memory_space<hbm>>
      %dma_start3A_10 = tpu.memref_squeeze %dma_start3A_9 : memref<1x8192xf32, #tpu.memory_space<hbm>> -> memref<8192xf32, #tpu.memory_space<hbm>>
      tpu.enqueue_dma source(%dma_start3A_10 : memref<8192xf32, #tpu.memory_space<hbm>>) target(%arg10 : memref<8192xf32, #tpu.memory_space<vmem>>) target_semaphore(%run_scoped3A : memref<!tpu.dma_semaphore, #tpu.memory_space<semaphore_mem>>)
      %dma_wait3A = arith.constant 0 : i32
      %dma_wait3A_11 = tpu.memref_slice %arg5[%add3A, %dma_wait3A] : memref<32x8192xf32, #tpu.memory_space<hbm>> -> memref<1x8192xf32, #tpu.memory_space<hbm>>
      %dma_wait3A_12 = tpu.memref_squeeze %dma_wait3A_11 : memref<1x8192xf32, #tpu.memory_space<hbm>> -> memref<8192xf32, #tpu.memory_space<hbm>>
      %dma_wait3A_13 = arith.constant 0 : i32
      %dma_wait3A_14 = tpu.memref_slice %arg5[%add3A, %dma_wait3A_13] : memref<32x8192xf32, #tpu.memory_space<hbm>> -> memref<1x8192xf32, #tpu.memory_space<hbm>>
      %dma_wait3A_15 = tpu.memref_squeeze %dma_wait3A_14 : memref<1x8192xf32, #tpu.memory_space<hbm>> -> memref<8192xf32, #tpu.memory_space<hbm>>
      tpu.wait_dma2 semaphore(%run_scoped3A : memref<!tpu.dma_semaphore, #tpu.memory_space<semaphore_mem>>) src(%dma_wait3A_15 : memref<8192xf32, #tpu.memory_space<hbm>>) dst(%arg10 : memref<8192xf32, #tpu.memory_space<vmem>>)
      tpu.yield
    }) : () -> ()
    %iota3A = tpu.iota {dimensions = array<i32: 0>} : vector<16xi32>
    %scan3A = arith.constant 0 : i32
    %scan3A_1 = arith.constant 0 : i32
    %scan3A_2 = arith.constant 32 : i32
    %scan3A_3 = arith.addi %scan3A_1, %scan3A_2 : i32
    %scan3A_4 = arith.constant 1 : i32
    scf.for %scan3A_6 = %scan3A_1 to %scan3A_3 step %scan3A_4  : i32 {
      %mul3A_7 = arith.constant 16 : i32
      %mul3A_8 = arith.muli %scan3A_6, %mul3A_7 : i32
      %add3A_9 = vector.broadcast %mul3A_8 : i32 to vector<16xi32>
      %add3A_10 = arith.addi %add3A_9, %iota3A : vector<16xi32>
      %mul3A_11 = arith.constant 16 : i32
      %mul3A_12 = arith.muli %scan3A_6, %mul3A_11 : i32
      %get3A = arith.index_cast %mul3A_12 : i32 to index
      %get3A_13 = tpu.vector_load %arg8[%get3A] {strides = array<i32>} : memref<512xi32, #tpu.memory_space<vmem>>, vector<16xi32>,
      %mul3A_14 = arith.constant 16 : i32
      %mul3A_15 = vector.broadcast %mul3A_14 : i32 to vector<16xi32>
      %mul3A_16 = arith.muli %get3A_13, %mul3A_15 : vector<16xi32>
      %mul3A_17 = arith.constant 16 : i32
      %mul3A_18 = arith.muli %scan3A_6, %mul3A_17 : i32
      %get3A_19 = arith.index_cast %mul3A_18 : i32 to index
      %get3A_20 = tpu.vector_load %arg9[%get3A_19] {strides = array<i32>} : memref<512xi32, #tpu.memory_space<vmem>>, vector<16xi32>,
      %mul3A_21 = arith.constant 16 : i32
      %mul3A_22 = vector.broadcast %mul3A_21 : i32 to vector<16xi32>
      %mul3A_23 = arith.muli %get3A_20, %mul3A_22 : vector<16xi32>
      %add3A_24 = arith.constant 10 : i32
      %add3A_25 = vector.broadcast %add3A_24 : i32 to vector<16xi32>
      %add3A_26 = arith.addi %mul3A_16, %add3A_25 : vector<16xi32>
      %gather3A = tpu.vector_load_idx %arg7[%add3A_26] : memref<32000xf32, #tpu.memory_space<vmem>>[vector<16xi32>], vector<16xf32>,
      %add3A_27 = arith.constant 10 : i32
      %add3A_28 = vector.broadcast %add3A_27 : i32 to vector<16xi32>
      %add3A_29 = arith.addi %mul3A_23, %add3A_28 : vector<16xi32>
      %gather3A_30 = tpu.vector_load_idx %arg7[%add3A_29] : memref<32000xf32, #tpu.memory_space<vmem>>[vector<16xi32>], vector<16xf32>,
      %mul3A_31 = arith.mulf %gather3A, %gather3A_30 : vector<16xf32>
      %mul3A_32 = arith.constant 16 : i32
      %mul3A_33 = vector.broadcast %mul3A_32 : i32 to vector<16xi32>
      %mul3A_34 = arith.muli %add3A_10, %mul3A_33 : vector<16xi32>
      %mul3A_35 = arith.constant 10 : i32
      %mul3A_36 = vector.broadcast %mul3A_35 : i32 to vector<16xi32>
      %mul3A_37 = arith.muli %add3A_10, %mul3A_36 : vector<16xi32>
      %add3A_38 = arith.constant 0 : i32
      %add3A_39 = vector.broadcast %add3A_38 : i32 to vector<16xi32>
      %add3A_40 = arith.addi %mul3A_16, %add3A_39 : vector<16xi32>
      %gather3A_41 = tpu.vector_load_idx %arg7[%add3A_40] : memref<32000xf32, #tpu.memory_space<vmem>>[vector<16xi32>], vector<16xf32>,
      %add3A_42 = arith.constant 0 : i32
      %add3A_43 = vector.broadcast %add3A_42 : i32 to vector<16xi32>
      %add3A_44 = arith.addi %mul3A_23, %add3A_43 : vector<16xi32>
      %gather3A_45 = tpu.vector_load_idx %arg7[%add3A_44] : memref<32000xf32, #tpu.memory_space<vmem>>[vector<16xi32>], vector<16xf32>,
      %add3A_46 = arith.constant 0 : i32
      %add3A_47 = vector.broadcast %add3A_46 : i32 to vector<16xi32>
      %add3A_48 = arith.addi %mul3A_34, %add3A_47 : vector<16xi32>
      %gather3A_49 = tpu.vector_load_idx %arg10[%add3A_48] : memref<8192xf32, #tpu.memory_space<vmem>>[vector<16xi32>], vector<16xf32>,
      %mul3A_50 = arith.mulf %gather3A_41, %gather3A_45 : vector<16xf32>
      %mul3A_51 = arith.mulf %mul3A_50, %gather3A_49 : vector<16xf32>
      %mul3A_52 = arith.mulf %mul3A_51, %mul3A_31 : vector<16xf32>
      %add3A_53 = arith.constant 0 : i32
      %add3A_54 = vector.broadcast %add3A_53 : i32 to vector<16xi32>
      %add3A_55 = arith.addi %mul3A_37, %add3A_54 : vector<16xi32>
      tpu.vector_store_idx %arg11[%add3A_55], %mul3A_52 : memref<5120xf32, #tpu.memory_space<vmem>>[vector<16xi32>], vector<16xf32>,
      %add3A_56 = arith.constant 1 : i32
      %add3A_57 = vector.broadcast %add3A_56 : i32 to vector<16xi32>
      %add3A_58 = arith.addi %mul3A_16, %add3A_57 : vector<16xi32>
      %gather3A_59 = tpu.vector_load_idx %arg7[%add3A_58] : memref<32000xf32, #tpu.memory_space<vmem>>[vector<16xi32>], vector<16xf32>,
      %add3A_60 = arith.constant 1 : i32
      %add3A_61 = vector.broadcast %add3A_60 : i32 to vector<16xi32>
      %add3A_62 = arith.addi %mul3A_23, %add3A_61 : vector<16xi32>
      %gather3A_63 = tpu.vector_load_idx %arg7[%add3A_62] : memref<32000xf32, #tpu.memory_space<vmem>>[vector<16xi32>], vector<16xf32>,
      %add3A_64 = arith.constant 1 : i32
      %add3A_65 = vector.broadcast %add3A_64 : i32 to vector<16xi32>
      %add3A_66 = arith.addi %mul3A_34, %add3A_65 : vector<16xi32>
      %gather3A_67 = tpu.vector_load_idx %arg10[%add3A_66] : memref<8192xf32, #tpu.memory_space<vmem>>[vector<16xi32>], vector<16xf32>,
      %mul3A_68 = arith.mulf %gather3A_59, %gather3A_63 : vector<16xf32>
      %mul3A_69 = arith.mulf %mul3A_68, %gather3A_67 : vector<16xf32>
      %mul3A_70 = arith.mulf %mul3A_69, %mul3A_31 : vector<16xf32>
      %add3A_71 = arith.constant 1 : i32
      %add3A_72 = vector.broadcast %add3A_71 : i32 to vector<16xi32>
      %add3A_73 = arith.addi %mul3A_37, %add3A_72 : vector<16xi32>
      tpu.vector_store_idx %arg11[%add3A_73], %mul3A_70 : memref<5120xf32, #tpu.memory_space<vmem>>[vector<16xi32>], vector<16xf32>,
      %add3A_74 = arith.constant 2 : i32
      %add3A_75 = vector.broadcast %add3A_74 : i32 to vector<16xi32>
      %add3A_76 = arith.addi %mul3A_16, %add3A_75 : vector<16xi32>
      %gather3A_77 = tpu.vector_load_idx %arg7[%add3A_76] : memref<32000xf32, #tpu.memory_space<vmem>>[vector<16xi32>], vector<16xf32>,
      %add3A_78 = arith.constant 2 : i32
      %add3A_79 = vector.broadcast %add3A_78 : i32 to vector<16xi32>
      %add3A_80 = arith.addi %mul3A_23, %add3A_79 : vector<16xi32>
      %gather3A_81 = tpu.vector_load_idx %arg7[%add3A_80] : memref<32000xf32, #tpu.memory_space<vmem>>[vector<16xi32>], vector<16xf32>,
      %add3A_82 = arith.constant 2 : i32
      %add3A_83 = vector.broadcast %add3A_82 : i32 to vector<16xi32>
      %add3A_84 = arith.addi %mul3A_34, %add3A_83 : vector<16xi32>
      %gather3A_85 = tpu.vector_load_idx %arg10[%add3A_84] : memref<8192xf32, #tpu.memory_space<vmem>>[vector<16xi32>], vector<16xf32>,
      %mul3A_86 = arith.mulf %gather3A_77, %gather3A_81 : vector<16xf32>
      %mul3A_87 = arith.mulf %mul3A_86, %gather3A_85 : vector<16xf32>
      %mul3A_88 = arith.mulf %mul3A_87, %mul3A_31 : vector<16xf32>
      %add3A_89 = arith.constant 2 : i32
      %add3A_90 = vector.broadcast %add3A_89 : i32 to vector<16xi32>
      %add3A_91 = arith.addi %mul3A_37, %add3A_90 : vector<16xi32>
      tpu.vector_store_idx %arg11[%add3A_91], %mul3A_88 : memref<5120xf32, #tpu.memory_space<vmem>>[vector<16xi32>], vector<16xf32>,
      %add3A_92 = arith.constant 3 : i32
      %add3A_93 = vector.broadcast %add3A_92 : i32 to vector<16xi32>
      %add3A_94 = arith.addi %mul3A_16, %add3A_93 : vector<16xi32>
      %gather3A_95 = tpu.vector_load_idx %arg7[%add3A_94] : memref<32000xf32, #tpu.memory_space<vmem>>[vector<16xi32>], vector<16xf32>,
      %add3A_96 = arith.constant 3 : i32
      %add3A_97 = vector.broadcast %add3A_96 : i32 to vector<16xi32>
      %add3A_98 = arith.addi %mul3A_23, %add3A_97 : vector<16xi32>
      %gather3A_99 = tpu.vector_load_idx %arg7[%add3A_98] : memref<32000xf32, #tpu.memory_space<vmem>>[vector<16xi32>], vector<16xf32>,
      %add3A_100 = arith.constant 3 : i32
      %add3A_101 = vector.broadcast %add3A_100 : i32 to vector<16xi32>
      %add3A_102 = arith.addi %mul3A_34, %add3A_101 : vector<16xi32>
      %gather3A_103 = tpu.vector_load_idx %arg10[%add3A_102] : memref<8192xf32, #tpu.memory_space<vmem>>[vector<16xi32>], vector<16xf32>,
      %mul3A_104 = arith.mulf %gather3A_95, %gather3A_99 : vector<16xf32>
      %mul3A_105 = arith.mulf %mul3A_104, %gather3A_103 : vector<16xf32>
      %mul3A_106 = arith.mulf %mul3A_105, %mul3A_31 : vector<16xf32>
      %add3A_107 = arith.constant 3 : i32
      %add3A_108 = vector.broadcast %add3A_107 : i32 to vector<16xi32>
      %add3A_109 = arith.addi %mul3A_37, %add3A_108 : vector<16xi32>
      tpu.vector_store_idx %arg11[%add3A_109], %mul3A_106 : memref<5120xf32, #tpu.memory_space<vmem>>[vector<16xi32>], vector<16xf32>,
      %add3A_110 = arith.constant 4 : i32
      %add3A_111 = vector.broadcast %add3A_110 : i32 to vector<16xi32>
      %add3A_112 = arith.addi %mul3A_16, %add3A_111 : vector<16xi32>
      %gather3A_113 = tpu.vector_load_idx %arg7[%add3A_112] : memref<32000xf32, #tpu.memory_space<vmem>>[vector<16xi32>], vector<16xf32>,
      %add3A_114 = arith.constant 4 : i32
      %add3A_115 = vector.broadcast %add3A_114 : i32 to vector<16xi32>
      %add3A_116 = arith.addi %mul3A_23, %add3A_115 : vector<16xi32>
      %gather3A_117 = tpu.vector_load_idx %arg7[%add3A_116] : memref<32000xf32, #tpu.memory_space<vmem>>[vector<16xi32>], vector<16xf32>,
      %add3A_118 = arith.constant 4 : i32
      %add3A_119 = vector.broadcast %add3A_118 : i32 to vector<16xi32>
      %add3A_120 = arith.addi %mul3A_34, %add3A_119 : vector<16xi32>
      %gather3A_121 = tpu.vector_load_idx %arg10[%add3A_120] : memref<8192xf32, #tpu.memory_space<vmem>>[vector<16xi32>], vector<16xf32>,
      %mul3A_122 = arith.mulf %gather3A_113, %gather3A_117 : vector<16xf32>
      %mul3A_123 = arith.mulf %mul3A_122, %gather3A_121 : vector<16xf32>
      %mul3A_124 = arith.mulf %mul3A_123, %mul3A_31 : vector<16xf32>
      %add3A_125 = arith.constant 4 : i32
      %add3A_126 = vector.broadcast %add3A_125 : i32 to vector<16xi32>
      %add3A_127 = arith.addi %mul3A_37, %add3A_126 : vector<16xi32>
      tpu.vector_store_idx %arg11[%add3A_127], %mul3A_124 : memref<5120xf32, #tpu.memory_space<vmem>>[vector<16xi32>], vector<16xf32>,
      %add3A_128 = arith.constant 5 : i32
      %add3A_129 = vector.broadcast %add3A_128 : i32 to vector<16xi32>
      %add3A_130 = arith.addi %mul3A_16, %add3A_129 : vector<16xi32>
      %gather3A_131 = tpu.vector_load_idx %arg7[%add3A_130] : memref<32000xf32, #tpu.memory_space<vmem>>[vector<16xi32>], vector<16xf32>,
      %add3A_132 = arith.constant 5 : i32
      %add3A_133 = vector.broadcast %add3A_132 : i32 to vector<16xi32>
      %add3A_134 = arith.addi %mul3A_23, %add3A_133 : vector<16xi32>
      %gather3A_135 = tpu.vector_load_idx %arg7[%add3A_134] : memref<32000xf32, #tpu.memory_space<vmem>>[vector<16xi32>], vector<16xf32>,
      %add3A_136 = arith.constant 5 : i32
      %add3A_137 = vector.broadcast %add3A_136 : i32 to vector<16xi32>
      %add3A_138 = arith.addi %mul3A_34, %add3A_137 : vector<16xi32>
      %gather3A_139 = tpu.vector_load_idx %arg10[%add3A_138] : memref<8192xf32, #tpu.memory_space<vmem>>[vector<16xi32>], vector<16xf32>,
      %mul3A_140 = arith.mulf %gather3A_131, %gather3A_135 : vector<16xf32>
      %mul3A_141 = arith.mulf %mul3A_140, %gather3A_139 : vector<16xf32>
      %mul3A_142 = arith.mulf %mul3A_141, %mul3A_31 : vector<16xf32>
      %add3A_143 = arith.constant 5 : i32
      %add3A_144 = vector.broadcast %add3A_143 : i32 to vector<16xi32>
      %add3A_145 = arith.addi %mul3A_37, %add3A_144 : vector<16xi32>
      tpu.vector_store_idx %arg11[%add3A_145], %mul3A_142 : memref<5120xf32, #tpu.memory_space<vmem>>[vector<16xi32>], vector<16xf32>,
      %add3A_146 = arith.constant 6 : i32
      %add3A_147 = vector.broadcast %add3A_146 : i32 to vector<16xi32>
      %add3A_148 = arith.addi %mul3A_16, %add3A_147 : vector<16xi32>
      %gather3A_149 = tpu.vector_load_idx %arg7[%add3A_148] : memref<32000xf32, #tpu.memory_space<vmem>>[vector<16xi32>], vector<16xf32>,
      %add3A_150 = arith.constant 6 : i32
      %add3A_151 = vector.broadcast %add3A_150 : i32 to vector<16xi32>
      %add3A_152 = arith.addi %mul3A_23, %add3A_151 : vector<16xi32>
      %gather3A_153 = tpu.vector_load_idx %arg7[%add3A_152] : memref<32000xf32, #tpu.memory_space<vmem>>[vector<16xi32>], vector<16xf32>,
      %add3A_154 = arith.constant 6 : i32
      %add3A_155 = vector.broadcast %add3A_154 : i32 to vector<16xi32>
      %add3A_156 = arith.addi %mul3A_34, %add3A_155 : vector<16xi32>
      %gather3A_157 = tpu.vector_load_idx %arg10[%add3A_156] : memref<8192xf32, #tpu.memory_space<vmem>>[vector<16xi32>], vector<16xf32>,
      %mul3A_158 = arith.mulf %gather3A_149, %gather3A_153 : vector<16xf32>
      %mul3A_159 = arith.mulf %mul3A_158, %gather3A_157 : vector<16xf32>
      %mul3A_160 = arith.mulf %mul3A_159, %mul3A_31 : vector<16xf32>
      %add3A_161 = arith.constant 6 : i32
      %add3A_162 = vector.broadcast %add3A_161 : i32 to vector<16xi32>
      %add3A_163 = arith.addi %mul3A_37, %add3A_162 : vector<16xi32>
      tpu.vector_store_idx %arg11[%add3A_163], %mul3A_160 : memref<5120xf32, #tpu.memory_space<vmem>>[vector<16xi32>], vector<16xf32>,
      %add3A_164 = arith.constant 7 : i32
      %add3A_165 = vector.broadcast %add3A_164 : i32 to vector<16xi32>
      %add3A_166 = arith.addi %mul3A_16, %add3A_165 : vector<16xi32>
      %gather3A_167 = tpu.vector_load_idx %arg7[%add3A_166] : memref<32000xf32, #tpu.memory_space<vmem>>[vector<16xi32>], vector<16xf32>,
      %add3A_168 = arith.constant 7 : i32
      %add3A_169 = vector.broadcast %add3A_168 : i32 to vector<16xi32>
      %add3A_170 = arith.addi %mul3A_23, %add3A_169 : vector<16xi32>
      %gather3A_171 = tpu.vector_load_idx %arg7[%add3A_170] : memref<32000xf32, #tpu.memory_space<vmem>>[vector<16xi32>], vector<16xf32>,
      %add3A_172 = arith.constant 7 : i32
      %add3A_173 = vector.broadcast %add3A_172 : i32 to vector<16xi32>
      %add3A_174 = arith.addi %mul3A_34, %add3A_173 : vector<16xi32>
      %gather3A_175 = tpu.vector_load_idx %arg10[%add3A_174] : memref<8192xf32, #tpu.memory_space<vmem>>[vector<16xi32>], vector<16xf32>,
      %mul3A_176 = arith.mulf %gather3A_167, %gather3A_171 : vector<16xf32>
      %mul3A_177 = arith.mulf %mul3A_176, %gather3A_175 : vector<16xf32>
      %mul3A_178 = arith.mulf %mul3A_177, %mul3A_31 : vector<16xf32>
      %add3A_179 = arith.constant 7 : i32
      %add3A_180 = vector.broadcast %add3A_179 : i32 to vector<16xi32>
      %add3A_181 = arith.addi %mul3A_37, %add3A_180 : vector<16xi32>
      tpu.vector_store_idx %arg11[%add3A_181], %mul3A_178 : memref<5120xf32, #tpu.memory_space<vmem>>[vector<16xi32>], vector<16xf32>,
      %add3A_182 = arith.constant 8 : i32
      %add3A_183 = vector.broadcast %add3A_182 : i32 to vector<16xi32>
      %add3A_184 = arith.addi %mul3A_16, %add3A_183 : vector<16xi32>
      %gather3A_185 = tpu.vector_load_idx %arg7[%add3A_184] : memref<32000xf32, #tpu.memory_space<vmem>>[vector<16xi32>], vector<16xf32>,
      %add3A_186 = arith.constant 8 : i32
      %add3A_187 = vector.broadcast %add3A_186 : i32 to vector<16xi32>
      %add3A_188 = arith.addi %mul3A_23, %add3A_187 : vector<16xi32>
      %gather3A_189 = tpu.vector_load_idx %arg7[%add3A_188] : memref<32000xf32, #tpu.memory_space<vmem>>[vector<16xi32>], vector<16xf32>,
      %add3A_190 = arith.constant 8 : i32
      %add3A_191 = vector.broadcast %add3A_190 : i32 to vector<16xi32>
      %add3A_192 = arith.addi %mul3A_34, %add3A_191 : vector<16xi32>
      %gather3A_193 = tpu.vector_load_idx %arg10[%add3A_192] : memref<8192xf32, #tpu.memory_space<vmem>>[vector<16xi32>], vector<16xf32>,
      %mul3A_194 = arith.mulf %gather3A_185, %gather3A_189 : vector<16xf32>
      %mul3A_195 = arith.mulf %mul3A_194, %gather3A_193 : vector<16xf32>
      %mul3A_196 = arith.mulf %mul3A_195, %mul3A_31 : vector<16xf32>
      %add3A_197 = arith.constant 8 : i32
      %add3A_198 = vector.broadcast %add3A_197 : i32 to vector<16xi32>
      %add3A_199 = arith.addi %mul3A_37, %add3A_198 : vector<16xi32>
      tpu.vector_store_idx %arg11[%add3A_199], %mul3A_196 : memref<5120xf32, #tpu.memory_space<vmem>>[vector<16xi32>], vector<16xf32>,
      %add3A_200 = arith.constant 9 : i32
      %add3A_201 = vector.broadcast %add3A_200 : i32 to vector<16xi32>
      %add3A_202 = arith.addi %mul3A_16, %add3A_201 : vector<16xi32>
      %gather3A_203 = tpu.vector_load_idx %arg7[%add3A_202] : memref<32000xf32, #tpu.memory_space<vmem>>[vector<16xi32>], vector<16xf32>,
      %add3A_204 = arith.constant 9 : i32
      %add3A_205 = vector.broadcast %add3A_204 : i32 to vector<16xi32>
      %add3A_206 = arith.addi %mul3A_23, %add3A_205 : vector<16xi32>
      %gather3A_207 = tpu.vector_load_idx %arg7[%add3A_206] : memref<32000xf32, #tpu.memory_space<vmem>>[vector<16xi32>], vector<16xf32>,
      %add3A_208 = arith.constant 9 : i32
      %add3A_209 = vector.broadcast %add3A_208 : i32 to vector<16xi32>
      %add3A_210 = arith.addi %mul3A_34, %add3A_209 : vector<16xi32>
      %gather3A_211 = tpu.vector_load_idx %arg10[%add3A_210] : memref<8192xf32, #tpu.memory_space<vmem>>[vector<16xi32>], vector<16xf32>,
      %mul3A_212 = arith.mulf %gather3A_203, %gather3A_207 : vector<16xf32>
      %mul3A_213 = arith.mulf %mul3A_212, %gather3A_211 : vector<16xf32>
      %mul3A_214 = arith.mulf %mul3A_213, %mul3A_31 : vector<16xf32>
      %add3A_215 = arith.constant 9 : i32
      %add3A_216 = vector.broadcast %add3A_215 : i32 to vector<16xi32>
      %add3A_217 = arith.addi %mul3A_37, %add3A_216 : vector<16xi32>
      tpu.vector_store_idx %arg11[%add3A_217], %mul3A_214 : memref<5120xf32, #tpu.memory_space<vmem>>[vector<16xi32>], vector<16xf32>,
    }
    %scan3A_5 = arith.constant 32 : i32
    "tpu.region"() ({
      %run_scoped3A = tpu.sem_alloc : memref<!tpu.dma_semaphore, #tpu.memory_space<semaphore_mem>>
      %dma_start3A = arith.constant 0 : i32
      %dma_start3A_6 = tpu.memref_slice %arg6[%add3A, %dma_start3A] : memref<32x5120xf32, #tpu.memory_space<hbm>> -> memref<1x5120xf32, #tpu.memory_space<hbm>>
      %dma_start3A_7 = tpu.memref_squeeze %dma_start3A_6 : memref<1x5120xf32, #tpu.memory_space<hbm>> -> memref<5120xf32, #tpu.memory_space<hbm>>
      %dma_start3A_8 = arith.constant 0 : i32
      %dma_start3A_9 = tpu.memref_slice %arg6[%add3A, %dma_start3A_8] : memref<32x5120xf32, #tpu.memory_space<hbm>> -> memref<1x5120xf32, #tpu.memory_space<hbm>>
      %dma_start3A_10 = tpu.memref_squeeze %dma_start3A_9 : memref<1x5120xf32, #tpu.memory_space<hbm>> -> memref<5120xf32, #tpu.memory_space<hbm>>
      tpu.enqueue_dma source(%arg11 : memref<5120xf32, #tpu.memory_space<vmem>>) target(%dma_start3A_10 : memref<5120xf32, #tpu.memory_space<hbm>>) target_semaphore(%run_scoped3A : memref<!tpu.dma_semaphore, #tpu.memory_space<semaphore_mem>>)
      %dma_wait3A = arith.constant 0 : i32
      %dma_wait3A_11 = tpu.memref_slice %arg6[%add3A, %dma_wait3A] : memref<32x5120xf32, #tpu.memory_space<hbm>> -> memref<1x5120xf32, #tpu.memory_space<hbm>>
      %dma_wait3A_12 = tpu.memref_squeeze %dma_wait3A_11 : memref<1x5120xf32, #tpu.memory_space<hbm>> -> memref<5120xf32, #tpu.memory_space<hbm>>
      %dma_wait3A_13 = arith.constant 0 : i32
      %dma_wait3A_14 = tpu.memref_slice %arg6[%add3A, %dma_wait3A_13] : memref<32x5120xf32, #tpu.memory_space<hbm>> -> memref<1x5120xf32, #tpu.memory_space<hbm>>
      %dma_wait3A_15 = tpu.memref_squeeze %dma_wait3A_14 : memref<1x5120xf32, #tpu.memory_space<hbm>> -> memref<5120xf32, #tpu.memory_space<hbm>>
      tpu.wait_dma2 semaphore(%run_scoped3A : memref<!tpu.dma_semaphore, #tpu.memory_space<semaphore_mem>>) src(%arg11 : memref<5120xf32, #tpu.memory_space<vmem>>) dst(%dma_wait3A_15 : memref<5120xf32, #tpu.memory_space<hbm>>)
      tpu.yield
    }) : () -> ()
    return
  }
}

module attributes {stable_mosaic.version = 14 : i64} {
  func.func @_conv_stats_body(%arg0: i32, %arg1: memref<400x6272xf32, #tpu.memory_space<vmem>>, %arg2: memref<400x128xf32, #tpu.memory_space<vmem>>, %arg3: memref<400x128xf32, #tpu.memory_space<vmem>>, %arg4: memref<400x128xf32, #tpu.memory_space<vmem>>, %arg5: memref<6272x128xf32, #tpu.memory_space<vmem>>) attributes {dimension_semantics = [#tpu.dimension_semantics<arbitrary>], iteration_bounds = array<i64: 5>, scalar_prefetch = 0 : i64, scratch_operands = 1 : i64, tpu.core_type = #tpu.core_type<tc>, window_params = [{transform_indices = @transform_0, window_bounds = array<i64: 400, 6272>}, {transform_indices = @transform_1, window_bounds = array<i64: 400, 128>}, {transform_indices = @transform_2, window_bounds = array<i64: 400, 128>}, {transform_indices = @transform_3, window_bounds = array<i64: 400, 128>}]} {
    %eq3A = arith.constant 0 : i32
    %eq3A_0 = arith.cmpi eq, %arg0, %eq3A : i32
    %convert_element_type3A = arith.extui %eq3A_0 : i1 to i32
    %cond3A = arith.constant 0 : i32
    %cond3A_1 = arith.cmpi ne, %convert_element_type3A, %cond3A : i32
    scf.if %cond3A_1 {
      %iota3A = tpu.iota {dimensions = array<i32: 0>} : vector<6272x128xi32>
      %iota3A_22 = tpu.iota {dimensions = array<i32: 1>} : vector<6272x128xi32>
      %mul3A_23 = arith.constant 49 : i32
      %mul3A_24 = vector.broadcast %mul3A_23 : i32 to vector<6272x128xi32>
      %mul3A_25 = arith.muli %iota3A_22, %mul3A_24 : vector<6272x128xi32>
      %ge3A = arith.cmpi sge, %iota3A, %mul3A_25 : vector<6272x128xi32>
      %mul3A_26 = arith.constant 49 : i32
      %mul3A_27 = vector.broadcast %mul3A_26 : i32 to vector<6272x128xi32>
      %mul3A_28 = arith.muli %iota3A_22, %mul3A_27 : vector<6272x128xi32>
      %add3A = arith.constant 49 : i32
      %add3A_29 = vector.broadcast %add3A : i32 to vector<6272x128xi32>
      %add3A_30 = arith.addi %mul3A_28, %add3A_29 : vector<6272x128xi32>
      %lt3A = arith.cmpi slt, %iota3A, %add3A_30 : vector<6272x128xi32>
      %and3A = arith.andi %ge3A, %lt3A : vector<6272x128xi1>
      %convert_element_type3A_31 = arith.extui %and3A : vector<6272x128xi1> to vector<6272x128xi32>
      %convert_element_type3A_32 = arith.sitofp %convert_element_type3A_31 : vector<6272x128xi32> to vector<6272x128xf32>
      %swap3A_33 = arith.constant 0 : index
      %swap3A_34 = arith.constant 0 : index
      %swap3A_35 = vector.load %arg5[%swap3A_33, %swap3A_34] : memref<6272x128xf32, #tpu.memory_space<vmem>>, vector<6272x128xf32>
      tpu.vector_store %arg5[%swap3A_33, %swap3A_34], %convert_element_type3A_32 {strides = array<i32>} : memref<6272x128xf32, #tpu.memory_space<vmem>>, vector<6272x128xf32>,
    } else {
    }
    %get3A = arith.constant 0 : index
    %get3A_2 = arith.constant 0 : index
    %get3A_3 = vector.load %arg1[%get3A, %get3A_2] : memref<400x6272xf32, #tpu.memory_space<vmem>>, vector<400x6272xf32>
    %get3A_4 = arith.constant 0 : index
    %get3A_5 = arith.constant 0 : index
    %get3A_6 = vector.load %arg5[%get3A_4, %get3A_5] : memref<6272x128xf32, #tpu.memory_space<vmem>>, vector<6272x128xf32>
    %dot_general3A = arith.constant dense<0.000000e+00> : vector<400x128xf32>
    %dot_general3A_7 = tpu.matmul %get3A_3, %get3A_6, %dot_general3A {dimension_numbers = #tpu.dot_dimension_numbers<[1], [0], [0], [1], [0, 0, 1, 1], [], []>, transpose_lhs_hint = false} : vector<400x6272xf32>, vector<6272x128xf32>, vector<400x128xf32> -> vector<400x128xf32>
    %max3A = arith.constant 0.000000e+00 : f32
    %max3A_8 = vector.broadcast %max3A : f32 to vector<400x6272xf32>
    %max3A_9 = arith.maximumf %get3A_3, %max3A_8 : vector<400x6272xf32>
    %dot_general3A_10 = arith.constant dense<0.000000e+00> : vector<400x128xf32>
    %dot_general3A_11 = tpu.matmul %max3A_9, %get3A_6, %dot_general3A_10 {dimension_numbers = #tpu.dot_dimension_numbers<[1], [0], [0], [1], [0, 0, 1, 1], [], []>, transpose_lhs_hint = false} : vector<400x6272xf32>, vector<6272x128xf32>, vector<400x128xf32> -> vector<400x128xf32>
    %mul3A = arith.constant 0.0204081628 : f32
    %mul3A_12 = vector.broadcast %mul3A : f32 to vector<400x128xf32>
    %mul3A_13 = arith.mulf %dot_general3A_7, %mul3A_12 : vector<400x128xf32>
    %swap3A = arith.constant 0 : index
    %swap3A_14 = arith.constant 0 : index
    %swap3A_15 = vector.load %arg2[%swap3A, %swap3A_14] : memref<400x128xf32, #tpu.memory_space<vmem>>, vector<400x128xf32>
    tpu.vector_store %arg2[%swap3A, %swap3A_14], %mul3A_13 {strides = array<i32>} : memref<400x128xf32, #tpu.memory_space<vmem>>, vector<400x128xf32>,
    %swap3A_16 = arith.constant 0 : index
    %swap3A_17 = arith.constant 0 : index
    %swap3A_18 = vector.load %arg3[%swap3A_16, %swap3A_17] : memref<400x128xf32, #tpu.memory_space<vmem>>, vector<400x128xf32>
    tpu.vector_store %arg3[%swap3A_16, %swap3A_17], %dot_general3A_11 {strides = array<i32>} : memref<400x128xf32, #tpu.memory_space<vmem>>, vector<400x128xf32>,
    %sub3A = arith.subf %dot_general3A_11, %dot_general3A_7 : vector<400x128xf32>
    %swap3A_19 = arith.constant 0 : index
    %swap3A_20 = arith.constant 0 : index
    %swap3A_21 = vector.load %arg4[%swap3A_19, %swap3A_20] : memref<400x128xf32, #tpu.memory_space<vmem>>, vector<400x128xf32>
    tpu.vector_store %arg4[%swap3A_19, %swap3A_20], %sub3A {strides = array<i32>} : memref<400x128xf32, #tpu.memory_space<vmem>>, vector<400x128xf32>,
    return
  }
  func.func @transform_0(%arg0: i32) -> (i32, i32) {
    %c0_i32 = arith.constant 0 : i32
    %c0_i32_0 = arith.constant 0 : i32
    return %arg0, %c0_i32 : i32, i32
  }
  func.func @transform_1(%arg0: i32) -> (i32, i32) {
    %c0_i32 = arith.constant 0 : i32
    %c0_i32_0 = arith.constant 0 : i32
    return %arg0, %c0_i32 : i32, i32
  }
  func.func @transform_2(%arg0: i32) -> (i32, i32) {
    %c0_i32 = arith.constant 0 : i32
    %c0_i32_0 = arith.constant 0 : i32
    return %arg0, %c0_i32 : i32, i32
  }
  func.func @transform_3(%arg0: i32) -> (i32, i32) {
    %c0_i32 = arith.constant 0 : i32
    %c0_i32_0 = arith.constant 0 : i32
    return %arg0, %c0_i32 : i32, i32
  }
}

module attributes {stable_mosaic.version = 14 : i64} {
  func.func @_edge_fwd_body(%arg0: i32, %arg1: i32, %arg2: memref<1x1000x1024xf32, #tpu.memory_space<vmem>>, %arg3: memref<1024x256xf32, #tpu.memory_space<vmem>>, %arg4: memref<1x1000x256xf32, #tpu.memory_space<vmem>>, %arg5: memref<1x1x256xf32, #tpu.memory_space<vmem>>) attributes {dimension_semantics = [#tpu.dimension_semantics<arbitrary>, #tpu.dimension_semantics<arbitrary>], iteration_bounds = array<i64: 8, 2>, scalar_prefetch = 0 : i64, scratch_operands = 0 : i64, tpu.core_type = #tpu.core_type<tc>, window_params = [{transform_indices = @transform_0, window_bounds = array<i64: 1, 1000, 1024>}, {pipeline_mode = #tpu.pipeline_mode<synchronous>, transform_indices = @transform_1, window_bounds = array<i64: 1024, 256>}, {transform_indices = @transform_2, window_bounds = array<i64: 1, 1000, 256>}, {transform_indices = @transform_3, window_bounds = array<i64: 1, 1, 256>}]} {
    %get3A = arith.constant 0 : index
    %get3A_0 = arith.constant 0 : index
    %get3A_1 = arith.constant 0 : index
    %get3A_2 = vector.load %arg2[%get3A, %get3A_0, %get3A_1] : memref<1x1000x1024xf32, #tpu.memory_space<vmem>>, vector<1x1000x1024xf32>
    %get3A_3 = vector.shape_cast %get3A_2 : vector<1x1000x1024xf32> to vector<1000x1024xf32>
    %get3A_4 = arith.constant 0 : index
    %get3A_5 = arith.constant 0 : index
    %get3A_6 = vector.load %arg3[%get3A_4, %get3A_5] : memref<1024x256xf32, #tpu.memory_space<vmem>>, vector<1024x256xf32>
    %dot_general3A = arith.constant dense<0.000000e+00> : vector<1000x256xf32>
    %dot_general3A_7 = tpu.matmul %get3A_3, %get3A_6, %dot_general3A {dimension_numbers = #tpu.dot_dimension_numbers<[1], [0], [0], [1], [0, 0, 1, 1], [], []>, transpose_lhs_hint = false} : vector<1000x1024xf32>, vector<1024x256xf32>, vector<1000x256xf32> -> vector<1000x256xf32>
    %max3A = arith.constant 0.000000e+00 : f32
    %max3A_8 = vector.broadcast %max3A : f32 to vector<1000x256xf32>
    %max3A_9 = arith.maximumf %dot_general3A_7, %max3A_8 : vector<1000x256xf32>
    %swap3A = arith.constant 0 : index
    %swap3A_10 = arith.constant 0 : index
    %swap3A_11 = arith.constant 0 : index
    %swap3A_12 = vector.load %arg4[%swap3A, %swap3A_10, %swap3A_11] : memref<1x1000x256xf32, #tpu.memory_space<vmem>>, vector<1x1000x256xf32>
    %swap3A_13 = vector.shape_cast %swap3A_12 : vector<1x1000x256xf32> to vector<1000x256xf32>
    %swap3A_14 = vector.shape_cast %max3A_9 : vector<1000x256xf32> to vector<1x1000x256xf32>
    tpu.vector_store %arg4[%swap3A, %swap3A_10, %swap3A_11], %swap3A_14 {strides = array<i32>} : memref<1x1000x256xf32, #tpu.memory_space<vmem>>, vector<1x1000x256xf32>,
    %reduce_sum3A = arith.constant dense<0.000000e+00> : vector<256xf32>
    %reduce_sum3A_15 = vector.multi_reduction <add>, %max3A_9, %reduce_sum3A [0] : vector<1000x256xf32> to vector<256xf32>
    %eq3A = arith.constant 0 : i32
    %eq3A_16 = arith.cmpi eq, %arg1, %eq3A : i32
    %convert_element_type3A = arith.extui %eq3A_16 : i1 to i32
    %cond3A = arith.constant 0 : i32
    %cond3A_17 = arith.cmpi ne, %convert_element_type3A, %cond3A : i32
    scf.if %cond3A_17 {
      %swap3A_22 = arith.constant 0 : index
      %swap3A_23 = arith.constant 0 : index
      %swap3A_24 = arith.constant 0 : index
      %swap3A_25 = vector.load %arg5[%swap3A_22, %swap3A_23, %swap3A_24] : memref<1x1x256xf32, #tpu.memory_space<vmem>>, vector<1x1x256xf32>
      %swap3A_26 = vector.shape_cast %swap3A_25 : vector<1x1x256xf32> to vector<256xf32>
      %swap3A_27 = vector.shape_cast %reduce_sum3A_15 : vector<256xf32> to vector<1x1x256xf32>
      tpu.vector_store %arg5[%swap3A_22, %swap3A_23, %swap3A_24], %swap3A_27 {strides = array<i32>} : memref<1x1x256xf32, #tpu.memory_space<vmem>>, vector<1x1x256xf32>,
    } else {
    }
    %gt3A = arith.constant 0 : i32
    %gt3A_18 = arith.cmpi sgt, %arg1, %gt3A : i32
    %convert_element_type3A_19 = arith.extui %gt3A_18 : i1 to i32
    %cond3A_20 = arith.constant 0 : i32
    %cond3A_21 = arith.cmpi ne, %convert_element_type3A_19, %cond3A_20 : i32
    scf.if %cond3A_21 {
      %get3A_22 = arith.constant 0 : index
      %get3A_23 = arith.constant 0 : index
      %get3A_24 = arith.constant 0 : index
      %get3A_25 = vector.load %arg5[%get3A_22, %get3A_23, %get3A_24] : memref<1x1x256xf32, #tpu.memory_space<vmem>>, vector<1x1x256xf32>
      %get3A_26 = vector.shape_cast %get3A_25 : vector<1x1x256xf32> to vector<256xf32>
      %add3A = arith.addf %get3A_26, %reduce_sum3A_15 : vector<256xf32>
      %swap3A_27 = arith.constant 0 : index
      %swap3A_28 = arith.constant 0 : index
      %swap3A_29 = arith.constant 0 : index
      %swap3A_30 = vector.load %arg5[%swap3A_27, %swap3A_28, %swap3A_29] : memref<1x1x256xf32, #tpu.memory_space<vmem>>, vector<1x1x256xf32>
      %swap3A_31 = vector.shape_cast %swap3A_30 : vector<1x1x256xf32> to vector<256xf32>
      %swap3A_32 = vector.shape_cast %add3A : vector<256xf32> to vector<1x1x256xf32>
      tpu.vector_store %arg5[%swap3A_27, %swap3A_28, %swap3A_29], %swap3A_32 {strides = array<i32>} : memref<1x1x256xf32, #tpu.memory_space<vmem>>, vector<1x1x256xf32>,
    } else {
    }
    return
  }
  func.func @transform_0(%arg0: i32, %arg1: i32) -> (i32, i32, i32) {
    %c0_i32 = arith.constant 0 : i32
    %c0_i32_0 = arith.constant 0 : i32
    return %arg0, %arg1, %c0_i32 : i32, i32, i32
  }
  func.func @transform_1(%arg0: i32, %arg1: i32) -> (i32, i32) {
    %c0_i32 = arith.constant 0 : i32
    %c0_i32_0 = arith.constant 0 : i32
    %c0_i32_1 = arith.constant 0 : i32
    return %c0_i32, %c0_i32_0 : i32, i32
  }
  func.func @transform_2(%arg0: i32, %arg1: i32) -> (i32, i32, i32) {
    %c0_i32 = arith.constant 0 : i32
    %c0_i32_0 = arith.constant 0 : i32
    return %arg0, %arg1, %c0_i32 : i32, i32, i32
  }
  func.func @transform_3(%arg0: i32, %arg1: i32) -> (i32, i32, i32) {
    %c0_i32 = arith.constant 0 : i32
    %c0_i32_0 = arith.constant 0 : i32
    %c0_i32_1 = arith.constant 0 : i32
    return %arg0, %c0_i32, %c0_i32_0 : i32, i32, i32
  }
}

module attributes {stable_mosaic.version = 14 : i64} {
  func.func @_node_fwd_body(%arg0: i32, %arg1: memref<1x250x1024xf32, #tpu.memory_space<vmem>>, %arg2: memref<1x250x128xf32, #tpu.memory_space<vmem>>, %arg3: memref<1024x256xf32, #tpu.memory_space<vmem>>, %arg4: memref<128x256xf32, #tpu.memory_space<vmem>>, %arg5: memref<1x250x256xf32, #tpu.memory_space<vmem>>, %arg6: memref<1x1x256xf32, #tpu.memory_space<vmem>>) attributes {dimension_semantics = [#tpu.dimension_semantics<arbitrary>], iteration_bounds = array<i64: 8>, scalar_prefetch = 0 : i64, scratch_operands = 0 : i64, tpu.core_type = #tpu.core_type<tc>, window_params = [{transform_indices = @transform_0, window_bounds = array<i64: 1, 250, 1024>}, {transform_indices = @transform_1, window_bounds = array<i64: 1, 250, 128>}, {pipeline_mode = #tpu.pipeline_mode<synchronous>, transform_indices = @transform_2, window_bounds = array<i64: 1024, 256>}, {pipeline_mode = #tpu.pipeline_mode<synchronous>, transform_indices = @transform_3, window_bounds = array<i64: 128, 256>}, {transform_indices = @transform_4, window_bounds = array<i64: 1, 250, 256>}, {transform_indices = @transform_5, window_bounds = array<i64: 1, 1, 256>}]} {
    %get3A = arith.constant 0 : index
    %get3A_0 = arith.constant 0 : index
    %get3A_1 = arith.constant 0 : index
    %get3A_2 = vector.load %arg1[%get3A, %get3A_0, %get3A_1] : memref<1x250x1024xf32, #tpu.memory_space<vmem>>, vector<1x250x1024xf32>
    %get3A_3 = vector.shape_cast %get3A_2 : vector<1x250x1024xf32> to vector<250x1024xf32>
    %get3A_4 = arith.constant 0 : index
    %get3A_5 = arith.constant 0 : index
    %get3A_6 = vector.load %arg3[%get3A_4, %get3A_5] : memref<1024x256xf32, #tpu.memory_space<vmem>>, vector<1024x256xf32>
    %dot_general3A = arith.constant dense<0.000000e+00> : vector<250x256xf32>
    %dot_general3A_7 = tpu.matmul %get3A_3, %get3A_6, %dot_general3A {dimension_numbers = #tpu.dot_dimension_numbers<[1], [0], [0], [1], [0, 0, 1, 1], [], []>, transpose_lhs_hint = false} : vector<250x1024xf32>, vector<1024x256xf32>, vector<250x256xf32> -> vector<250x256xf32>
    %get3A_8 = arith.constant 0 : index
    %get3A_9 = arith.constant 0 : index
    %get3A_10 = arith.constant 0 : index
    %get3A_11 = vector.load %arg2[%get3A_8, %get3A_9, %get3A_10] : memref<1x250x128xf32, #tpu.memory_space<vmem>>, vector<1x250x128xf32>
    %get3A_12 = vector.shape_cast %get3A_11 : vector<1x250x128xf32> to vector<250x128xf32>
    %get3A_13 = arith.constant 0 : index
    %get3A_14 = arith.constant 0 : index
    %get3A_15 = vector.load %arg4[%get3A_13, %get3A_14] : memref<128x256xf32, #tpu.memory_space<vmem>>, vector<128x256xf32>
    %dot_general3A_16 = arith.constant dense<0.000000e+00> : vector<250x256xf32>
    %dot_general3A_17 = tpu.matmul %get3A_12, %get3A_15, %dot_general3A_16 {dimension_numbers = #tpu.dot_dimension_numbers<[1], [0], [0], [1], [0, 0, 1, 1], [], []>, transpose_lhs_hint = false} : vector<250x128xf32>, vector<128x256xf32>, vector<250x256xf32> -> vector<250x256xf32>
    %add3A = arith.addf %dot_general3A_7, %dot_general3A_17 : vector<250x256xf32>
    %max3A = arith.constant 0.000000e+00 : f32
    %max3A_18 = vector.broadcast %max3A : f32 to vector<250x256xf32>
    %max3A_19 = arith.maximumf %add3A, %max3A_18 : vector<250x256xf32>
    %swap3A = arith.constant 0 : index
    %swap3A_20 = arith.constant 0 : index
    %swap3A_21 = arith.constant 0 : index
    %swap3A_22 = vector.load %arg5[%swap3A, %swap3A_20, %swap3A_21] : memref<1x250x256xf32, #tpu.memory_space<vmem>>, vector<1x250x256xf32>
    %swap3A_23 = vector.shape_cast %swap3A_22 : vector<1x250x256xf32> to vector<250x256xf32>
    %swap3A_24 = vector.shape_cast %max3A_19 : vector<250x256xf32> to vector<1x250x256xf32>
    tpu.vector_store %arg5[%swap3A, %swap3A_20, %swap3A_21], %swap3A_24 {strides = array<i32>} : memref<1x250x256xf32, #tpu.memory_space<vmem>>, vector<1x250x256xf32>,
    %reduce_sum3A = arith.constant dense<0.000000e+00> : vector<256xf32>
    %reduce_sum3A_25 = vector.multi_reduction <add>, %max3A_19, %reduce_sum3A [0] : vector<250x256xf32> to vector<256xf32>
    %swap3A_26 = arith.constant 0 : index
    %swap3A_27 = arith.constant 0 : index
    %swap3A_28 = arith.constant 0 : index
    %swap3A_29 = vector.load %arg6[%swap3A_26, %swap3A_27, %swap3A_28] : memref<1x1x256xf32, #tpu.memory_space<vmem>>, vector<1x1x256xf32>
    %swap3A_30 = vector.shape_cast %swap3A_29 : vector<1x1x256xf32> to vector<256xf32>
    %swap3A_31 = vector.shape_cast %reduce_sum3A_25 : vector<256xf32> to vector<1x1x256xf32>
    tpu.vector_store %arg6[%swap3A_26, %swap3A_27, %swap3A_28], %swap3A_31 {strides = array<i32>} : memref<1x1x256xf32, #tpu.memory_space<vmem>>, vector<1x1x256xf32>,
    return
  }
  func.func @transform_0(%arg0: i32) -> (i32, i32, i32) {
    %c0_i32 = arith.constant 0 : i32
    %c0_i32_0 = arith.constant 0 : i32
    %c0_i32_1 = arith.constant 0 : i32
    return %arg0, %c0_i32, %c0_i32_0 : i32, i32, i32
  }
  func.func @transform_1(%arg0: i32) -> (i32, i32, i32) {
    %c0_i32 = arith.constant 0 : i32
    %c0_i32_0 = arith.constant 0 : i32
    %c0_i32_1 = arith.constant 0 : i32
    return %arg0, %c0_i32, %c0_i32_0 : i32, i32, i32
  }
  func.func @transform_2(%arg0: i32) -> (i32, i32) {
    %c0_i32 = arith.constant 0 : i32
    %c0_i32_0 = arith.constant 0 : i32
    %c0_i32_1 = arith.constant 0 : i32
    return %c0_i32, %c0_i32_0 : i32, i32
  }
  func.func @transform_3(%arg0: i32) -> (i32, i32) {
    %c0_i32 = arith.constant 0 : i32
    %c0_i32_0 = arith.constant 0 : i32
    %c0_i32_1 = arith.constant 0 : i32
    return %c0_i32, %c0_i32_0 : i32, i32
  }
  func.func @transform_4(%arg0: i32) -> (i32, i32, i32) {
    %c0_i32 = arith.constant 0 : i32
    %c0_i32_0 = arith.constant 0 : i32
    %c0_i32_1 = arith.constant 0 : i32
    return %arg0, %c0_i32, %c0_i32_0 : i32, i32, i32
  }
  func.func @transform_5(%arg0: i32) -> (i32, i32, i32) {
    %c0_i32 = arith.constant 0 : i32
    %c0_i32_0 = arith.constant 0 : i32
    %c0_i32_1 = arith.constant 0 : i32
    return %arg0, %c0_i32, %c0_i32_0 : i32, i32, i32
  }
}

module attributes {stable_mosaic.version = 14 : i64} {
  func.func @_head_body(%arg0: memref<8x1x256xf32, #tpu.memory_space<vmem>>, %arg1: memref<8x1x256xf32, #tpu.memory_space<vmem>>, %arg2: memref<256x50xf32, #tpu.memory_space<vmem>>, %arg3: memref<50x256xf32, #tpu.memory_space<vmem>>, %arg4: memref<8x10xf32, #tpu.memory_space<vmem>>, %arg5: memref<8x10xi32, #tpu.memory_space<vmem>>, %arg6: memref<8x10x256xf32, #tpu.memory_space<vmem>>, %arg7: memref<8x10x256xf32, #tpu.memory_space<vmem>>) attributes {dimension_semantics = [], scalar_prefetch = 0 : i64, scratch_operands = 0 : i64, tpu.core_type = #tpu.core_type<tc>} {
    %get3A = arith.constant 0 : index
    %get3A_0 = arith.constant 0 : index
    %get3A_1 = arith.constant 0 : index
    %get3A_2 = vector.load %arg0[%get3A, %get3A_0, %get3A_1] : memref<8x1x256xf32, #tpu.memory_space<vmem>>, vector<8x1x256xf32>
    %get3A_3 = vector.shape_cast %get3A_2 : vector<8x1x256xf32> to vector<8x256xf32>
    %get3A_4 = arith.constant 0 : index
    %get3A_5 = arith.constant 0 : index
    %get3A_6 = arith.constant 0 : index
    %get3A_7 = vector.load %arg1[%get3A_4, %get3A_5, %get3A_6] : memref<8x1x256xf32, #tpu.memory_space<vmem>>, vector<8x1x256xf32>
    %get3A_8 = vector.shape_cast %get3A_7 : vector<8x1x256xf32> to vector<8x256xf32>
    %add3A = arith.addf %get3A_3, %get3A_8 : vector<8x256xf32>
    %get3A_9 = arith.constant 0 : index
    %get3A_10 = arith.constant 0 : index
    %get3A_11 = vector.load %arg2[%get3A_9, %get3A_10] : memref<256x50xf32, #tpu.memory_space<vmem>>, vector<256x50xf32>
    %dot_general3A = arith.constant dense<0.000000e+00> : vector<8x50xf32>
    %dot_general3A_12 = tpu.matmul %add3A, %get3A_11, %dot_general3A {dimension_numbers = #tpu.dot_dimension_numbers<[1], [0], [0], [1], [0, 0, 1, 1], [], []>, transpose_lhs_hint = false} : vector<8x256xf32>, vector<256x50xf32>, vector<8x50xf32> -> vector<8x50xf32>
    %logistic3A = arith.negf %dot_general3A_12 : vector<8x50xf32>
    %logistic3A_13 = math.exp %logistic3A : vector<8x50xf32>
    %logistic3A_14 = arith.constant 1.000000e+00 : f32
    %logistic3A_15 = vector.broadcast %logistic3A_14 : f32 to vector<8x50xf32>
    %logistic3A_16 = arith.addf %logistic3A_15, %logistic3A_13 : vector<8x50xf32>
    %logistic3A_17 = arith.divf %logistic3A_15, %logistic3A_16 : vector<8x50xf32>
    %iota3A = tpu.iota {dimensions = array<i32: 1>} : vector<8x50xi32>
    %reduce_max3A = arith.constant dense<0xFF800000> : vector<8xf32>
    %reduce_max3A_18 = vector.multi_reduction <maximumf>, %logistic3A_17, %reduce_max3A [1] : vector<8x50xf32> to vector<8xf32>
    %broadcast_in_dim3A = vector.shape_cast %reduce_max3A_18 : vector<8xf32> to vector<8x1xf32>
    %ge3A = vector.broadcast %broadcast_in_dim3A : vector<8x1xf32> to vector<8x50xf32>
    %ge3A_19 = arith.cmpf oge, %logistic3A_17, %ge3A : vector<8x50xf32>
    %jit3A = arith.constant 50 : i32
    %broadcast_in_dim3A_20 = vector.broadcast %jit3A : i32 to vector<8x50xi32>
    %select_n3A = arith.select %ge3A_19, %iota3A, %broadcast_in_dim3A_20 : vector<8x50xi1>, vector<8x50xi32>
    %reduce_min3A = arith.constant dense<2147483647> : vector<8xi32>
    %reduce_min3A_21 = vector.multi_reduction <minsi>, %select_n3A, %reduce_min3A [1] : vector<8x50xi32> to vector<8xi32>
    %broadcast_in_dim3A_22 = vector.shape_cast %reduce_min3A_21 : vector<8xi32> to vector<8x1xi32>
    %eq3A = vector.broadcast %broadcast_in_dim3A_22 : vector<8x1xi32> to vector<8x50xi32>
    %eq3A_23 = arith.cmpi eq, %iota3A, %eq3A : vector<8x50xi32>
    %jit3A_24 = arith.constant -1.000000e+00 : f32
    %broadcast_in_dim3A_25 = vector.broadcast %jit3A_24 : f32 to vector<8x50xf32>
    %select_n3A_26 = arith.select %eq3A_23, %broadcast_in_dim3A_25, %logistic3A_17 : vector<8x50xi1>, vector<8x50xf32>
    %reduce_max3A_27 = arith.constant dense<0xFF800000> : vector<8xf32>
    %reduce_max3A_28 = vector.multi_reduction <maximumf>, %select_n3A_26, %reduce_max3A_27 [1] : vector<8x50xf32> to vector<8xf32>
    %broadcast_in_dim3A_29 = vector.shape_cast %reduce_max3A_28 : vector<8xf32> to vector<8x1xf32>
    %ge3A_30 = vector.broadcast %broadcast_in_dim3A_29 : vector<8x1xf32> to vector<8x50xf32>
    %ge3A_31 = arith.cmpf oge, %select_n3A_26, %ge3A_30 : vector<8x50xf32>
    %jit3A_32 = arith.constant 50 : i32
    %broadcast_in_dim3A_33 = vector.broadcast %jit3A_32 : i32 to vector<8x50xi32>
    %select_n3A_34 = arith.select %ge3A_31, %iota3A, %broadcast_in_dim3A_33 : vector<8x50xi1>, vector<8x50xi32>
    %reduce_min3A_35 = arith.constant dense<2147483647> : vector<8xi32>
    %reduce_min3A_36 = vector.multi_reduction <minsi>, %select_n3A_34, %reduce_min3A_35 [1] : vector<8x50xi32> to vector<8xi32>
    %broadcast_in_dim3A_37 = vector.shape_cast %reduce_min3A_36 : vector<8xi32> to vector<8x1xi32>
    %eq3A_38 = vector.broadcast %broadcast_in_dim3A_37 : vector<8x1xi32> to vector<8x50xi32>
    %eq3A_39 = arith.cmpi eq, %iota3A, %eq3A_38 : vector<8x50xi32>
    %jit3A_40 = arith.constant -1.000000e+00 : f32
    %broadcast_in_dim3A_41 = vector.broadcast %jit3A_40 : f32 to vector<8x50xf32>
    %select_n3A_42 = arith.select %eq3A_39, %broadcast_in_dim3A_41, %select_n3A_26 : vector<8x50xi1>, vector<8x50xf32>
    %reduce_max3A_43 = arith.constant dense<0xFF800000> : vector<8xf32>
    %reduce_max3A_44 = vector.multi_reduction <maximumf>, %select_n3A_42, %reduce_max3A_43 [1] : vector<8x50xf32> to vector<8xf32>
    %broadcast_in_dim3A_45 = vector.shape_cast %reduce_max3A_44 : vector<8xf32> to vector<8x1xf32>
    %ge3A_46 = vector.broadcast %broadcast_in_dim3A_45 : vector<8x1xf32> to vector<8x50xf32>
    %ge3A_47 = arith.cmpf oge, %select_n3A_42, %ge3A_46 : vector<8x50xf32>
    %jit3A_48 = arith.constant 50 : i32
    %broadcast_in_dim3A_49 = vector.broadcast %jit3A_48 : i32 to vector<8x50xi32>
    %select_n3A_50 = arith.select %ge3A_47, %iota3A, %broadcast_in_dim3A_49 : vector<8x50xi1>, vector<8x50xi32>
    %reduce_min3A_51 = arith.constant dense<2147483647> : vector<8xi32>
    %reduce_min3A_52 = vector.multi_reduction <minsi>, %select_n3A_50, %reduce_min3A_51 [1] : vector<8x50xi32> to vector<8xi32>
    %broadcast_in_dim3A_53 = vector.shape_cast %reduce_min3A_52 : vector<8xi32> to vector<8x1xi32>
    %eq3A_54 = vector.broadcast %broadcast_in_dim3A_53 : vector<8x1xi32> to vector<8x50xi32>
    %eq3A_55 = arith.cmpi eq, %iota3A, %eq3A_54 : vector<8x50xi32>
    %jit3A_56 = arith.constant -1.000000e+00 : f32
    %broadcast_in_dim3A_57 = vector.broadcast %jit3A_56 : f32 to vector<8x50xf32>
    %select_n3A_58 = arith.select %eq3A_55, %broadcast_in_dim3A_57, %select_n3A_42 : vector<8x50xi1>, vector<8x50xf32>
    %reduce_max3A_59 = arith.constant dense<0xFF800000> : vector<8xf32>
    %reduce_max3A_60 = vector.multi_reduction <maximumf>, %select_n3A_58, %reduce_max3A_59 [1] : vector<8x50xf32> to vector<8xf32>
    %broadcast_in_dim3A_61 = vector.shape_cast %reduce_max3A_60 : vector<8xf32> to vector<8x1xf32>
    %ge3A_62 = vector.broadcast %broadcast_in_dim3A_61 : vector<8x1xf32> to vector<8x50xf32>
    %ge3A_63 = arith.cmpf oge, %select_n3A_58, %ge3A_62 : vector<8x50xf32>
    %jit3A_64 = arith.constant 50 : i32
    %broadcast_in_dim3A_65 = vector.broadcast %jit3A_64 : i32 to vector<8x50xi32>
    %select_n3A_66 = arith.select %ge3A_63, %iota3A, %broadcast_in_dim3A_65 : vector<8x50xi1>, vector<8x50xi32>
    %reduce_min3A_67 = arith.constant dense<2147483647> : vector<8xi32>
    %reduce_min3A_68 = vector.multi_reduction <minsi>, %select_n3A_66, %reduce_min3A_67 [1] : vector<8x50xi32> to vector<8xi32>
    %broadcast_in_dim3A_69 = vector.shape_cast %reduce_min3A_68 : vector<8xi32> to vector<8x1xi32>
    %eq3A_70 = vector.broadcast %broadcast_in_dim3A_69 : vector<8x1xi32> to vector<8x50xi32>
    %eq3A_71 = arith.cmpi eq, %iota3A, %eq3A_70 : vector<8x50xi32>
    %jit3A_72 = arith.constant -1.000000e+00 : f32
    %broadcast_in_dim3A_73 = vector.broadcast %jit3A_72 : f32 to vector<8x50xf32>
    %select_n3A_74 = arith.select %eq3A_71, %broadcast_in_dim3A_73, %select_n3A_58 : vector<8x50xi1>, vector<8x50xf32>
    %reduce_max3A_75 = arith.constant dense<0xFF800000> : vector<8xf32>
    %reduce_max3A_76 = vector.multi_reduction <maximumf>, %select_n3A_74, %reduce_max3A_75 [1] : vector<8x50xf32> to vector<8xf32>
    %broadcast_in_dim3A_77 = vector.shape_cast %reduce_max3A_76 : vector<8xf32> to vector<8x1xf32>
    %ge3A_78 = vector.broadcast %broadcast_in_dim3A_77 : vector<8x1xf32> to vector<8x50xf32>
    %ge3A_79 = arith.cmpf oge, %select_n3A_74, %ge3A_78 : vector<8x50xf32>
    %jit3A_80 = arith.constant 50 : i32
    %broadcast_in_dim3A_81 = vector.broadcast %jit3A_80 : i32 to vector<8x50xi32>
    %select_n3A_82 = arith.select %ge3A_79, %iota3A, %broadcast_in_dim3A_81 : vector<8x50xi1>, vector<8x50xi32>
    %reduce_min3A_83 = arith.constant dense<2147483647> : vector<8xi32>
    %reduce_min3A_84 = vector.multi_reduction <minsi>, %select_n3A_82, %reduce_min3A_83 [1] : vector<8x50xi32> to vector<8xi32>
    %broadcast_in_dim3A_85 = vector.shape_cast %reduce_min3A_84 : vector<8xi32> to vector<8x1xi32>
    %eq3A_86 = vector.broadcast %broadcast_in_dim3A_85 : vector<8x1xi32> to vector<8x50xi32>
    %eq3A_87 = arith.cmpi eq, %iota3A, %eq3A_86 : vector<8x50xi32>
    %jit3A_88 = arith.constant -1.000000e+00 : f32
    %broadcast_in_dim3A_89 = vector.broadcast %jit3A_88 : f32 to vector<8x50xf32>
    %select_n3A_90 = arith.select %eq3A_87, %broadcast_in_dim3A_89, %select_n3A_74 : vector<8x50xi1>, vector<8x50xf32>
    %reduce_max3A_91 = arith.constant dense<0xFF800000> : vector<8xf32>
    %reduce_max3A_92 = vector.multi_reduction <maximumf>, %select_n3A_90, %reduce_max3A_91 [1] : vector<8x50xf32> to vector<8xf32>
    %broadcast_in_dim3A_93 = vector.shape_cast %reduce_max3A_92 : vector<8xf32> to vector<8x1xf32>
    %ge3A_94 = vector.broadcast %broadcast_in_dim3A_93 : vector<8x1xf32> to vector<8x50xf32>
    %ge3A_95 = arith.cmpf oge, %select_n3A_90, %ge3A_94 : vector<8x50xf32>
    %jit3A_96 = arith.constant 50 : i32
    %broadcast_in_dim3A_97 = vector.broadcast %jit3A_96 : i32 to vector<8x50xi32>
    %select_n3A_98 = arith.select %ge3A_95, %iota3A, %broadcast_in_dim3A_97 : vector<8x50xi1>, vector<8x50xi32>
    %reduce_min3A_99 = arith.constant dense<2147483647> : vector<8xi32>
    %reduce_min3A_100 = vector.multi_reduction <minsi>, %select_n3A_98, %reduce_min3A_99 [1] : vector<8x50xi32> to vector<8xi32>
    %broadcast_in_dim3A_101 = vector.shape_cast %reduce_min3A_100 : vector<8xi32> to vector<8x1xi32>
    %eq3A_102 = vector.broadcast %broadcast_in_dim3A_101 : vector<8x1xi32> to vector<8x50xi32>
    %eq3A_103 = arith.cmpi eq, %iota3A, %eq3A_102 : vector<8x50xi32>
    %jit3A_104 = arith.constant -1.000000e+00 : f32
    %broadcast_in_dim3A_105 = vector.broadcast %jit3A_104 : f32 to vector<8x50xf32>
    %select_n3A_106 = arith.select %eq3A_103, %broadcast_in_dim3A_105, %select_n3A_90 : vector<8x50xi1>, vector<8x50xf32>
    %reduce_max3A_107 = arith.constant dense<0xFF800000> : vector<8xf32>
    %reduce_max3A_108 = vector.multi_reduction <maximumf>, %select_n3A_106, %reduce_max3A_107 [1] : vector<8x50xf32> to vector<8xf32>
    %broadcast_in_dim3A_109 = vector.shape_cast %reduce_max3A_108 : vector<8xf32> to vector<8x1xf32>
    %ge3A_110 = vector.broadcast %broadcast_in_dim3A_109 : vector<8x1xf32> to vector<8x50xf32>
    %ge3A_111 = arith.cmpf oge, %select_n3A_106, %ge3A_110 : vector<8x50xf32>
    %jit3A_112 = arith.constant 50 : i32
    %broadcast_in_dim3A_113 = vector.broadcast %jit3A_112 : i32 to vector<8x50xi32>
    %select_n3A_114 = arith.select %ge3A_111, %iota3A, %broadcast_in_dim3A_113 : vector<8x50xi1>, vector<8x50xi32>
    %reduce_min3A_115 = arith.constant dense<2147483647> : vector<8xi32>
    %reduce_min3A_116 = vector.multi_reduction <minsi>, %select_n3A_114, %reduce_min3A_115 [1] : vector<8x50xi32> to vector<8xi32>
    %broadcast_in_dim3A_117 = vector.shape_cast %reduce_min3A_116 : vector<8xi32> to vector<8x1xi32>
    %eq3A_118 = vector.broadcast %broadcast_in_dim3A_117 : vector<8x1xi32> to vector<8x50xi32>
    %eq3A_119 = arith.cmpi eq, %iota3A, %eq3A_118 : vector<8x50xi32>
    %jit3A_120 = arith.constant -1.000000e+00 : f32
    %broadcast_in_dim3A_121 = vector.broadcast %jit3A_120 : f32 to vector<8x50xf32>
    %select_n3A_122 = arith.select %eq3A_119, %broadcast_in_dim3A_121, %select_n3A_106 : vector<8x50xi1>, vector<8x50xf32>
    %reduce_max3A_123 = arith.constant dense<0xFF800000> : vector<8xf32>
    %reduce_max3A_124 = vector.multi_reduction <maximumf>, %select_n3A_122, %reduce_max3A_123 [1] : vector<8x50xf32> to vector<8xf32>
    %broadcast_in_dim3A_125 = vector.shape_cast %reduce_max3A_124 : vector<8xf32> to vector<8x1xf32>
    %ge3A_126 = vector.broadcast %broadcast_in_dim3A_125 : vector<8x1xf32> to vector<8x50xf32>
    %ge3A_127 = arith.cmpf oge, %select_n3A_122, %ge3A_126 : vector<8x50xf32>
    %jit3A_128 = arith.constant 50 : i32
    %broadcast_in_dim3A_129 = vector.broadcast %jit3A_128 : i32 to vector<8x50xi32>
    %select_n3A_130 = arith.select %ge3A_127, %iota3A, %broadcast_in_dim3A_129 : vector<8x50xi1>, vector<8x50xi32>
    %reduce_min3A_131 = arith.constant dense<2147483647> : vector<8xi32>
    %reduce_min3A_132 = vector.multi_reduction <minsi>, %select_n3A_130, %reduce_min3A_131 [1] : vector<8x50xi32> to vector<8xi32>
    %broadcast_in_dim3A_133 = vector.shape_cast %reduce_min3A_132 : vector<8xi32> to vector<8x1xi32>
    %eq3A_134 = vector.broadcast %broadcast_in_dim3A_133 : vector<8x1xi32> to vector<8x50xi32>
    %eq3A_135 = arith.cmpi eq, %iota3A, %eq3A_134 : vector<8x50xi32>
    %jit3A_136 = arith.constant -1.000000e+00 : f32
    %broadcast_in_dim3A_137 = vector.broadcast %jit3A_136 : f32 to vector<8x50xf32>
    %select_n3A_138 = arith.select %eq3A_135, %broadcast_in_dim3A_137, %select_n3A_122 : vector<8x50xi1>, vector<8x50xf32>
    %reduce_max3A_139 = arith.constant dense<0xFF800000> : vector<8xf32>
    %reduce_max3A_140 = vector.multi_reduction <maximumf>, %select_n3A_138, %reduce_max3A_139 [1] : vector<8x50xf32> to vector<8xf32>
    %broadcast_in_dim3A_141 = vector.shape_cast %reduce_max3A_140 : vector<8xf32> to vector<8x1xf32>
    %ge3A_142 = vector.broadcast %broadcast_in_dim3A_141 : vector<8x1xf32> to vector<8x50xf32>
    %ge3A_143 = arith.cmpf oge, %select_n3A_138, %ge3A_142 : vector<8x50xf32>
    %jit3A_144 = arith.constant 50 : i32
    %broadcast_in_dim3A_145 = vector.broadcast %jit3A_144 : i32 to vector<8x50xi32>
    %select_n3A_146 = arith.select %ge3A_143, %iota3A, %broadcast_in_dim3A_145 : vector<8x50xi1>, vector<8x50xi32>
    %reduce_min3A_147 = arith.constant dense<2147483647> : vector<8xi32>
    %reduce_min3A_148 = vector.multi_reduction <minsi>, %select_n3A_146, %reduce_min3A_147 [1] : vector<8x50xi32> to vector<8xi32>
    %broadcast_in_dim3A_149 = vector.shape_cast %reduce_min3A_148 : vector<8xi32> to vector<8x1xi32>
    %eq3A_150 = vector.broadcast %broadcast_in_dim3A_149 : vector<8x1xi32> to vector<8x50xi32>
    %eq3A_151 = arith.cmpi eq, %iota3A, %eq3A_150 : vector<8x50xi32>
    %jit3A_152 = arith.constant -1.000000e+00 : f32
    %broadcast_in_dim3A_153 = vector.broadcast %jit3A_152 : f32 to vector<8x50xf32>
    %select_n3A_154 = arith.select %eq3A_151, %broadcast_in_dim3A_153, %select_n3A_138 : vector<8x50xi1>, vector<8x50xf32>
    %reduce_max3A_155 = arith.constant dense<0xFF800000> : vector<8xf32>
    %reduce_max3A_156 = vector.multi_reduction <maximumf>, %select_n3A_154, %reduce_max3A_155 [1] : vector<8x50xf32> to vector<8xf32>
    %broadcast_in_dim3A_157 = vector.shape_cast %reduce_max3A_156 : vector<8xf32> to vector<8x1xf32>
    %ge3A_158 = vector.broadcast %broadcast_in_dim3A_157 : vector<8x1xf32> to vector<8x50xf32>
    %ge3A_159 = arith.cmpf oge, %select_n3A_154, %ge3A_158 : vector<8x50xf32>
    %jit3A_160 = arith.constant 50 : i32
    %broadcast_in_dim3A_161 = vector.broadcast %jit3A_160 : i32 to vector<8x50xi32>
    %select_n3A_162 = arith.select %ge3A_159, %iota3A, %broadcast_in_dim3A_161 : vector<8x50xi1>, vector<8x50xi32>
    %reduce_min3A_163 = arith.constant dense<2147483647> : vector<8xi32>
    %reduce_min3A_164 = vector.multi_reduction <minsi>, %select_n3A_162, %reduce_min3A_163 [1] : vector<8x50xi32> to vector<8xi32>
    %broadcast_in_dim3A_165 = vector.shape_cast %reduce_min3A_164 : vector<8xi32> to vector<8x1xi32>
    %concatenate3A = tpu.concatenate %broadcast_in_dim3A, %broadcast_in_dim3A_29, %broadcast_in_dim3A_45, %broadcast_in_dim3A_61, %broadcast_in_dim3A_77, %broadcast_in_dim3A_93, %broadcast_in_dim3A_109, %broadcast_in_dim3A_125, %broadcast_in_dim3A_141, %broadcast_in_dim3A_157 in 1 : vector<8x1xf32>, vector<8x1xf32>, vector<8x1xf32>, vector<8x1xf32>, vector<8x1xf32>, vector<8x1xf32>, vector<8x1xf32>, vector<8x1xf32>, vector<8x1xf32>, vector<8x1xf32> -> vector<8x10xf32>
    %swap3A = arith.constant 0 : index
    %swap3A_166 = arith.constant 0 : index
    %swap3A_167 = vector.load %arg4[%swap3A, %swap3A_166] : memref<8x10xf32, #tpu.memory_space<vmem>>, vector<8x10xf32>
    tpu.vector_store %arg4[%swap3A, %swap3A_166], %concatenate3A {strides = array<i32>} : memref<8x10xf32, #tpu.memory_space<vmem>>, vector<8x10xf32>,
    %concatenate3A_168 = tpu.concatenate %broadcast_in_dim3A_22, %broadcast_in_dim3A_37, %broadcast_in_dim3A_53, %broadcast_in_dim3A_69, %broadcast_in_dim3A_85, %broadcast_in_dim3A_101, %broadcast_in_dim3A_117, %broadcast_in_dim3A_133, %broadcast_in_dim3A_149, %broadcast_in_dim3A_165 in 1 : vector<8x1xi32>, vector<8x1xi32>, vector<8x1xi32>, vector<8x1xi32>, vector<8x1xi32>, vector<8x1xi32>, vector<8x1xi32>, vector<8x1xi32>, vector<8x1xi32>, vector<8x1xi32> -> vector<8x10xi32>
    %swap3A_169 = arith.constant 0 : index
    %swap3A_170 = arith.constant 0 : index
    %swap3A_171 = vector.load %arg5[%swap3A_169, %swap3A_170] : memref<8x10xi32, #tpu.memory_space<vmem>>, vector<8x10xi32>
    tpu.vector_store %arg5[%swap3A_169, %swap3A_170], %concatenate3A_168 {strides = array<i32>} : memref<8x10xi32, #tpu.memory_space<vmem>>, vector<8x10xi32>,
    %eq3A_172 = vector.broadcast %broadcast_in_dim3A_22 : vector<8x1xi32> to vector<8x50xi32>
    %eq3A_173 = arith.cmpi eq, %iota3A, %eq3A_172 : vector<8x50xi32>
    %convert_element_type3A = arith.extui %eq3A_173 : vector<8x50xi1> to vector<8x50xi32>
    %convert_element_type3A_174 = arith.sitofp %convert_element_type3A : vector<8x50xi32> to vector<8x50xf32>
    %sub3A = arith.constant 1.000000e+00 : f32
    %sub3A_175 = vector.broadcast %sub3A : f32 to vector<8x1xf32>
    %sub3A_176 = arith.subf %sub3A_175, %broadcast_in_dim3A : vector<8x1xf32>
    %mul3A = arith.mulf %broadcast_in_dim3A, %sub3A_176 : vector<8x1xf32>
    %mul3A_177 = vector.broadcast %mul3A : vector<8x1xf32> to vector<8x50xf32>
    %mul3A_178 = arith.mulf %convert_element_type3A_174, %mul3A_177 : vector<8x50xf32>
    %get3A_179 = arith.constant 0 : index
    %get3A_180 = arith.constant 0 : index
    %get3A_181 = vector.load %arg3[%get3A_179, %get3A_180] : memref<50x256xf32, #tpu.memory_space<vmem>>, vector<50x256xf32>
    %dot_general3A_182 = arith.constant dense<0.000000e+00> : vector<8x256xf32>
    %dot_general3A_183 = tpu.matmul %mul3A_178, %get3A_181, %dot_general3A_182 {dimension_numbers = #tpu.dot_dimension_numbers<[1], [0], [0], [1], [0, 0, 1, 1], [], []>, transpose_lhs_hint = false} : vector<8x50xf32>, vector<50x256xf32>, vector<8x256xf32> -> vector<8x256xf32>
    %broadcast_in_dim3A_184 = vector.shape_cast %dot_general3A_183 : vector<8x256xf32> to vector<8x1x256xf32>
    %mul3A_185 = vector.broadcast %broadcast_in_dim3A : vector<8x1xf32> to vector<8x256xf32>
    %mul3A_186 = arith.mulf %dot_general3A_183, %mul3A_185 : vector<8x256xf32>
    %broadcast_in_dim3A_187 = vector.shape_cast %mul3A_186 : vector<8x256xf32> to vector<8x1x256xf32>
    %eq3A_188 = vector.broadcast %broadcast_in_dim3A_37 : vector<8x1xi32> to vector<8x50xi32>
    %eq3A_189 = arith.cmpi eq, %iota3A, %eq3A_188 : vector<8x50xi32>
    %convert_element_type3A_190 = arith.extui %eq3A_189 : vector<8x50xi1> to vector<8x50xi32>
    %convert_element_type3A_191 = arith.sitofp %convert_element_type3A_190 : vector<8x50xi32> to vector<8x50xf32>
    %sub3A_192 = arith.constant 1.000000e+00 : f32
    %sub3A_193 = vector.broadcast %sub3A_192 : f32 to vector<8x1xf32>
    %sub3A_194 = arith.subf %sub3A_193, %broadcast_in_dim3A_29 : vector<8x1xf32>
    %mul3A_195 = arith.mulf %broadcast_in_dim3A_29, %sub3A_194 : vector<8x1xf32>
    %mul3A_196 = vector.broadcast %mul3A_195 : vector<8x1xf32> to vector<8x50xf32>
    %mul3A_197 = arith.mulf %convert_element_type3A_191, %mul3A_196 : vector<8x50xf32>
    %get3A_198 = arith.constant 0 : index
    %get3A_199 = arith.constant 0 : index
    %get3A_200 = vector.load %arg3[%get3A_198, %get3A_199] : memref<50x256xf32, #tpu.memory_space<vmem>>, vector<50x256xf32>
    %dot_general3A_201 = arith.constant dense<0.000000e+00> : vector<8x256xf32>
    %dot_general3A_202 = tpu.matmul %mul3A_197, %get3A_200, %dot_general3A_201 {dimension_numbers = #tpu.dot_dimension_numbers<[1], [0], [0], [1], [0, 0, 1, 1], [], []>, transpose_lhs_hint = false} : vector<8x50xf32>, vector<50x256xf32>, vector<8x256xf32> -> vector<8x256xf32>
    %broadcast_in_dim3A_203 = vector.shape_cast %dot_general3A_202 : vector<8x256xf32> to vector<8x1x256xf32>
    %mul3A_204 = vector.broadcast %broadcast_in_dim3A_29 : vector<8x1xf32> to vector<8x256xf32>
    %mul3A_205 = arith.mulf %dot_general3A_202, %mul3A_204 : vector<8x256xf32>
    %broadcast_in_dim3A_206 = vector.shape_cast %mul3A_205 : vector<8x256xf32> to vector<8x1x256xf32>
    %eq3A_207 = vector.broadcast %broadcast_in_dim3A_53 : vector<8x1xi32> to vector<8x50xi32>
    %eq3A_208 = arith.cmpi eq, %iota3A, %eq3A_207 : vector<8x50xi32>
    %convert_element_type3A_209 = arith.extui %eq3A_208 : vector<8x50xi1> to vector<8x50xi32>
    %convert_element_type3A_210 = arith.sitofp %convert_element_type3A_209 : vector<8x50xi32> to vector<8x50xf32>
    %sub3A_211 = arith.constant 1.000000e+00 : f32
    %sub3A_212 = vector.broadcast %sub3A_211 : f32 to vector<8x1xf32>
    %sub3A_213 = arith.subf %sub3A_212, %broadcast_in_dim3A_45 : vector<8x1xf32>
    %mul3A_214 = arith.mulf %broadcast_in_dim3A_45, %sub3A_213 : vector<8x1xf32>
    %mul3A_215 = vector.broadcast %mul3A_214 : vector<8x1xf32> to vector<8x50xf32>
    %mul3A_216 = arith.mulf %convert_element_type3A_210, %mul3A_215 : vector<8x50xf32>
    %get3A_217 = arith.constant 0 : index
    %get3A_218 = arith.constant 0 : index
    %get3A_219 = vector.load %arg3[%get3A_217, %get3A_218] : memref<50x256xf32, #tpu.memory_space<vmem>>, vector<50x256xf32>
    %dot_general3A_220 = arith.constant dense<0.000000e+00> : vector<8x256xf32>
    %dot_general3A_221 = tpu.matmul %mul3A_216, %get3A_219, %dot_general3A_220 {dimension_numbers = #tpu.dot_dimension_numbers<[1], [0], [0], [1], [0, 0, 1, 1], [], []>, transpose_lhs_hint = false} : vector<8x50xf32>, vector<50x256xf32>, vector<8x256xf32> -> vector<8x256xf32>
    %broadcast_in_dim3A_222 = vector.shape_cast %dot_general3A_221 : vector<8x256xf32> to vector<8x1x256xf32>
    %mul3A_223 = vector.broadcast %broadcast_in_dim3A_45 : vector<8x1xf32> to vector<8x256xf32>
    %mul3A_224 = arith.mulf %dot_general3A_221, %mul3A_223 : vector<8x256xf32>
    %broadcast_in_dim3A_225 = vector.shape_cast %mul3A_224 : vector<8x256xf32> to vector<8x1x256xf32>
    %eq3A_226 = vector.broadcast %broadcast_in_dim3A_69 : vector<8x1xi32> to vector<8x50xi32>
    %eq3A_227 = arith.cmpi eq, %iota3A, %eq3A_226 : vector<8x50xi32>
    %convert_element_type3A_228 = arith.extui %eq3A_227 : vector<8x50xi1> to vector<8x50xi32>
    %convert_element_type3A_229 = arith.sitofp %convert_element_type3A_228 : vector<8x50xi32> to vector<8x50xf32>
    %sub3A_230 = arith.constant 1.000000e+00 : f32
    %sub3A_231 = vector.broadcast %sub3A_230 : f32 to vector<8x1xf32>
    %sub3A_232 = arith.subf %sub3A_231, %broadcast_in_dim3A_61 : vector<8x1xf32>
    %mul3A_233 = arith.mulf %broadcast_in_dim3A_61, %sub3A_232 : vector<8x1xf32>
    %mul3A_234 = vector.broadcast %mul3A_233 : vector<8x1xf32> to vector<8x50xf32>
    %mul3A_235 = arith.mulf %convert_element_type3A_229, %mul3A_234 : vector<8x50xf32>
    %get3A_236 = arith.constant 0 : index
    %get3A_237 = arith.constant 0 : index
    %get3A_238 = vector.load %arg3[%get3A_236, %get3A_237] : memref<50x256xf32, #tpu.memory_space<vmem>>, vector<50x256xf32>
    %dot_general3A_239 = arith.constant dense<0.000000e+00> : vector<8x256xf32>
    %dot_general3A_240 = tpu.matmul %mul3A_235, %get3A_238, %dot_general3A_239 {dimension_numbers = #tpu.dot_dimension_numbers<[1], [0], [0], [1], [0, 0, 1, 1], [], []>, transpose_lhs_hint = false} : vector<8x50xf32>, vector<50x256xf32>, vector<8x256xf32> -> vector<8x256xf32>
    %broadcast_in_dim3A_241 = vector.shape_cast %dot_general3A_240 : vector<8x256xf32> to vector<8x1x256xf32>
    %mul3A_242 = vector.broadcast %broadcast_in_dim3A_61 : vector<8x1xf32> to vector<8x256xf32>
    %mul3A_243 = arith.mulf %dot_general3A_240, %mul3A_242 : vector<8x256xf32>
    %broadcast_in_dim3A_244 = vector.shape_cast %mul3A_243 : vector<8x256xf32> to vector<8x1x256xf32>
    %eq3A_245 = vector.broadcast %broadcast_in_dim3A_85 : vector<8x1xi32> to vector<8x50xi32>
    %eq3A_246 = arith.cmpi eq, %iota3A, %eq3A_245 : vector<8x50xi32>
    %convert_element_type3A_247 = arith.extui %eq3A_246 : vector<8x50xi1> to vector<8x50xi32>
    %convert_element_type3A_248 = arith.sitofp %convert_element_type3A_247 : vector<8x50xi32> to vector<8x50xf32>
    %sub3A_249 = arith.constant 1.000000e+00 : f32
    %sub3A_250 = vector.broadcast %sub3A_249 : f32 to vector<8x1xf32>
    %sub3A_251 = arith.subf %sub3A_250, %broadcast_in_dim3A_77 : vector<8x1xf32>
    %mul3A_252 = arith.mulf %broadcast_in_dim3A_77, %sub3A_251 : vector<8x1xf32>
    %mul3A_253 = vector.broadcast %mul3A_252 : vector<8x1xf32> to vector<8x50xf32>
    %mul3A_254 = arith.mulf %convert_element_type3A_248, %mul3A_253 : vector<8x50xf32>
    %get3A_255 = arith.constant 0 : index
    %get3A_256 = arith.constant 0 : index
    %get3A_257 = vector.load %arg3[%get3A_255, %get3A_256] : memref<50x256xf32, #tpu.memory_space<vmem>>, vector<50x256xf32>
    %dot_general3A_258 = arith.constant dense<0.000000e+00> : vector<8x256xf32>
    %dot_general3A_259 = tpu.matmul %mul3A_254, %get3A_257, %dot_general3A_258 {dimension_numbers = #tpu.dot_dimension_numbers<[1], [0], [0], [1], [0, 0, 1, 1], [], []>, transpose_lhs_hint = false} : vector<8x50xf32>, vector<50x256xf32>, vector<8x256xf32> -> vector<8x256xf32>
    %broadcast_in_dim3A_260 = vector.shape_cast %dot_general3A_259 : vector<8x256xf32> to vector<8x1x256xf32>
    %mul3A_261 = vector.broadcast %broadcast_in_dim3A_77 : vector<8x1xf32> to vector<8x256xf32>
    %mul3A_262 = arith.mulf %dot_general3A_259, %mul3A_261 : vector<8x256xf32>
    %broadcast_in_dim3A_263 = vector.shape_cast %mul3A_262 : vector<8x256xf32> to vector<8x1x256xf32>
    %eq3A_264 = vector.broadcast %broadcast_in_dim3A_101 : vector<8x1xi32> to vector<8x50xi32>
    %eq3A_265 = arith.cmpi eq, %iota3A, %eq3A_264 : vector<8x50xi32>
    %convert_element_type3A_266 = arith.extui %eq3A_265 : vector<8x50xi1> to vector<8x50xi32>
    %convert_element_type3A_267 = arith.sitofp %convert_element_type3A_266 : vector<8x50xi32> to vector<8x50xf32>
    %sub3A_268 = arith.constant 1.000000e+00 : f32
    %sub3A_269 = vector.broadcast %sub3A_268 : f32 to vector<8x1xf32>
    %sub3A_270 = arith.subf %sub3A_269, %broadcast_in_dim3A_93 : vector<8x1xf32>
    %mul3A_271 = arith.mulf %broadcast_in_dim3A_93, %sub3A_270 : vector<8x1xf32>
    %mul3A_272 = vector.broadcast %mul3A_271 : vector<8x1xf32> to vector<8x50xf32>
    %mul3A_273 = arith.mulf %convert_element_type3A_267, %mul3A_272 : vector<8x50xf32>
    %get3A_274 = arith.constant 0 : index
    %get3A_275 = arith.constant 0 : index
    %get3A_276 = vector.load %arg3[%get3A_274, %get3A_275] : memref<50x256xf32, #tpu.memory_space<vmem>>, vector<50x256xf32>
    %dot_general3A_277 = arith.constant dense<0.000000e+00> : vector<8x256xf32>
    %dot_general3A_278 = tpu.matmul %mul3A_273, %get3A_276, %dot_general3A_277 {dimension_numbers = #tpu.dot_dimension_numbers<[1], [0], [0], [1], [0, 0, 1, 1], [], []>, transpose_lhs_hint = false} : vector<8x50xf32>, vector<50x256xf32>, vector<8x256xf32> -> vector<8x256xf32>
    %broadcast_in_dim3A_279 = vector.shape_cast %dot_general3A_278 : vector<8x256xf32> to vector<8x1x256xf32>
    %mul3A_280 = vector.broadcast %broadcast_in_dim3A_93 : vector<8x1xf32> to vector<8x256xf32>
    %mul3A_281 = arith.mulf %dot_general3A_278, %mul3A_280 : vector<8x256xf32>
    %broadcast_in_dim3A_282 = vector.shape_cast %mul3A_281 : vector<8x256xf32> to vector<8x1x256xf32>
    %eq3A_283 = vector.broadcast %broadcast_in_dim3A_117 : vector<8x1xi32> to vector<8x50xi32>
    %eq3A_284 = arith.cmpi eq, %iota3A, %eq3A_283 : vector<8x50xi32>
    %convert_element_type3A_285 = arith.extui %eq3A_284 : vector<8x50xi1> to vector<8x50xi32>
    %convert_element_type3A_286 = arith.sitofp %convert_element_type3A_285 : vector<8x50xi32> to vector<8x50xf32>
    %sub3A_287 = arith.constant 1.000000e+00 : f32
    %sub3A_288 = vector.broadcast %sub3A_287 : f32 to vector<8x1xf32>
    %sub3A_289 = arith.subf %sub3A_288, %broadcast_in_dim3A_109 : vector<8x1xf32>
    %mul3A_290 = arith.mulf %broadcast_in_dim3A_109, %sub3A_289 : vector<8x1xf32>
    %mul3A_291 = vector.broadcast %mul3A_290 : vector<8x1xf32> to vector<8x50xf32>
    %mul3A_292 = arith.mulf %convert_element_type3A_286, %mul3A_291 : vector<8x50xf32>
    %get3A_293 = arith.constant 0 : index
    %get3A_294 = arith.constant 0 : index
    %get3A_295 = vector.load %arg3[%get3A_293, %get3A_294] : memref<50x256xf32, #tpu.memory_space<vmem>>, vector<50x256xf32>
    %dot_general3A_296 = arith.constant dense<0.000000e+00> : vector<8x256xf32>
    %dot_general3A_297 = tpu.matmul %mul3A_292, %get3A_295, %dot_general3A_296 {dimension_numbers = #tpu.dot_dimension_numbers<[1], [0], [0], [1], [0, 0, 1, 1], [], []>, transpose_lhs_hint = false} : vector<8x50xf32>, vector<50x256xf32>, vector<8x256xf32> -> vector<8x256xf32>
    %broadcast_in_dim3A_298 = vector.shape_cast %dot_general3A_297 : vector<8x256xf32> to vector<8x1x256xf32>
    %mul3A_299 = vector.broadcast %broadcast_in_dim3A_109 : vector<8x1xf32> to vector<8x256xf32>
    %mul3A_300 = arith.mulf %dot_general3A_297, %mul3A_299 : vector<8x256xf32>
    %broadcast_in_dim3A_301 = vector.shape_cast %mul3A_300 : vector<8x256xf32> to vector<8x1x256xf32>
    %eq3A_302 = vector.broadcast %broadcast_in_dim3A_133 : vector<8x1xi32> to vector<8x50xi32>
    %eq3A_303 = arith.cmpi eq, %iota3A, %eq3A_302 : vector<8x50xi32>
    %convert_element_type3A_304 = arith.extui %eq3A_303 : vector<8x50xi1> to vector<8x50xi32>
    %convert_element_type3A_305 = arith.sitofp %convert_element_type3A_304 : vector<8x50xi32> to vector<8x50xf32>
    %sub3A_306 = arith.constant 1.000000e+00 : f32
    %sub3A_307 = vector.broadcast %sub3A_306 : f32 to vector<8x1xf32>
    %sub3A_308 = arith.subf %sub3A_307, %broadcast_in_dim3A_125 : vector<8x1xf32>
    %mul3A_309 = arith.mulf %broadcast_in_dim3A_125, %sub3A_308 : vector<8x1xf32>
    %mul3A_310 = vector.broadcast %mul3A_309 : vector<8x1xf32> to vector<8x50xf32>
    %mul3A_311 = arith.mulf %convert_element_type3A_305, %mul3A_310 : vector<8x50xf32>
    %get3A_312 = arith.constant 0 : index
    %get3A_313 = arith.constant 0 : index
    %get3A_314 = vector.load %arg3[%get3A_312, %get3A_313] : memref<50x256xf32, #tpu.memory_space<vmem>>, vector<50x256xf32>
    %dot_general3A_315 = arith.constant dense<0.000000e+00> : vector<8x256xf32>
    %dot_general3A_316 = tpu.matmul %mul3A_311, %get3A_314, %dot_general3A_315 {dimension_numbers = #tpu.dot_dimension_numbers<[1], [0], [0], [1], [0, 0, 1, 1], [], []>, transpose_lhs_hint = false} : vector<8x50xf32>, vector<50x256xf32>, vector<8x256xf32> -> vector<8x256xf32>
    %broadcast_in_dim3A_317 = vector.shape_cast %dot_general3A_316 : vector<8x256xf32> to vector<8x1x256xf32>
    %mul3A_318 = vector.broadcast %broadcast_in_dim3A_125 : vector<8x1xf32> to vector<8x256xf32>
    %mul3A_319 = arith.mulf %dot_general3A_316, %mul3A_318 : vector<8x256xf32>
    %broadcast_in_dim3A_320 = vector.shape_cast %mul3A_319 : vector<8x256xf32> to vector<8x1x256xf32>
    %eq3A_321 = vector.broadcast %broadcast_in_dim3A_149 : vector<8x1xi32> to vector<8x50xi32>
    %eq3A_322 = arith.cmpi eq, %iota3A, %eq3A_321 : vector<8x50xi32>
    %convert_element_type3A_323 = arith.extui %eq3A_322 : vector<8x50xi1> to vector<8x50xi32>
    %convert_element_type3A_324 = arith.sitofp %convert_element_type3A_323 : vector<8x50xi32> to vector<8x50xf32>
    %sub3A_325 = arith.constant 1.000000e+00 : f32
    %sub3A_326 = vector.broadcast %sub3A_325 : f32 to vector<8x1xf32>
    %sub3A_327 = arith.subf %sub3A_326, %broadcast_in_dim3A_141 : vector<8x1xf32>
    %mul3A_328 = arith.mulf %broadcast_in_dim3A_141, %sub3A_327 : vector<8x1xf32>
    %mul3A_329 = vector.broadcast %mul3A_328 : vector<8x1xf32> to vector<8x50xf32>
    %mul3A_330 = arith.mulf %convert_element_type3A_324, %mul3A_329 : vector<8x50xf32>
    %get3A_331 = arith.constant 0 : index
    %get3A_332 = arith.constant 0 : index
    %get3A_333 = vector.load %arg3[%get3A_331, %get3A_332] : memref<50x256xf32, #tpu.memory_space<vmem>>, vector<50x256xf32>
    %dot_general3A_334 = arith.constant dense<0.000000e+00> : vector<8x256xf32>
    %dot_general3A_335 = tpu.matmul %mul3A_330, %get3A_333, %dot_general3A_334 {dimension_numbers = #tpu.dot_dimension_numbers<[1], [0], [0], [1], [0, 0, 1, 1], [], []>, transpose_lhs_hint = false} : vector<8x50xf32>, vector<50x256xf32>, vector<8x256xf32> -> vector<8x256xf32>
    %broadcast_in_dim3A_336 = vector.shape_cast %dot_general3A_335 : vector<8x256xf32> to vector<8x1x256xf32>
    %mul3A_337 = vector.broadcast %broadcast_in_dim3A_141 : vector<8x1xf32> to vector<8x256xf32>
    %mul3A_338 = arith.mulf %dot_general3A_335, %mul3A_337 : vector<8x256xf32>
    %broadcast_in_dim3A_339 = vector.shape_cast %mul3A_338 : vector<8x256xf32> to vector<8x1x256xf32>
    %eq3A_340 = vector.broadcast %broadcast_in_dim3A_165 : vector<8x1xi32> to vector<8x50xi32>
    %eq3A_341 = arith.cmpi eq, %iota3A, %eq3A_340 : vector<8x50xi32>
    %convert_element_type3A_342 = arith.extui %eq3A_341 : vector<8x50xi1> to vector<8x50xi32>
    %convert_element_type3A_343 = arith.sitofp %convert_element_type3A_342 : vector<8x50xi32> to vector<8x50xf32>
    %sub3A_344 = arith.constant 1.000000e+00 : f32
    %sub3A_345 = vector.broadcast %sub3A_344 : f32 to vector<8x1xf32>
    %sub3A_346 = arith.subf %sub3A_345, %broadcast_in_dim3A_157 : vector<8x1xf32>
    %mul3A_347 = arith.mulf %broadcast_in_dim3A_157, %sub3A_346 : vector<8x1xf32>
    %mul3A_348 = vector.broadcast %mul3A_347 : vector<8x1xf32> to vector<8x50xf32>
    %mul3A_349 = arith.mulf %convert_element_type3A_343, %mul3A_348 : vector<8x50xf32>
    %get3A_350 = arith.constant 0 : index
    %get3A_351 = arith.constant 0 : index
    %get3A_352 = vector.load %arg3[%get3A_350, %get3A_351] : memref<50x256xf32, #tpu.memory_space<vmem>>, vector<50x256xf32>
    %dot_general3A_353 = arith.constant dense<0.000000e+00> : vector<8x256xf32>
    %dot_general3A_354 = tpu.matmul %mul3A_349, %get3A_352, %dot_general3A_353 {dimension_numbers = #tpu.dot_dimension_numbers<[1], [0], [0], [1], [0, 0, 1, 1], [], []>, transpose_lhs_hint = false} : vector<8x50xf32>, vector<50x256xf32>, vector<8x256xf32> -> vector<8x256xf32>
    %broadcast_in_dim3A_355 = vector.shape_cast %dot_general3A_354 : vector<8x256xf32> to vector<8x1x256xf32>
    %mul3A_356 = vector.broadcast %broadcast_in_dim3A_157 : vector<8x1xf32> to vector<8x256xf32>
    %mul3A_357 = arith.mulf %dot_general3A_354, %mul3A_356 : vector<8x256xf32>
    %broadcast_in_dim3A_358 = vector.shape_cast %mul3A_357 : vector<8x256xf32> to vector<8x1x256xf32>
    %concatenate3A_359 = tpu.concatenate %broadcast_in_dim3A_184, %broadcast_in_dim3A_203, %broadcast_in_dim3A_222, %broadcast_in_dim3A_241, %broadcast_in_dim3A_260, %broadcast_in_dim3A_279, %broadcast_in_dim3A_298, %broadcast_in_dim3A_317, %broadcast_in_dim3A_336, %broadcast_in_dim3A_355 in 1 : vector<8x1x256xf32>, vector<8x1x256xf32>, vector<8x1x256xf32>, vector<8x1x256xf32>, vector<8x1x256xf32>, vector<8x1x256xf32>, vector<8x1x256xf32>, vector<8x1x256xf32>, vector<8x1x256xf32>, vector<8x1x256xf32> -> vector<8x10x256xf32>
    %swap3A_360 = arith.constant 0 : index
    %swap3A_361 = arith.constant 0 : index
    %swap3A_362 = arith.constant 0 : index
    %swap3A_363 = vector.load %arg6[%swap3A_360, %swap3A_361, %swap3A_362] : memref<8x10x256xf32, #tpu.memory_space<vmem>>, vector<8x10x256xf32>
    tpu.vector_store %arg6[%swap3A_360, %swap3A_361, %swap3A_362], %concatenate3A_359 {strides = array<i32>} : memref<8x10x256xf32, #tpu.memory_space<vmem>>, vector<8x10x256xf32>,
    %concatenate3A_364 = tpu.concatenate %broadcast_in_dim3A_187, %broadcast_in_dim3A_206, %broadcast_in_dim3A_225, %broadcast_in_dim3A_244, %broadcast_in_dim3A_263, %broadcast_in_dim3A_282, %broadcast_in_dim3A_301, %broadcast_in_dim3A_320, %broadcast_in_dim3A_339, %broadcast_in_dim3A_358 in 1 : vector<8x1x256xf32>, vector<8x1x256xf32>, vector<8x1x256xf32>, vector<8x1x256xf32>, vector<8x1x256xf32>, vector<8x1x256xf32>, vector<8x1x256xf32>, vector<8x1x256xf32>, vector<8x1x256xf32>, vector<8x1x256xf32> -> vector<8x10x256xf32>
    %swap3A_365 = arith.constant 0 : index
    %swap3A_366 = arith.constant 0 : index
    %swap3A_367 = arith.constant 0 : index
    %swap3A_368 = vector.load %arg7[%swap3A_365, %swap3A_366, %swap3A_367] : memref<8x10x256xf32, #tpu.memory_space<vmem>>, vector<8x10x256xf32>
    tpu.vector_store %arg7[%swap3A_365, %swap3A_366, %swap3A_367], %concatenate3A_364 {strides = array<i32>} : memref<8x10x256xf32, #tpu.memory_space<vmem>>, vector<8x10x256xf32>,
    return
  }
}

module attributes {stable_mosaic.version = 14 : i64} {
  func.func @_node_rel_body(%arg0: i32, %arg1: memref<1x250x1024xf32, #tpu.memory_space<vmem>>, %arg2: memref<1x250x256xf32, #tpu.memory_space<vmem>>, %arg3: memref<1x250x128xf32, #tpu.memory_space<vmem>>, %arg4: memref<1x250x128xf32, #tpu.memory_space<vmem>>, %arg5: memref<1x1x250xf32, #tpu.memory_space<vmem>>, %arg6: memref<1x10x256xf32, #tpu.memory_space<vmem>>, %arg7: memref<256x1024xf32, #tpu.memory_space<vmem>>, %arg8: memref<256x128xf32, #tpu.memory_space<vmem>>, %arg9: memref<1x250x16xf32, #tpu.memory_space<vmem>>) attributes {dimension_semantics = [#tpu.dimension_semantics<arbitrary>], iteration_bounds = array<i64: 8>, scalar_prefetch = 0 : i64, scratch_operands = 0 : i64, tpu.core_type = #tpu.core_type<tc>, window_params = [{transform_indices = @transform_0, window_bounds = array<i64: 1, 250, 1024>}, {transform_indices = @transform_1, window_bounds = array<i64: 1, 250, 256>}, {transform_indices = @transform_2, window_bounds = array<i64: 1, 250, 128>}, {transform_indices = @transform_3, window_bounds = array<i64: 1, 250, 128>}, {transform_indices = @transform_4, window_bounds = array<i64: 1, 1, 250>}, {transform_indices = @transform_5, window_bounds = array<i64: 1, 10, 256>}, {pipeline_mode = #tpu.pipeline_mode<synchronous>, transform_indices = @transform_6, window_bounds = array<i64: 256, 1024>}, {pipeline_mode = #tpu.pipeline_mode<synchronous>, transform_indices = @transform_7, window_bounds = array<i64: 256, 128>}, {transform_indices = @transform_8, window_bounds = array<i64: 1, 250, 16>}]} {
    %get3A = arith.constant 0 : index
    %get3A_0 = arith.constant 0 : index
    %get3A_1 = arith.constant 0 : index
    %get3A_2 = vector.load %arg2[%get3A, %get3A_0, %get3A_1] : memref<1x250x256xf32, #tpu.memory_space<vmem>>, vector<1x250x256xf32>
    %get3A_3 = vector.shape_cast %get3A_2 : vector<1x250x256xf32> to vector<250x256xf32>
    %gt3A = arith.constant 0.000000e+00 : f32
    %gt3A_4 = vector.broadcast %gt3A : f32 to vector<250x256xf32>
    %gt3A_5 = arith.cmpf ogt, %get3A_3, %gt3A_4 : vector<250x256xf32>
    %convert_element_type3A = arith.extui %gt3A_5 : vector<250x256xi1> to vector<250x256xi32>
    %convert_element_type3A_6 = arith.sitofp %convert_element_type3A : vector<250x256xi32> to vector<250x256xf32>
    %get3A_7 = arith.constant 0 : index
    %get3A_8 = arith.constant 0 : index
    %get3A_9 = arith.constant 0 : index
    %get3A_10 = vector.load %arg1[%get3A_7, %get3A_8, %get3A_9] : memref<1x250x1024xf32, #tpu.memory_space<vmem>>, vector<1x250x1024xf32>
    %get3A_11 = vector.shape_cast %get3A_10 : vector<1x250x1024xf32> to vector<250x1024xf32>
    %get3A_12 = arith.constant 0 : index
    %get3A_13 = arith.constant 0 : index
    %get3A_14 = arith.constant 0 : index
    %get3A_15 = vector.load %arg3[%get3A_12, %get3A_13, %get3A_14] : memref<1x250x128xf32, #tpu.memory_space<vmem>>, vector<1x250x128xf32>
    %get3A_16 = vector.shape_cast %get3A_15 : vector<1x250x128xf32> to vector<250x128xf32>
    %get3A_17 = arith.constant 0 : index
    %get3A_18 = arith.constant 0 : index
    %get3A_19 = arith.constant 0 : index
    %get3A_20 = vector.load %arg4[%get3A_17, %get3A_18, %get3A_19] : memref<1x250x128xf32, #tpu.memory_space<vmem>>, vector<1x250x128xf32>
    %get3A_21 = vector.shape_cast %get3A_20 : vector<1x250x128xf32> to vector<250x128xf32>
    %iota3A = tpu.iota {dimensions = array<i32: 1>} : vector<250x16xi32>
    %broadcast_in_dim3A = arith.constant 0.000000e+00 : f32
    %broadcast_in_dim3A_22 = vector.broadcast %broadcast_in_dim3A : f32 to vector<250x16xf32>
    %get3A_23 = arith.constant 0 : index
    %get3A_24 = arith.constant 0 : index
    %get3A_25 = arith.constant 0 : index
    %get3A_26 = vector.load %arg6[%get3A_23, %get3A_24, %get3A_25] : memref<1x10x256xf32, #tpu.memory_space<vmem>>, vector<1x1x256xf32>
    %get3A_27 = vector.shape_cast %get3A_26 : vector<1x1x256xf32> to vector<256xf32>
    %broadcast_in_dim3A_28 = vector.shape_cast %get3A_27 : vector<256xf32> to vector<1x256xf32>
    %mul3A = vector.broadcast %broadcast_in_dim3A_28 : vector<1x256xf32> to vector<250x256xf32>
    %mul3A_29 = arith.mulf %convert_element_type3A_6, %mul3A : vector<250x256xf32>
    %get3A_30 = arith.constant 0 : index
    %get3A_31 = arith.constant 0 : index
    %get3A_32 = vector.load %arg7[%get3A_30, %get3A_31] : memref<256x1024xf32, #tpu.memory_space<vmem>>, vector<256x1024xf32>
    %dot_general3A = arith.constant dense<0.000000e+00> : vector<250x1024xf32>
    %dot_general3A_33 = tpu.matmul %mul3A_29, %get3A_32, %dot_general3A {dimension_numbers = #tpu.dot_dimension_numbers<[1], [0], [0], [1], [0, 0, 1, 1], [], []>, transpose_lhs_hint = false} : vector<250x256xf32>, vector<256x1024xf32>, vector<250x1024xf32> -> vector<250x1024xf32>
    %mul3A_34 = arith.mulf %get3A_11, %dot_general3A_33 : vector<250x1024xf32>
    %max3A = arith.constant 0.000000e+00 : f32
    %max3A_35 = vector.broadcast %max3A : f32 to vector<250x1024xf32>
    %max3A_36 = arith.maximumf %mul3A_34, %max3A_35 : vector<250x1024xf32>
    %reduce_sum3A = arith.constant dense<0.000000e+00> : vector<250xf32>
    %reduce_sum3A_37 = vector.multi_reduction <add>, %max3A_36, %reduce_sum3A [1] : vector<250x1024xf32> to vector<250xf32>
    %get3A_38 = arith.constant 0 : index
    %get3A_39 = arith.constant 0 : index
    %get3A_40 = vector.load %arg8[%get3A_38, %get3A_39] : memref<256x128xf32, #tpu.memory_space<vmem>>, vector<256x128xf32>
    %dot_general3A_41 = arith.constant dense<0.000000e+00> : vector<250x128xf32>
    %dot_general3A_42 = tpu.matmul %mul3A_29, %get3A_40, %dot_general3A_41 {dimension_numbers = #tpu.dot_dimension_numbers<[1], [0], [0], [1], [0, 0, 1, 1], [], []>, transpose_lhs_hint = false} : vector<250x256xf32>, vector<256x128xf32>, vector<250x128xf32> -> vector<250x128xf32>
    %mul3A_43 = arith.constant 0.0204081628 : f32
    %mul3A_44 = vector.broadcast %mul3A_43 : f32 to vector<250x128xf32>
    %mul3A_45 = arith.mulf %dot_general3A_42, %mul3A_44 : vector<250x128xf32>
    %max3A_46 = arith.constant 0.000000e+00 : f32
    %max3A_47 = vector.broadcast %max3A_46 : f32 to vector<250x128xf32>
    %max3A_48 = arith.maximumf %mul3A_45, %max3A_47 : vector<250x128xf32>
    %mul3A_49 = arith.mulf %max3A_48, %get3A_16 : vector<250x128xf32>
    %neg3A = arith.constant 0.000000e+00 : f32
    %neg3A_50 = vector.broadcast %neg3A : f32 to vector<250x128xf32>
    %neg3A_51 = arith.subf %neg3A_50, %mul3A_45 : vector<250x128xf32>
    %max3A_52 = arith.constant 0.000000e+00 : f32
    %max3A_53 = vector.broadcast %max3A_52 : f32 to vector<250x128xf32>
    %max3A_54 = arith.maximumf %neg3A_51, %max3A_53 : vector<250x128xf32>
    %mul3A_55 = arith.mulf %max3A_54, %get3A_21 : vector<250x128xf32>
    %add3A = arith.addf %mul3A_49, %mul3A_55 : vector<250x128xf32>
    %reduce_sum3A_56 = arith.constant dense<0.000000e+00> : vector<250xf32>
    %reduce_sum3A_57 = vector.multi_reduction <add>, %add3A, %reduce_sum3A_56 [1] : vector<250x128xf32> to vector<250xf32>
    %eq3A = arith.constant 0 : i32
    %eq3A_58 = vector.broadcast %eq3A : i32 to vector<250x16xi32>
    %eq3A_59 = arith.cmpi eq, %iota3A, %eq3A_58 : vector<250x16xi32>
    %add3A_60 = arith.addf %reduce_sum3A_37, %reduce_sum3A_57 : vector<250xf32>
    %broadcast_in_dim3A_61 = vector.shape_cast %add3A_60 : vector<250xf32> to vector<250x1xf32>
    %broadcast_in_dim3A_62 = vector.shape_cast %broadcast_in_dim3A_61 : vector<250x1xf32> to vector<250x1xf32>
    %broadcast_in_dim3A_63 = vector.broadcast %broadcast_in_dim3A_62 : vector<250x1xf32> to vector<250x16xf32>
    %select_n3A = arith.select %eq3A_59, %broadcast_in_dim3A_63, %broadcast_in_dim3A_22 : vector<250x16xi1>, vector<250x16xf32>
    %get3A_64 = arith.constant 0 : index
    %get3A_65 = arith.constant 1 : index
    %get3A_66 = arith.constant 0 : index
    %get3A_67 = vector.load %arg6[%get3A_64, %get3A_65, %get3A_66] : memref<1x10x256xf32, #tpu.memory_space<vmem>>, vector<1x1x256xf32>
    %get3A_68 = vector.shape_cast %get3A_67 : vector<1x1x256xf32> to vector<256xf32>
    %broadcast_in_dim3A_69 = vector.shape_cast %get3A_68 : vector<256xf32> to vector<1x256xf32>
    %mul3A_70 = vector.broadcast %broadcast_in_dim3A_69 : vector<1x256xf32> to vector<250x256xf32>
    %mul3A_71 = arith.mulf %convert_element_type3A_6, %mul3A_70 : vector<250x256xf32>
    %get3A_72 = arith.constant 0 : index
    %get3A_73 = arith.constant 0 : index
    %get3A_74 = vector.load %arg7[%get3A_72, %get3A_73] : memref<256x1024xf32, #tpu.memory_space<vmem>>, vector<256x1024xf32>
    %dot_general3A_75 = arith.constant dense<0.000000e+00> : vector<250x1024xf32>
    %dot_general3A_76 = tpu.matmul %mul3A_71, %get3A_74, %dot_general3A_75 {dimension_numbers = #tpu.dot_dimension_numbers<[1], [0], [0], [1], [0, 0, 1, 1], [], []>, transpose_lhs_hint = false} : vector<250x256xf32>, vector<256x1024xf32>, vector<250x1024xf32> -> vector<250x1024xf32>
    %mul3A_77 = arith.mulf %get3A_11, %dot_general3A_76 : vector<250x1024xf32>
    %max3A_78 = arith.constant 0.000000e+00 : f32
    %max3A_79 = vector.broadcast %max3A_78 : f32 to vector<250x1024xf32>
    %max3A_80 = arith.maximumf %mul3A_77, %max3A_79 : vector<250x1024xf32>
    %reduce_sum3A_81 = arith.constant dense<0.000000e+00> : vector<250xf32>
    %reduce_sum3A_82 = vector.multi_reduction <add>, %max3A_80, %reduce_sum3A_81 [1] : vector<250x1024xf32> to vector<250xf32>
    %get3A_83 = arith.constant 0 : index
    %get3A_84 = arith.constant 0 : index
    %get3A_85 = vector.load %arg8[%get3A_83, %get3A_84] : memref<256x128xf32, #tpu.memory_space<vmem>>, vector<256x128xf32>
    %dot_general3A_86 = arith.constant dense<0.000000e+00> : vector<250x128xf32>
    %dot_general3A_87 = tpu.matmul %mul3A_71, %get3A_85, %dot_general3A_86 {dimension_numbers = #tpu.dot_dimension_numbers<[1], [0], [0], [1], [0, 0, 1, 1], [], []>, transpose_lhs_hint = false} : vector<250x256xf32>, vector<256x128xf32>, vector<250x128xf32> -> vector<250x128xf32>
    %mul3A_88 = arith.constant 0.0204081628 : f32
    %mul3A_89 = vector.broadcast %mul3A_88 : f32 to vector<250x128xf32>
    %mul3A_90 = arith.mulf %dot_general3A_87, %mul3A_89 : vector<250x128xf32>
    %max3A_91 = arith.constant 0.000000e+00 : f32
    %max3A_92 = vector.broadcast %max3A_91 : f32 to vector<250x128xf32>
    %max3A_93 = arith.maximumf %mul3A_90, %max3A_92 : vector<250x128xf32>
    %mul3A_94 = arith.mulf %max3A_93, %get3A_16 : vector<250x128xf32>
    %neg3A_95 = arith.constant 0.000000e+00 : f32
    %neg3A_96 = vector.broadcast %neg3A_95 : f32 to vector<250x128xf32>
    %neg3A_97 = arith.subf %neg3A_96, %mul3A_90 : vector<250x128xf32>
    %max3A_98 = arith.constant 0.000000e+00 : f32
    %max3A_99 = vector.broadcast %max3A_98 : f32 to vector<250x128xf32>
    %max3A_100 = arith.maximumf %neg3A_97, %max3A_99 : vector<250x128xf32>
    %mul3A_101 = arith.mulf %max3A_100, %get3A_21 : vector<250x128xf32>
    %add3A_102 = arith.addf %mul3A_94, %mul3A_101 : vector<250x128xf32>
    %reduce_sum3A_103 = arith.constant dense<0.000000e+00> : vector<250xf32>
    %reduce_sum3A_104 = vector.multi_reduction <add>, %add3A_102, %reduce_sum3A_103 [1] : vector<250x128xf32> to vector<250xf32>
    %eq3A_105 = arith.constant 1 : i32
    %eq3A_106 = vector.broadcast %eq3A_105 : i32 to vector<250x16xi32>
    %eq3A_107 = arith.cmpi eq, %iota3A, %eq3A_106 : vector<250x16xi32>
    %add3A_108 = arith.addf %reduce_sum3A_82, %reduce_sum3A_104 : vector<250xf32>
    %broadcast_in_dim3A_109 = vector.shape_cast %add3A_108 : vector<250xf32> to vector<250x1xf32>
    %broadcast_in_dim3A_110 = vector.shape_cast %broadcast_in_dim3A_109 : vector<250x1xf32> to vector<250x1xf32>
    %broadcast_in_dim3A_111 = vector.broadcast %broadcast_in_dim3A_110 : vector<250x1xf32> to vector<250x16xf32>
    %select_n3A_112 = arith.select %eq3A_107, %broadcast_in_dim3A_111, %select_n3A : vector<250x16xi1>, vector<250x16xf32>
    %get3A_113 = arith.constant 0 : index
    %get3A_114 = arith.constant 2 : index
    %get3A_115 = arith.constant 0 : index
    %get3A_116 = vector.load %arg6[%get3A_113, %get3A_114, %get3A_115] : memref<1x10x256xf32, #tpu.memory_space<vmem>>, vector<1x1x256xf32>
    %get3A_117 = vector.shape_cast %get3A_116 : vector<1x1x256xf32> to vector<256xf32>
    %broadcast_in_dim3A_118 = vector.shape_cast %get3A_117 : vector<256xf32> to vector<1x256xf32>
    %mul3A_119 = vector.broadcast %broadcast_in_dim3A_118 : vector<1x256xf32> to vector<250x256xf32>
    %mul3A_120 = arith.mulf %convert_element_type3A_6, %mul3A_119 : vector<250x256xf32>
    %get3A_121 = arith.constant 0 : index
    %get3A_122 = arith.constant 0 : index
    %get3A_123 = vector.load %arg7[%get3A_121, %get3A_122] : memref<256x1024xf32, #tpu.memory_space<vmem>>, vector<256x1024xf32>
    %dot_general3A_124 = arith.constant dense<0.000000e+00> : vector<250x1024xf32>
    %dot_general3A_125 = tpu.matmul %mul3A_120, %get3A_123, %dot_general3A_124 {dimension_numbers = #tpu.dot_dimension_numbers<[1], [0], [0], [1], [0, 0, 1, 1], [], []>, transpose_lhs_hint = false} : vector<250x256xf32>, vector<256x1024xf32>, vector<250x1024xf32> -> vector<250x1024xf32>
    %mul3A_126 = arith.mulf %get3A_11, %dot_general3A_125 : vector<250x1024xf32>
    %max3A_127 = arith.constant 0.000000e+00 : f32
    %max3A_128 = vector.broadcast %max3A_127 : f32 to vector<250x1024xf32>
    %max3A_129 = arith.maximumf %mul3A_126, %max3A_128 : vector<250x1024xf32>
    %reduce_sum3A_130 = arith.constant dense<0.000000e+00> : vector<250xf32>
    %reduce_sum3A_131 = vector.multi_reduction <add>, %max3A_129, %reduce_sum3A_130 [1] : vector<250x1024xf32> to vector<250xf32>
    %get3A_132 = arith.constant 0 : index
    %get3A_133 = arith.constant 0 : index
    %get3A_134 = vector.load %arg8[%get3A_132, %get3A_133] : memref<256x128xf32, #tpu.memory_space<vmem>>, vector<256x128xf32>
    %dot_general3A_135 = arith.constant dense<0.000000e+00> : vector<250x128xf32>
    %dot_general3A_136 = tpu.matmul %mul3A_120, %get3A_134, %dot_general3A_135 {dimension_numbers = #tpu.dot_dimension_numbers<[1], [0], [0], [1], [0, 0, 1, 1], [], []>, transpose_lhs_hint = false} : vector<250x256xf32>, vector<256x128xf32>, vector<250x128xf32> -> vector<250x128xf32>
    %mul3A_137 = arith.constant 0.0204081628 : f32
    %mul3A_138 = vector.broadcast %mul3A_137 : f32 to vector<250x128xf32>
    %mul3A_139 = arith.mulf %dot_general3A_136, %mul3A_138 : vector<250x128xf32>
    %max3A_140 = arith.constant 0.000000e+00 : f32
    %max3A_141 = vector.broadcast %max3A_140 : f32 to vector<250x128xf32>
    %max3A_142 = arith.maximumf %mul3A_139, %max3A_141 : vector<250x128xf32>
    %mul3A_143 = arith.mulf %max3A_142, %get3A_16 : vector<250x128xf32>
    %neg3A_144 = arith.constant 0.000000e+00 : f32
    %neg3A_145 = vector.broadcast %neg3A_144 : f32 to vector<250x128xf32>
    %neg3A_146 = arith.subf %neg3A_145, %mul3A_139 : vector<250x128xf32>
    %max3A_147 = arith.constant 0.000000e+00 : f32
    %max3A_148 = vector.broadcast %max3A_147 : f32 to vector<250x128xf32>
    %max3A_149 = arith.maximumf %neg3A_146, %max3A_148 : vector<250x128xf32>
    %mul3A_150 = arith.mulf %max3A_149, %get3A_21 : vector<250x128xf32>
    %add3A_151 = arith.addf %mul3A_143, %mul3A_150 : vector<250x128xf32>
    %reduce_sum3A_152 = arith.constant dense<0.000000e+00> : vector<250xf32>
    %reduce_sum3A_153 = vector.multi_reduction <add>, %add3A_151, %reduce_sum3A_152 [1] : vector<250x128xf32> to vector<250xf32>
    %eq3A_154 = arith.constant 2 : i32
    %eq3A_155 = vector.broadcast %eq3A_154 : i32 to vector<250x16xi32>
    %eq3A_156 = arith.cmpi eq, %iota3A, %eq3A_155 : vector<250x16xi32>
    %add3A_157 = arith.addf %reduce_sum3A_131, %reduce_sum3A_153 : vector<250xf32>
    %broadcast_in_dim3A_158 = vector.shape_cast %add3A_157 : vector<250xf32> to vector<250x1xf32>
    %broadcast_in_dim3A_159 = vector.shape_cast %broadcast_in_dim3A_158 : vector<250x1xf32> to vector<250x1xf32>
    %broadcast_in_dim3A_160 = vector.broadcast %broadcast_in_dim3A_159 : vector<250x1xf32> to vector<250x16xf32>
    %select_n3A_161 = arith.select %eq3A_156, %broadcast_in_dim3A_160, %select_n3A_112 : vector<250x16xi1>, vector<250x16xf32>
    %get3A_162 = arith.constant 0 : index
    %get3A_163 = arith.constant 3 : index
    %get3A_164 = arith.constant 0 : index
    %get3A_165 = vector.load %arg6[%get3A_162, %get3A_163, %get3A_164] : memref<1x10x256xf32, #tpu.memory_space<vmem>>, vector<1x1x256xf32>
    %get3A_166 = vector.shape_cast %get3A_165 : vector<1x1x256xf32> to vector<256xf32>
    %broadcast_in_dim3A_167 = vector.shape_cast %get3A_166 : vector<256xf32> to vector<1x256xf32>
    %mul3A_168 = vector.broadcast %broadcast_in_dim3A_167 : vector<1x256xf32> to vector<250x256xf32>
    %mul3A_169 = arith.mulf %convert_element_type3A_6, %mul3A_168 : vector<250x256xf32>
    %get3A_170 = arith.constant 0 : index
    %get3A_171 = arith.constant 0 : index
    %get3A_172 = vector.load %arg7[%get3A_170, %get3A_171] : memref<256x1024xf32, #tpu.memory_space<vmem>>, vector<256x1024xf32>
    %dot_general3A_173 = arith.constant dense<0.000000e+00> : vector<250x1024xf32>
    %dot_general3A_174 = tpu.matmul %mul3A_169, %get3A_172, %dot_general3A_173 {dimension_numbers = #tpu.dot_dimension_numbers<[1], [0], [0], [1], [0, 0, 1, 1], [], []>, transpose_lhs_hint = false} : vector<250x256xf32>, vector<256x1024xf32>, vector<250x1024xf32> -> vector<250x1024xf32>
    %mul3A_175 = arith.mulf %get3A_11, %dot_general3A_174 : vector<250x1024xf32>
    %max3A_176 = arith.constant 0.000000e+00 : f32
    %max3A_177 = vector.broadcast %max3A_176 : f32 to vector<250x1024xf32>
    %max3A_178 = arith.maximumf %mul3A_175, %max3A_177 : vector<250x1024xf32>
    %reduce_sum3A_179 = arith.constant dense<0.000000e+00> : vector<250xf32>
    %reduce_sum3A_180 = vector.multi_reduction <add>, %max3A_178, %reduce_sum3A_179 [1] : vector<250x1024xf32> to vector<250xf32>
    %get3A_181 = arith.constant 0 : index
    %get3A_182 = arith.constant 0 : index
    %get3A_183 = vector.load %arg8[%get3A_181, %get3A_182] : memref<256x128xf32, #tpu.memory_space<vmem>>, vector<256x128xf32>
    %dot_general3A_184 = arith.constant dense<0.000000e+00> : vector<250x128xf32>
    %dot_general3A_185 = tpu.matmul %mul3A_169, %get3A_183, %dot_general3A_184 {dimension_numbers = #tpu.dot_dimension_numbers<[1], [0], [0], [1], [0, 0, 1, 1], [], []>, transpose_lhs_hint = false} : vector<250x256xf32>, vector<256x128xf32>, vector<250x128xf32> -> vector<250x128xf32>
    %mul3A_186 = arith.constant 0.0204081628 : f32
    %mul3A_187 = vector.broadcast %mul3A_186 : f32 to vector<250x128xf32>
    %mul3A_188 = arith.mulf %dot_general3A_185, %mul3A_187 : vector<250x128xf32>
    %max3A_189 = arith.constant 0.000000e+00 : f32
    %max3A_190 = vector.broadcast %max3A_189 : f32 to vector<250x128xf32>
    %max3A_191 = arith.maximumf %mul3A_188, %max3A_190 : vector<250x128xf32>
    %mul3A_192 = arith.mulf %max3A_191, %get3A_16 : vector<250x128xf32>
    %neg3A_193 = arith.constant 0.000000e+00 : f32
    %neg3A_194 = vector.broadcast %neg3A_193 : f32 to vector<250x128xf32>
    %neg3A_195 = arith.subf %neg3A_194, %mul3A_188 : vector<250x128xf32>
    %max3A_196 = arith.constant 0.000000e+00 : f32
    %max3A_197 = vector.broadcast %max3A_196 : f32 to vector<250x128xf32>
    %max3A_198 = arith.maximumf %neg3A_195, %max3A_197 : vector<250x128xf32>
    %mul3A_199 = arith.mulf %max3A_198, %get3A_21 : vector<250x128xf32>
    %add3A_200 = arith.addf %mul3A_192, %mul3A_199 : vector<250x128xf32>
    %reduce_sum3A_201 = arith.constant dense<0.000000e+00> : vector<250xf32>
    %reduce_sum3A_202 = vector.multi_reduction <add>, %add3A_200, %reduce_sum3A_201 [1] : vector<250x128xf32> to vector<250xf32>
    %eq3A_203 = arith.constant 3 : i32
    %eq3A_204 = vector.broadcast %eq3A_203 : i32 to vector<250x16xi32>
    %eq3A_205 = arith.cmpi eq, %iota3A, %eq3A_204 : vector<250x16xi32>
    %add3A_206 = arith.addf %reduce_sum3A_180, %reduce_sum3A_202 : vector<250xf32>
    %broadcast_in_dim3A_207 = vector.shape_cast %add3A_206 : vector<250xf32> to vector<250x1xf32>
    %broadcast_in_dim3A_208 = vector.shape_cast %broadcast_in_dim3A_207 : vector<250x1xf32> to vector<250x1xf32>
    %broadcast_in_dim3A_209 = vector.broadcast %broadcast_in_dim3A_208 : vector<250x1xf32> to vector<250x16xf32>
    %select_n3A_210 = arith.select %eq3A_205, %broadcast_in_dim3A_209, %select_n3A_161 : vector<250x16xi1>, vector<250x16xf32>
    %get3A_211 = arith.constant 0 : index
    %get3A_212 = arith.constant 4 : index
    %get3A_213 = arith.constant 0 : index
    %get3A_214 = vector.load %arg6[%get3A_211, %get3A_212, %get3A_213] : memref<1x10x256xf32, #tpu.memory_space<vmem>>, vector<1x1x256xf32>
    %get3A_215 = vector.shape_cast %get3A_214 : vector<1x1x256xf32> to vector<256xf32>
    %broadcast_in_dim3A_216 = vector.shape_cast %get3A_215 : vector<256xf32> to vector<1x256xf32>
    %mul3A_217 = vector.broadcast %broadcast_in_dim3A_216 : vector<1x256xf32> to vector<250x256xf32>
    %mul3A_218 = arith.mulf %convert_element_type3A_6, %mul3A_217 : vector<250x256xf32>
    %get3A_219 = arith.constant 0 : index
    %get3A_220 = arith.constant 0 : index
    %get3A_221 = vector.load %arg7[%get3A_219, %get3A_220] : memref<256x1024xf32, #tpu.memory_space<vmem>>, vector<256x1024xf32>
    %dot_general3A_222 = arith.constant dense<0.000000e+00> : vector<250x1024xf32>
    %dot_general3A_223 = tpu.matmul %mul3A_218, %get3A_221, %dot_general3A_222 {dimension_numbers = #tpu.dot_dimension_numbers<[1], [0], [0], [1], [0, 0, 1, 1], [], []>, transpose_lhs_hint = false} : vector<250x256xf32>, vector<256x1024xf32>, vector<250x1024xf32> -> vector<250x1024xf32>
    %mul3A_224 = arith.mulf %get3A_11, %dot_general3A_223 : vector<250x1024xf32>
    %max3A_225 = arith.constant 0.000000e+00 : f32
    %max3A_226 = vector.broadcast %max3A_225 : f32 to vector<250x1024xf32>
    %max3A_227 = arith.maximumf %mul3A_224, %max3A_226 : vector<250x1024xf32>
    %reduce_sum3A_228 = arith.constant dense<0.000000e+00> : vector<250xf32>
    %reduce_sum3A_229 = vector.multi_reduction <add>, %max3A_227, %reduce_sum3A_228 [1] : vector<250x1024xf32> to vector<250xf32>
    %get3A_230 = arith.constant 0 : index
    %get3A_231 = arith.constant 0 : index
    %get3A_232 = vector.load %arg8[%get3A_230, %get3A_231] : memref<256x128xf32, #tpu.memory_space<vmem>>, vector<256x128xf32>
    %dot_general3A_233 = arith.constant dense<0.000000e+00> : vector<250x128xf32>
    %dot_general3A_234 = tpu.matmul %mul3A_218, %get3A_232, %dot_general3A_233 {dimension_numbers = #tpu.dot_dimension_numbers<[1], [0], [0], [1], [0, 0, 1, 1], [], []>, transpose_lhs_hint = false} : vector<250x256xf32>, vector<256x128xf32>, vector<250x128xf32> -> vector<250x128xf32>
    %mul3A_235 = arith.constant 0.0204081628 : f32
    %mul3A_236 = vector.broadcast %mul3A_235 : f32 to vector<250x128xf32>
    %mul3A_237 = arith.mulf %dot_general3A_234, %mul3A_236 : vector<250x128xf32>
    %max3A_238 = arith.constant 0.000000e+00 : f32
    %max3A_239 = vector.broadcast %max3A_238 : f32 to vector<250x128xf32>
    %max3A_240 = arith.maximumf %mul3A_237, %max3A_239 : vector<250x128xf32>
    %mul3A_241 = arith.mulf %max3A_240, %get3A_16 : vector<250x128xf32>
    %neg3A_242 = arith.constant 0.000000e+00 : f32
    %neg3A_243 = vector.broadcast %neg3A_242 : f32 to vector<250x128xf32>
    %neg3A_244 = arith.subf %neg3A_243, %mul3A_237 : vector<250x128xf32>
    %max3A_245 = arith.constant 0.000000e+00 : f32
    %max3A_246 = vector.broadcast %max3A_245 : f32 to vector<250x128xf32>
    %max3A_247 = arith.maximumf %neg3A_244, %max3A_246 : vector<250x128xf32>
    %mul3A_248 = arith.mulf %max3A_247, %get3A_21 : vector<250x128xf32>
    %add3A_249 = arith.addf %mul3A_241, %mul3A_248 : vector<250x128xf32>
    %reduce_sum3A_250 = arith.constant dense<0.000000e+00> : vector<250xf32>
    %reduce_sum3A_251 = vector.multi_reduction <add>, %add3A_249, %reduce_sum3A_250 [1] : vector<250x128xf32> to vector<250xf32>
    %eq3A_252 = arith.constant 4 : i32
    %eq3A_253 = vector.broadcast %eq3A_252 : i32 to vector<250x16xi32>
    %eq3A_254 = arith.cmpi eq, %iota3A, %eq3A_253 : vector<250x16xi32>
    %add3A_255 = arith.addf %reduce_sum3A_229, %reduce_sum3A_251 : vector<250xf32>
    %broadcast_in_dim3A_256 = vector.shape_cast %add3A_255 : vector<250xf32> to vector<250x1xf32>
    %broadcast_in_dim3A_257 = vector.shape_cast %broadcast_in_dim3A_256 : vector<250x1xf32> to vector<250x1xf32>
    %broadcast_in_dim3A_258 = vector.broadcast %broadcast_in_dim3A_257 : vector<250x1xf32> to vector<250x16xf32>
    %select_n3A_259 = arith.select %eq3A_254, %broadcast_in_dim3A_258, %select_n3A_210 : vector<250x16xi1>, vector<250x16xf32>
    %get3A_260 = arith.constant 0 : index
    %get3A_261 = arith.constant 5 : index
    %get3A_262 = arith.constant 0 : index
    %get3A_263 = vector.load %arg6[%get3A_260, %get3A_261, %get3A_262] : memref<1x10x256xf32, #tpu.memory_space<vmem>>, vector<1x1x256xf32>
    %get3A_264 = vector.shape_cast %get3A_263 : vector<1x1x256xf32> to vector<256xf32>
    %broadcast_in_dim3A_265 = vector.shape_cast %get3A_264 : vector<256xf32> to vector<1x256xf32>
    %mul3A_266 = vector.broadcast %broadcast_in_dim3A_265 : vector<1x256xf32> to vector<250x256xf32>
    %mul3A_267 = arith.mulf %convert_element_type3A_6, %mul3A_266 : vector<250x256xf32>
    %get3A_268 = arith.constant 0 : index
    %get3A_269 = arith.constant 0 : index
    %get3A_270 = vector.load %arg7[%get3A_268, %get3A_269] : memref<256x1024xf32, #tpu.memory_space<vmem>>, vector<256x1024xf32>
    %dot_general3A_271 = arith.constant dense<0.000000e+00> : vector<250x1024xf32>
    %dot_general3A_272 = tpu.matmul %mul3A_267, %get3A_270, %dot_general3A_271 {dimension_numbers = #tpu.dot_dimension_numbers<[1], [0], [0], [1], [0, 0, 1, 1], [], []>, transpose_lhs_hint = false} : vector<250x256xf32>, vector<256x1024xf32>, vector<250x1024xf32> -> vector<250x1024xf32>
    %mul3A_273 = arith.mulf %get3A_11, %dot_general3A_272 : vector<250x1024xf32>
    %max3A_274 = arith.constant 0.000000e+00 : f32
    %max3A_275 = vector.broadcast %max3A_274 : f32 to vector<250x1024xf32>
    %max3A_276 = arith.maximumf %mul3A_273, %max3A_275 : vector<250x1024xf32>
    %reduce_sum3A_277 = arith.constant dense<0.000000e+00> : vector<250xf32>
    %reduce_sum3A_278 = vector.multi_reduction <add>, %max3A_276, %reduce_sum3A_277 [1] : vector<250x1024xf32> to vector<250xf32>
    %get3A_279 = arith.constant 0 : index
    %get3A_280 = arith.constant 0 : index
    %get3A_281 = vector.load %arg8[%get3A_279, %get3A_280] : memref<256x128xf32, #tpu.memory_space<vmem>>, vector<256x128xf32>
    %dot_general3A_282 = arith.constant dense<0.000000e+00> : vector<250x128xf32>
    %dot_general3A_283 = tpu.matmul %mul3A_267, %get3A_281, %dot_general3A_282 {dimension_numbers = #tpu.dot_dimension_numbers<[1], [0], [0], [1], [0, 0, 1, 1], [], []>, transpose_lhs_hint = false} : vector<250x256xf32>, vector<256x128xf32>, vector<250x128xf32> -> vector<250x128xf32>
    %mul3A_284 = arith.constant 0.0204081628 : f32
    %mul3A_285 = vector.broadcast %mul3A_284 : f32 to vector<250x128xf32>
    %mul3A_286 = arith.mulf %dot_general3A_283, %mul3A_285 : vector<250x128xf32>
    %max3A_287 = arith.constant 0.000000e+00 : f32
    %max3A_288 = vector.broadcast %max3A_287 : f32 to vector<250x128xf32>
    %max3A_289 = arith.maximumf %mul3A_286, %max3A_288 : vector<250x128xf32>
    %mul3A_290 = arith.mulf %max3A_289, %get3A_16 : vector<250x128xf32>
    %neg3A_291 = arith.constant 0.000000e+00 : f32
    %neg3A_292 = vector.broadcast %neg3A_291 : f32 to vector<250x128xf32>
    %neg3A_293 = arith.subf %neg3A_292, %mul3A_286 : vector<250x128xf32>
    %max3A_294 = arith.constant 0.000000e+00 : f32
    %max3A_295 = vector.broadcast %max3A_294 : f32 to vector<250x128xf32>
    %max3A_296 = arith.maximumf %neg3A_293, %max3A_295 : vector<250x128xf32>
    %mul3A_297 = arith.mulf %max3A_296, %get3A_21 : vector<250x128xf32>
    %add3A_298 = arith.addf %mul3A_290, %mul3A_297 : vector<250x128xf32>
    %reduce_sum3A_299 = arith.constant dense<0.000000e+00> : vector<250xf32>
    %reduce_sum3A_300 = vector.multi_reduction <add>, %add3A_298, %reduce_sum3A_299 [1] : vector<250x128xf32> to vector<250xf32>
    %eq3A_301 = arith.constant 5 : i32
    %eq3A_302 = vector.broadcast %eq3A_301 : i32 to vector<250x16xi32>
    %eq3A_303 = arith.cmpi eq, %iota3A, %eq3A_302 : vector<250x16xi32>
    %add3A_304 = arith.addf %reduce_sum3A_278, %reduce_sum3A_300 : vector<250xf32>
    %broadcast_in_dim3A_305 = vector.shape_cast %add3A_304 : vector<250xf32> to vector<250x1xf32>
    %broadcast_in_dim3A_306 = vector.shape_cast %broadcast_in_dim3A_305 : vector<250x1xf32> to vector<250x1xf32>
    %broadcast_in_dim3A_307 = vector.broadcast %broadcast_in_dim3A_306 : vector<250x1xf32> to vector<250x16xf32>
    %select_n3A_308 = arith.select %eq3A_303, %broadcast_in_dim3A_307, %select_n3A_259 : vector<250x16xi1>, vector<250x16xf32>
    %get3A_309 = arith.constant 0 : index
    %get3A_310 = arith.constant 6 : index
    %get3A_311 = arith.constant 0 : index
    %get3A_312 = vector.load %arg6[%get3A_309, %get3A_310, %get3A_311] : memref<1x10x256xf32, #tpu.memory_space<vmem>>, vector<1x1x256xf32>
    %get3A_313 = vector.shape_cast %get3A_312 : vector<1x1x256xf32> to vector<256xf32>
    %broadcast_in_dim3A_314 = vector.shape_cast %get3A_313 : vector<256xf32> to vector<1x256xf32>
    %mul3A_315 = vector.broadcast %broadcast_in_dim3A_314 : vector<1x256xf32> to vector<250x256xf32>
    %mul3A_316 = arith.mulf %convert_element_type3A_6, %mul3A_315 : vector<250x256xf32>
    %get3A_317 = arith.constant 0 : index
    %get3A_318 = arith.constant 0 : index
    %get3A_319 = vector.load %arg7[%get3A_317, %get3A_318] : memref<256x1024xf32, #tpu.memory_space<vmem>>, vector<256x1024xf32>
    %dot_general3A_320 = arith.constant dense<0.000000e+00> : vector<250x1024xf32>
    %dot_general3A_321 = tpu.matmul %mul3A_316, %get3A_319, %dot_general3A_320 {dimension_numbers = #tpu.dot_dimension_numbers<[1], [0], [0], [1], [0, 0, 1, 1], [], []>, transpose_lhs_hint = false} : vector<250x256xf32>, vector<256x1024xf32>, vector<250x1024xf32> -> vector<250x1024xf32>
    %mul3A_322 = arith.mulf %get3A_11, %dot_general3A_321 : vector<250x1024xf32>
    %max3A_323 = arith.constant 0.000000e+00 : f32
    %max3A_324 = vector.broadcast %max3A_323 : f32 to vector<250x1024xf32>
    %max3A_325 = arith.maximumf %mul3A_322, %max3A_324 : vector<250x1024xf32>
    %reduce_sum3A_326 = arith.constant dense<0.000000e+00> : vector<250xf32>
    %reduce_sum3A_327 = vector.multi_reduction <add>, %max3A_325, %reduce_sum3A_326 [1] : vector<250x1024xf32> to vector<250xf32>
    %get3A_328 = arith.constant 0 : index
    %get3A_329 = arith.constant 0 : index
    %get3A_330 = vector.load %arg8[%get3A_328, %get3A_329] : memref<256x128xf32, #tpu.memory_space<vmem>>, vector<256x128xf32>
    %dot_general3A_331 = arith.constant dense<0.000000e+00> : vector<250x128xf32>
    %dot_general3A_332 = tpu.matmul %mul3A_316, %get3A_330, %dot_general3A_331 {dimension_numbers = #tpu.dot_dimension_numbers<[1], [0], [0], [1], [0, 0, 1, 1], [], []>, transpose_lhs_hint = false} : vector<250x256xf32>, vector<256x128xf32>, vector<250x128xf32> -> vector<250x128xf32>
    %mul3A_333 = arith.constant 0.0204081628 : f32
    %mul3A_334 = vector.broadcast %mul3A_333 : f32 to vector<250x128xf32>
    %mul3A_335 = arith.mulf %dot_general3A_332, %mul3A_334 : vector<250x128xf32>
    %max3A_336 = arith.constant 0.000000e+00 : f32
    %max3A_337 = vector.broadcast %max3A_336 : f32 to vector<250x128xf32>
    %max3A_338 = arith.maximumf %mul3A_335, %max3A_337 : vector<250x128xf32>
    %mul3A_339 = arith.mulf %max3A_338, %get3A_16 : vector<250x128xf32>
    %neg3A_340 = arith.constant 0.000000e+00 : f32
    %neg3A_341 = vector.broadcast %neg3A_340 : f32 to vector<250x128xf32>
    %neg3A_342 = arith.subf %neg3A_341, %mul3A_335 : vector<250x128xf32>
    %max3A_343 = arith.constant 0.000000e+00 : f32
    %max3A_344 = vector.broadcast %max3A_343 : f32 to vector<250x128xf32>
    %max3A_345 = arith.maximumf %neg3A_342, %max3A_344 : vector<250x128xf32>
    %mul3A_346 = arith.mulf %max3A_345, %get3A_21 : vector<250x128xf32>
    %add3A_347 = arith.addf %mul3A_339, %mul3A_346 : vector<250x128xf32>
    %reduce_sum3A_348 = arith.constant dense<0.000000e+00> : vector<250xf32>
    %reduce_sum3A_349 = vector.multi_reduction <add>, %add3A_347, %reduce_sum3A_348 [1] : vector<250x128xf32> to vector<250xf32>
    %eq3A_350 = arith.constant 6 : i32
    %eq3A_351 = vector.broadcast %eq3A_350 : i32 to vector<250x16xi32>
    %eq3A_352 = arith.cmpi eq, %iota3A, %eq3A_351 : vector<250x16xi32>
    %add3A_353 = arith.addf %reduce_sum3A_327, %reduce_sum3A_349 : vector<250xf32>
    %broadcast_in_dim3A_354 = vector.shape_cast %add3A_353 : vector<250xf32> to vector<250x1xf32>
    %broadcast_in_dim3A_355 = vector.shape_cast %broadcast_in_dim3A_354 : vector<250x1xf32> to vector<250x1xf32>
    %broadcast_in_dim3A_356 = vector.broadcast %broadcast_in_dim3A_355 : vector<250x1xf32> to vector<250x16xf32>
    %select_n3A_357 = arith.select %eq3A_352, %broadcast_in_dim3A_356, %select_n3A_308 : vector<250x16xi1>, vector<250x16xf32>
    %get3A_358 = arith.constant 0 : index
    %get3A_359 = arith.constant 7 : index
    %get3A_360 = arith.constant 0 : index
    %get3A_361 = vector.load %arg6[%get3A_358, %get3A_359, %get3A_360] : memref<1x10x256xf32, #tpu.memory_space<vmem>>, vector<1x1x256xf32>
    %get3A_362 = vector.shape_cast %get3A_361 : vector<1x1x256xf32> to vector<256xf32>
    %broadcast_in_dim3A_363 = vector.shape_cast %get3A_362 : vector<256xf32> to vector<1x256xf32>
    %mul3A_364 = vector.broadcast %broadcast_in_dim3A_363 : vector<1x256xf32> to vector<250x256xf32>
    %mul3A_365 = arith.mulf %convert_element_type3A_6, %mul3A_364 : vector<250x256xf32>
    %get3A_366 = arith.constant 0 : index
    %get3A_367 = arith.constant 0 : index
    %get3A_368 = vector.load %arg7[%get3A_366, %get3A_367] : memref<256x1024xf32, #tpu.memory_space<vmem>>, vector<256x1024xf32>
    %dot_general3A_369 = arith.constant dense<0.000000e+00> : vector<250x1024xf32>
    %dot_general3A_370 = tpu.matmul %mul3A_365, %get3A_368, %dot_general3A_369 {dimension_numbers = #tpu.dot_dimension_numbers<[1], [0], [0], [1], [0, 0, 1, 1], [], []>, transpose_lhs_hint = false} : vector<250x256xf32>, vector<256x1024xf32>, vector<250x1024xf32> -> vector<250x1024xf32>
    %mul3A_371 = arith.mulf %get3A_11, %dot_general3A_370 : vector<250x1024xf32>
    %max3A_372 = arith.constant 0.000000e+00 : f32
    %max3A_373 = vector.broadcast %max3A_372 : f32 to vector<250x1024xf32>
    %max3A_374 = arith.maximumf %mul3A_371, %max3A_373 : vector<250x1024xf32>
    %reduce_sum3A_375 = arith.constant dense<0.000000e+00> : vector<250xf32>
    %reduce_sum3A_376 = vector.multi_reduction <add>, %max3A_374, %reduce_sum3A_375 [1] : vector<250x1024xf32> to vector<250xf32>
    %get3A_377 = arith.constant 0 : index
    %get3A_378 = arith.constant 0 : index
    %get3A_379 = vector.load %arg8[%get3A_377, %get3A_378] : memref<256x128xf32, #tpu.memory_space<vmem>>, vector<256x128xf32>
    %dot_general3A_380 = arith.constant dense<0.000000e+00> : vector<250x128xf32>
    %dot_general3A_381 = tpu.matmul %mul3A_365, %get3A_379, %dot_general3A_380 {dimension_numbers = #tpu.dot_dimension_numbers<[1], [0], [0], [1], [0, 0, 1, 1], [], []>, transpose_lhs_hint = false} : vector<250x256xf32>, vector<256x128xf32>, vector<250x128xf32> -> vector<250x128xf32>
    %mul3A_382 = arith.constant 0.0204081628 : f32
    %mul3A_383 = vector.broadcast %mul3A_382 : f32 to vector<250x128xf32>
    %mul3A_384 = arith.mulf %dot_general3A_381, %mul3A_383 : vector<250x128xf32>
    %max3A_385 = arith.constant 0.000000e+00 : f32
    %max3A_386 = vector.broadcast %max3A_385 : f32 to vector<250x128xf32>
    %max3A_387 = arith.maximumf %mul3A_384, %max3A_386 : vector<250x128xf32>
    %mul3A_388 = arith.mulf %max3A_387, %get3A_16 : vector<250x128xf32>
    %neg3A_389 = arith.constant 0.000000e+00 : f32
    %neg3A_390 = vector.broadcast %neg3A_389 : f32 to vector<250x128xf32>
    %neg3A_391 = arith.subf %neg3A_390, %mul3A_384 : vector<250x128xf32>
    %max3A_392 = arith.constant 0.000000e+00 : f32
    %max3A_393 = vector.broadcast %max3A_392 : f32 to vector<250x128xf32>
    %max3A_394 = arith.maximumf %neg3A_391, %max3A_393 : vector<250x128xf32>
    %mul3A_395 = arith.mulf %max3A_394, %get3A_21 : vector<250x128xf32>
    %add3A_396 = arith.addf %mul3A_388, %mul3A_395 : vector<250x128xf32>
    %reduce_sum3A_397 = arith.constant dense<0.000000e+00> : vector<250xf32>
    %reduce_sum3A_398 = vector.multi_reduction <add>, %add3A_396, %reduce_sum3A_397 [1] : vector<250x128xf32> to vector<250xf32>
    %eq3A_399 = arith.constant 7 : i32
    %eq3A_400 = vector.broadcast %eq3A_399 : i32 to vector<250x16xi32>
    %eq3A_401 = arith.cmpi eq, %iota3A, %eq3A_400 : vector<250x16xi32>
    %add3A_402 = arith.addf %reduce_sum3A_376, %reduce_sum3A_398 : vector<250xf32>
    %broadcast_in_dim3A_403 = vector.shape_cast %add3A_402 : vector<250xf32> to vector<250x1xf32>
    %broadcast_in_dim3A_404 = vector.shape_cast %broadcast_in_dim3A_403 : vector<250x1xf32> to vector<250x1xf32>
    %broadcast_in_dim3A_405 = vector.broadcast %broadcast_in_dim3A_404 : vector<250x1xf32> to vector<250x16xf32>
    %select_n3A_406 = arith.select %eq3A_401, %broadcast_in_dim3A_405, %select_n3A_357 : vector<250x16xi1>, vector<250x16xf32>
    %get3A_407 = arith.constant 0 : index
    %get3A_408 = arith.constant 8 : index
    %get3A_409 = arith.constant 0 : index
    %get3A_410 = vector.load %arg6[%get3A_407, %get3A_408, %get3A_409] : memref<1x10x256xf32, #tpu.memory_space<vmem>>, vector<1x1x256xf32>
    %get3A_411 = vector.shape_cast %get3A_410 : vector<1x1x256xf32> to vector<256xf32>
    %broadcast_in_dim3A_412 = vector.shape_cast %get3A_411 : vector<256xf32> to vector<1x256xf32>
    %mul3A_413 = vector.broadcast %broadcast_in_dim3A_412 : vector<1x256xf32> to vector<250x256xf32>
    %mul3A_414 = arith.mulf %convert_element_type3A_6, %mul3A_413 : vector<250x256xf32>
    %get3A_415 = arith.constant 0 : index
    %get3A_416 = arith.constant 0 : index
    %get3A_417 = vector.load %arg7[%get3A_415, %get3A_416] : memref<256x1024xf32, #tpu.memory_space<vmem>>, vector<256x1024xf32>
    %dot_general3A_418 = arith.constant dense<0.000000e+00> : vector<250x1024xf32>
    %dot_general3A_419 = tpu.matmul %mul3A_414, %get3A_417, %dot_general3A_418 {dimension_numbers = #tpu.dot_dimension_numbers<[1], [0], [0], [1], [0, 0, 1, 1], [], []>, transpose_lhs_hint = false} : vector<250x256xf32>, vector<256x1024xf32>, vector<250x1024xf32> -> vector<250x1024xf32>
    %mul3A_420 = arith.mulf %get3A_11, %dot_general3A_419 : vector<250x1024xf32>
    %max3A_421 = arith.constant 0.000000e+00 : f32
    %max3A_422 = vector.broadcast %max3A_421 : f32 to vector<250x1024xf32>
    %max3A_423 = arith.maximumf %mul3A_420, %max3A_422 : vector<250x1024xf32>
    %reduce_sum3A_424 = arith.constant dense<0.000000e+00> : vector<250xf32>
    %reduce_sum3A_425 = vector.multi_reduction <add>, %max3A_423, %reduce_sum3A_424 [1] : vector<250x1024xf32> to vector<250xf32>
    %get3A_426 = arith.constant 0 : index
    %get3A_427 = arith.constant 0 : index
    %get3A_428 = vector.load %arg8[%get3A_426, %get3A_427] : memref<256x128xf32, #tpu.memory_space<vmem>>, vector<256x128xf32>
    %dot_general3A_429 = arith.constant dense<0.000000e+00> : vector<250x128xf32>
    %dot_general3A_430 = tpu.matmul %mul3A_414, %get3A_428, %dot_general3A_429 {dimension_numbers = #tpu.dot_dimension_numbers<[1], [0], [0], [1], [0, 0, 1, 1], [], []>, transpose_lhs_hint = false} : vector<250x256xf32>, vector<256x128xf32>, vector<250x128xf32> -> vector<250x128xf32>
    %mul3A_431 = arith.constant 0.0204081628 : f32
    %mul3A_432 = vector.broadcast %mul3A_431 : f32 to vector<250x128xf32>
    %mul3A_433 = arith.mulf %dot_general3A_430, %mul3A_432 : vector<250x128xf32>
    %max3A_434 = arith.constant 0.000000e+00 : f32
    %max3A_435 = vector.broadcast %max3A_434 : f32 to vector<250x128xf32>
    %max3A_436 = arith.maximumf %mul3A_433, %max3A_435 : vector<250x128xf32>
    %mul3A_437 = arith.mulf %max3A_436, %get3A_16 : vector<250x128xf32>
    %neg3A_438 = arith.constant 0.000000e+00 : f32
    %neg3A_439 = vector.broadcast %neg3A_438 : f32 to vector<250x128xf32>
    %neg3A_440 = arith.subf %neg3A_439, %mul3A_433 : vector<250x128xf32>
    %max3A_441 = arith.constant 0.000000e+00 : f32
    %max3A_442 = vector.broadcast %max3A_441 : f32 to vector<250x128xf32>
    %max3A_443 = arith.maximumf %neg3A_440, %max3A_442 : vector<250x128xf32>
    %mul3A_444 = arith.mulf %max3A_443, %get3A_21 : vector<250x128xf32>
    %add3A_445 = arith.addf %mul3A_437, %mul3A_444 : vector<250x128xf32>
    %reduce_sum3A_446 = arith.constant dense<0.000000e+00> : vector<250xf32>
    %reduce_sum3A_447 = vector.multi_reduction <add>, %add3A_445, %reduce_sum3A_446 [1] : vector<250x128xf32> to vector<250xf32>
    %eq3A_448 = arith.constant 8 : i32
    %eq3A_449 = vector.broadcast %eq3A_448 : i32 to vector<250x16xi32>
    %eq3A_450 = arith.cmpi eq, %iota3A, %eq3A_449 : vector<250x16xi32>
    %add3A_451 = arith.addf %reduce_sum3A_425, %reduce_sum3A_447 : vector<250xf32>
    %broadcast_in_dim3A_452 = vector.shape_cast %add3A_451 : vector<250xf32> to vector<250x1xf32>
    %broadcast_in_dim3A_453 = vector.shape_cast %broadcast_in_dim3A_452 : vector<250x1xf32> to vector<250x1xf32>
    %broadcast_in_dim3A_454 = vector.broadcast %broadcast_in_dim3A_453 : vector<250x1xf32> to vector<250x16xf32>
    %select_n3A_455 = arith.select %eq3A_450, %broadcast_in_dim3A_454, %select_n3A_406 : vector<250x16xi1>, vector<250x16xf32>
    %get3A_456 = arith.constant 0 : index
    %get3A_457 = arith.constant 9 : index
    %get3A_458 = arith.constant 0 : index
    %get3A_459 = vector.load %arg6[%get3A_456, %get3A_457, %get3A_458] : memref<1x10x256xf32, #tpu.memory_space<vmem>>, vector<1x1x256xf32>
    %get3A_460 = vector.shape_cast %get3A_459 : vector<1x1x256xf32> to vector<256xf32>
    %broadcast_in_dim3A_461 = vector.shape_cast %get3A_460 : vector<256xf32> to vector<1x256xf32>
    %mul3A_462 = vector.broadcast %broadcast_in_dim3A_461 : vector<1x256xf32> to vector<250x256xf32>
    %mul3A_463 = arith.mulf %convert_element_type3A_6, %mul3A_462 : vector<250x256xf32>
    %get3A_464 = arith.constant 0 : index
    %get3A_465 = arith.constant 0 : index
    %get3A_466 = vector.load %arg7[%get3A_464, %get3A_465] : memref<256x1024xf32, #tpu.memory_space<vmem>>, vector<256x1024xf32>
    %dot_general3A_467 = arith.constant dense<0.000000e+00> : vector<250x1024xf32>
    %dot_general3A_468 = tpu.matmul %mul3A_463, %get3A_466, %dot_general3A_467 {dimension_numbers = #tpu.dot_dimension_numbers<[1], [0], [0], [1], [0, 0, 1, 1], [], []>, transpose_lhs_hint = false} : vector<250x256xf32>, vector<256x1024xf32>, vector<250x1024xf32> -> vector<250x1024xf32>
    %mul3A_469 = arith.mulf %get3A_11, %dot_general3A_468 : vector<250x1024xf32>
    %max3A_470 = arith.constant 0.000000e+00 : f32
    %max3A_471 = vector.broadcast %max3A_470 : f32 to vector<250x1024xf32>
    %max3A_472 = arith.maximumf %mul3A_469, %max3A_471 : vector<250x1024xf32>
    %reduce_sum3A_473 = arith.constant dense<0.000000e+00> : vector<250xf32>
    %reduce_sum3A_474 = vector.multi_reduction <add>, %max3A_472, %reduce_sum3A_473 [1] : vector<250x1024xf32> to vector<250xf32>
    %get3A_475 = arith.constant 0 : index
    %get3A_476 = arith.constant 0 : index
    %get3A_477 = vector.load %arg8[%get3A_475, %get3A_476] : memref<256x128xf32, #tpu.memory_space<vmem>>, vector<256x128xf32>
    %dot_general3A_478 = arith.constant dense<0.000000e+00> : vector<250x128xf32>
    %dot_general3A_479 = tpu.matmul %mul3A_463, %get3A_477, %dot_general3A_478 {dimension_numbers = #tpu.dot_dimension_numbers<[1], [0], [0], [1], [0, 0, 1, 1], [], []>, transpose_lhs_hint = false} : vector<250x256xf32>, vector<256x128xf32>, vector<250x128xf32> -> vector<250x128xf32>
    %mul3A_480 = arith.constant 0.0204081628 : f32
    %mul3A_481 = vector.broadcast %mul3A_480 : f32 to vector<250x128xf32>
    %mul3A_482 = arith.mulf %dot_general3A_479, %mul3A_481 : vector<250x128xf32>
    %max3A_483 = arith.constant 0.000000e+00 : f32
    %max3A_484 = vector.broadcast %max3A_483 : f32 to vector<250x128xf32>
    %max3A_485 = arith.maximumf %mul3A_482, %max3A_484 : vector<250x128xf32>
    %mul3A_486 = arith.mulf %max3A_485, %get3A_16 : vector<250x128xf32>
    %neg3A_487 = arith.constant 0.000000e+00 : f32
    %neg3A_488 = vector.broadcast %neg3A_487 : f32 to vector<250x128xf32>
    %neg3A_489 = arith.subf %neg3A_488, %mul3A_482 : vector<250x128xf32>
    %max3A_490 = arith.constant 0.000000e+00 : f32
    %max3A_491 = vector.broadcast %max3A_490 : f32 to vector<250x128xf32>
    %max3A_492 = arith.maximumf %neg3A_489, %max3A_491 : vector<250x128xf32>
    %mul3A_493 = arith.mulf %max3A_492, %get3A_21 : vector<250x128xf32>
    %add3A_494 = arith.addf %mul3A_486, %mul3A_493 : vector<250x128xf32>
    %reduce_sum3A_495 = arith.constant dense<0.000000e+00> : vector<250xf32>
    %reduce_sum3A_496 = vector.multi_reduction <add>, %add3A_494, %reduce_sum3A_495 [1] : vector<250x128xf32> to vector<250xf32>
    %eq3A_497 = arith.constant 9 : i32
    %eq3A_498 = vector.broadcast %eq3A_497 : i32 to vector<250x16xi32>
    %eq3A_499 = arith.cmpi eq, %iota3A, %eq3A_498 : vector<250x16xi32>
    %add3A_500 = arith.addf %reduce_sum3A_474, %reduce_sum3A_496 : vector<250xf32>
    %broadcast_in_dim3A_501 = vector.shape_cast %add3A_500 : vector<250xf32> to vector<250x1xf32>
    %broadcast_in_dim3A_502 = vector.shape_cast %broadcast_in_dim3A_501 : vector<250x1xf32> to vector<250x1xf32>
    %broadcast_in_dim3A_503 = vector.broadcast %broadcast_in_dim3A_502 : vector<250x1xf32> to vector<250x16xf32>
    %select_n3A_504 = arith.select %eq3A_499, %broadcast_in_dim3A_503, %select_n3A_455 : vector<250x16xi1>, vector<250x16xf32>
    %eq3A_505 = arith.constant 10 : i32
    %eq3A_506 = vector.broadcast %eq3A_505 : i32 to vector<250x16xi32>
    %eq3A_507 = arith.cmpi eq, %iota3A, %eq3A_506 : vector<250x16xi32>
    %get3A_508 = arith.constant 0 : index
    %get3A_509 = arith.constant 0 : index
    %get3A_510 = arith.constant 0 : index
    %get3A_511 = vector.load %arg5[%get3A_508, %get3A_509, %get3A_510] : memref<1x1x250xf32, #tpu.memory_space<vmem>>, vector<1x1x250xf32>
    %get3A_512 = vector.shape_cast %get3A_511 : vector<1x1x250xf32> to vector<250xf32>
    %broadcast_in_dim3A_513 = vector.shape_cast %get3A_512 : vector<250xf32> to vector<250x1xf32>
    %broadcast_in_dim3A_514 = vector.shape_cast %broadcast_in_dim3A_513 : vector<250x1xf32> to vector<250x1xf32>
    %broadcast_in_dim3A_515 = vector.broadcast %broadcast_in_dim3A_514 : vector<250x1xf32> to vector<250x16xf32>
    %select_n3A_516 = arith.select %eq3A_507, %broadcast_in_dim3A_515, %select_n3A_504 : vector<250x16xi1>, vector<250x16xf32>
    %swap3A = arith.constant 0 : index
    %swap3A_517 = arith.constant 0 : index
    %swap3A_518 = arith.constant 0 : index
    %swap3A_519 = vector.load %arg9[%swap3A, %swap3A_517, %swap3A_518] : memref<1x250x16xf32, #tpu.memory_space<vmem>>, vector<1x250x16xf32>
    %swap3A_520 = vector.shape_cast %swap3A_519 : vector<1x250x16xf32> to vector<250x16xf32>
    %swap3A_521 = vector.shape_cast %select_n3A_516 : vector<250x16xf32> to vector<1x250x16xf32>
    tpu.vector_store %arg9[%swap3A, %swap3A_517, %swap3A_518], %swap3A_521 {strides = array<i32>} : memref<1x250x16xf32, #tpu.memory_space<vmem>>, vector<1x250x16xf32>,
    return
  }
  func.func @transform_0(%arg0: i32) -> (i32, i32, i32) {
    %c0_i32 = arith.constant 0 : i32
    %c0_i32_0 = arith.constant 0 : i32
    %c0_i32_1 = arith.constant 0 : i32
    return %arg0, %c0_i32, %c0_i32_0 : i32, i32, i32
  }
  func.func @transform_1(%arg0: i32) -> (i32, i32, i32) {
    %c0_i32 = arith.constant 0 : i32
    %c0_i32_0 = arith.constant 0 : i32
    %c0_i32_1 = arith.constant 0 : i32
    return %arg0, %c0_i32, %c0_i32_0 : i32, i32, i32
  }
  func.func @transform_2(%arg0: i32) -> (i32, i32, i32) {
    %c0_i32 = arith.constant 0 : i32
    %c0_i32_0 = arith.constant 0 : i32
    %c0_i32_1 = arith.constant 0 : i32
    return %arg0, %c0_i32, %c0_i32_0 : i32, i32, i32
  }
  func.func @transform_3(%arg0: i32) -> (i32, i32, i32) {
    %c0_i32 = arith.constant 0 : i32
    %c0_i32_0 = arith.constant 0 : i32
    %c0_i32_1 = arith.constant 0 : i32
    return %arg0, %c0_i32, %c0_i32_0 : i32, i32, i32
  }
  func.func @transform_4(%arg0: i32) -> (i32, i32, i32) {
    %c0_i32 = arith.constant 0 : i32
    %c0_i32_0 = arith.constant 0 : i32
    %c0_i32_1 = arith.constant 0 : i32
    return %arg0, %c0_i32, %c0_i32_0 : i32, i32, i32
  }
  func.func @transform_5(%arg0: i32) -> (i32, i32, i32) {
    %c0_i32 = arith.constant 0 : i32
    %c0_i32_0 = arith.constant 0 : i32
    %c0_i32_1 = arith.constant 0 : i32
    return %arg0, %c0_i32, %c0_i32_0 : i32, i32, i32
  }
  func.func @transform_6(%arg0: i32) -> (i32, i32) {
    %c0_i32 = arith.constant 0 : i32
    %c0_i32_0 = arith.constant 0 : i32
    %c0_i32_1 = arith.constant 0 : i32
    return %c0_i32, %c0_i32_0 : i32, i32
  }
  func.func @transform_7(%arg0: i32) -> (i32, i32) {
    %c0_i32 = arith.constant 0 : i32
    %c0_i32_0 = arith.constant 0 : i32
    %c0_i32_1 = arith.constant 0 : i32
    return %c0_i32, %c0_i32_0 : i32, i32
  }
  func.func @transform_8(%arg0: i32) -> (i32, i32, i32) {
    %c0_i32 = arith.constant 0 : i32
    %c0_i32_0 = arith.constant 0 : i32
    %c0_i32_1 = arith.constant 0 : i32
    return %arg0, %c0_i32, %c0_i32_0 : i32, i32, i32
  }
}

module attributes {stable_mosaic.version = 14 : i64} {
  func.func @_edge_rel_body(%arg0: i32, %arg1: memref<1x1000x1024xf32, #tpu.memory_space<vmem>>, %arg2: memref<1x1000x256xf32, #tpu.memory_space<vmem>>, %arg3: memref<1x10x256xf32, #tpu.memory_space<vmem>>, %arg4: memref<256x1024xf32, #tpu.memory_space<vmem>>, %arg5: memref<2x512x16xf32, #tpu.memory_space<vmem>>) attributes {dimension_semantics = [#tpu.dimension_semantics<arbitrary>], iteration_bounds = array<i64: 16>, scalar_prefetch = 0 : i64, scratch_operands = 0 : i64, tpu.core_type = #tpu.core_type<tc>, window_params = [{transform_indices = @transform_0, window_bounds = array<i64: 1, 1000, 1024>}, {transform_indices = @transform_1, window_bounds = array<i64: 1, 1000, 256>}, {transform_indices = @transform_2, window_bounds = array<i64: 1, 10, 256>}, {pipeline_mode = #tpu.pipeline_mode<synchronous>, transform_indices = @transform_3, window_bounds = array<i64: 256, 1024>}, {transform_indices = @transform_4, window_bounds = array<i64: 2, 512, 16>}]} {
    %get3A = arith.constant 0 : index
    %get3A_0 = arith.constant 0 : index
    %get3A_1 = arith.constant 0 : index
    %get3A_2 = vector.load %arg2[%get3A, %get3A_0, %get3A_1] : memref<1x1000x256xf32, #tpu.memory_space<vmem>>, vector<1x1000x256xf32>
    %get3A_3 = vector.shape_cast %get3A_2 : vector<1x1000x256xf32> to vector<1000x256xf32>
    %gt3A = arith.constant 0.000000e+00 : f32
    %gt3A_4 = vector.broadcast %gt3A : f32 to vector<1000x256xf32>
    %gt3A_5 = arith.cmpf ogt, %get3A_3, %gt3A_4 : vector<1000x256xf32>
    %convert_element_type3A = arith.extui %gt3A_5 : vector<1000x256xi1> to vector<1000x256xi32>
    %convert_element_type3A_6 = arith.sitofp %convert_element_type3A : vector<1000x256xi32> to vector<1000x256xf32>
    %get3A_7 = arith.constant 0 : index
    %get3A_8 = arith.constant 0 : index
    %get3A_9 = arith.constant 0 : index
    %get3A_10 = vector.load %arg1[%get3A_7, %get3A_8, %get3A_9] : memref<1x1000x1024xf32, #tpu.memory_space<vmem>>, vector<1x1000x1024xf32>
    %get3A_11 = vector.shape_cast %get3A_10 : vector<1x1000x1024xf32> to vector<1000x1024xf32>
    %iota3A = tpu.iota {dimensions = array<i32: 1>} : vector<1000x16xi32>
    %broadcast_in_dim3A = arith.constant 0.000000e+00 : f32
    %broadcast_in_dim3A_12 = vector.broadcast %broadcast_in_dim3A : f32 to vector<1000x16xf32>
    %get3A_13 = arith.constant 0 : index
    %get3A_14 = arith.constant 0 : index
    %get3A_15 = arith.constant 0 : index
    %get3A_16 = vector.load %arg3[%get3A_13, %get3A_14, %get3A_15] : memref<1x10x256xf32, #tpu.memory_space<vmem>>, vector<1x1x256xf32>
    %get3A_17 = vector.shape_cast %get3A_16 : vector<1x1x256xf32> to vector<256xf32>
    %broadcast_in_dim3A_18 = vector.shape_cast %get3A_17 : vector<256xf32> to vector<1x256xf32>
    %mul3A = vector.broadcast %broadcast_in_dim3A_18 : vector<1x256xf32> to vector<1000x256xf32>
    %mul3A_19 = arith.mulf %convert_element_type3A_6, %mul3A : vector<1000x256xf32>
    %get3A_20 = arith.constant 0 : index
    %get3A_21 = arith.constant 0 : index
    %get3A_22 = vector.load %arg4[%get3A_20, %get3A_21] : memref<256x1024xf32, #tpu.memory_space<vmem>>, vector<256x1024xf32>
    %dot_general3A = arith.constant dense<0.000000e+00> : vector<1000x1024xf32>
    %dot_general3A_23 = tpu.matmul %mul3A_19, %get3A_22, %dot_general3A {dimension_numbers = #tpu.dot_dimension_numbers<[1], [0], [0], [1], [0, 0, 1, 1], [], []>, transpose_lhs_hint = false} : vector<1000x256xf32>, vector<256x1024xf32>, vector<1000x1024xf32> -> vector<1000x1024xf32>
    %mul3A_24 = arith.mulf %get3A_11, %dot_general3A_23 : vector<1000x1024xf32>
    %max3A = arith.constant 0.000000e+00 : f32
    %max3A_25 = vector.broadcast %max3A : f32 to vector<1000x1024xf32>
    %max3A_26 = arith.maximumf %mul3A_24, %max3A_25 : vector<1000x1024xf32>
    %reduce_sum3A = arith.constant dense<0.000000e+00> : vector<1000xf32>
    %reduce_sum3A_27 = vector.multi_reduction <add>, %max3A_26, %reduce_sum3A [1] : vector<1000x1024xf32> to vector<1000xf32>
    %eq3A = arith.constant 0 : i32
    %eq3A_28 = vector.broadcast %eq3A : i32 to vector<1000x16xi32>
    %eq3A_29 = arith.cmpi eq, %iota3A, %eq3A_28 : vector<1000x16xi32>
    %broadcast_in_dim3A_30 = vector.shape_cast %reduce_sum3A_27 : vector<1000xf32> to vector<1000x1xf32>
    %broadcast_in_dim3A_31 = vector.shape_cast %broadcast_in_dim3A_30 : vector<1000x1xf32> to vector<1000x1xf32>
    %broadcast_in_dim3A_32 = vector.broadcast %broadcast_in_dim3A_31 : vector<1000x1xf32> to vector<1000x16xf32>
    %select_n3A = arith.select %eq3A_29, %broadcast_in_dim3A_32, %broadcast_in_dim3A_12 : vector<1000x16xi1>, vector<1000x16xf32>
    %get3A_33 = arith.constant 0 : index
    %get3A_34 = arith.constant 1 : index
    %get3A_35 = arith.constant 0 : index
    %get3A_36 = vector.load %arg3[%get3A_33, %get3A_34, %get3A_35] : memref<1x10x256xf32, #tpu.memory_space<vmem>>, vector<1x1x256xf32>
    %get3A_37 = vector.shape_cast %get3A_36 : vector<1x1x256xf32> to vector<256xf32>
    %broadcast_in_dim3A_38 = vector.shape_cast %get3A_37 : vector<256xf32> to vector<1x256xf32>
    %mul3A_39 = vector.broadcast %broadcast_in_dim3A_38 : vector<1x256xf32> to vector<1000x256xf32>
    %mul3A_40 = arith.mulf %convert_element_type3A_6, %mul3A_39 : vector<1000x256xf32>
    %get3A_41 = arith.constant 0 : index
    %get3A_42 = arith.constant 0 : index
    %get3A_43 = vector.load %arg4[%get3A_41, %get3A_42] : memref<256x1024xf32, #tpu.memory_space<vmem>>, vector<256x1024xf32>
    %dot_general3A_44 = arith.constant dense<0.000000e+00> : vector<1000x1024xf32>
    %dot_general3A_45 = tpu.matmul %mul3A_40, %get3A_43, %dot_general3A_44 {dimension_numbers = #tpu.dot_dimension_numbers<[1], [0], [0], [1], [0, 0, 1, 1], [], []>, transpose_lhs_hint = false} : vector<1000x256xf32>, vector<256x1024xf32>, vector<1000x1024xf32> -> vector<1000x1024xf32>
    %mul3A_46 = arith.mulf %get3A_11, %dot_general3A_45 : vector<1000x1024xf32>
    %max3A_47 = arith.constant 0.000000e+00 : f32
    %max3A_48 = vector.broadcast %max3A_47 : f32 to vector<1000x1024xf32>
    %max3A_49 = arith.maximumf %mul3A_46, %max3A_48 : vector<1000x1024xf32>
    %reduce_sum3A_50 = arith.constant dense<0.000000e+00> : vector<1000xf32>
    %reduce_sum3A_51 = vector.multi_reduction <add>, %max3A_49, %reduce_sum3A_50 [1] : vector<1000x1024xf32> to vector<1000xf32>
    %eq3A_52 = arith.constant 1 : i32
    %eq3A_53 = vector.broadcast %eq3A_52 : i32 to vector<1000x16xi32>
    %eq3A_54 = arith.cmpi eq, %iota3A, %eq3A_53 : vector<1000x16xi32>
    %broadcast_in_dim3A_55 = vector.shape_cast %reduce_sum3A_51 : vector<1000xf32> to vector<1000x1xf32>
    %broadcast_in_dim3A_56 = vector.shape_cast %broadcast_in_dim3A_55 : vector<1000x1xf32> to vector<1000x1xf32>
    %broadcast_in_dim3A_57 = vector.broadcast %broadcast_in_dim3A_56 : vector<1000x1xf32> to vector<1000x16xf32>
    %select_n3A_58 = arith.select %eq3A_54, %broadcast_in_dim3A_57, %select_n3A : vector<1000x16xi1>, vector<1000x16xf32>
    %get3A_59 = arith.constant 0 : index
    %get3A_60 = arith.constant 2 : index
    %get3A_61 = arith.constant 0 : index
    %get3A_62 = vector.load %arg3[%get3A_59, %get3A_60, %get3A_61] : memref<1x10x256xf32, #tpu.memory_space<vmem>>, vector<1x1x256xf32>
    %get3A_63 = vector.shape_cast %get3A_62 : vector<1x1x256xf32> to vector<256xf32>
    %broadcast_in_dim3A_64 = vector.shape_cast %get3A_63 : vector<256xf32> to vector<1x256xf32>
    %mul3A_65 = vector.broadcast %broadcast_in_dim3A_64 : vector<1x256xf32> to vector<1000x256xf32>
    %mul3A_66 = arith.mulf %convert_element_type3A_6, %mul3A_65 : vector<1000x256xf32>
    %get3A_67 = arith.constant 0 : index
    %get3A_68 = arith.constant 0 : index
    %get3A_69 = vector.load %arg4[%get3A_67, %get3A_68] : memref<256x1024xf32, #tpu.memory_space<vmem>>, vector<256x1024xf32>
    %dot_general3A_70 = arith.constant dense<0.000000e+00> : vector<1000x1024xf32>
    %dot_general3A_71 = tpu.matmul %mul3A_66, %get3A_69, %dot_general3A_70 {dimension_numbers = #tpu.dot_dimension_numbers<[1], [0], [0], [1], [0, 0, 1, 1], [], []>, transpose_lhs_hint = false} : vector<1000x256xf32>, vector<256x1024xf32>, vector<1000x1024xf32> -> vector<1000x1024xf32>
    %mul3A_72 = arith.mulf %get3A_11, %dot_general3A_71 : vector<1000x1024xf32>
    %max3A_73 = arith.constant 0.000000e+00 : f32
    %max3A_74 = vector.broadcast %max3A_73 : f32 to vector<1000x1024xf32>
    %max3A_75 = arith.maximumf %mul3A_72, %max3A_74 : vector<1000x1024xf32>
    %reduce_sum3A_76 = arith.constant dense<0.000000e+00> : vector<1000xf32>
    %reduce_sum3A_77 = vector.multi_reduction <add>, %max3A_75, %reduce_sum3A_76 [1] : vector<1000x1024xf32> to vector<1000xf32>
    %eq3A_78 = arith.constant 2 : i32
    %eq3A_79 = vector.broadcast %eq3A_78 : i32 to vector<1000x16xi32>
    %eq3A_80 = arith.cmpi eq, %iota3A, %eq3A_79 : vector<1000x16xi32>
    %broadcast_in_dim3A_81 = vector.shape_cast %reduce_sum3A_77 : vector<1000xf32> to vector<1000x1xf32>
    %broadcast_in_dim3A_82 = vector.shape_cast %broadcast_in_dim3A_81 : vector<1000x1xf32> to vector<1000x1xf32>
    %broadcast_in_dim3A_83 = vector.broadcast %broadcast_in_dim3A_82 : vector<1000x1xf32> to vector<1000x16xf32>
    %select_n3A_84 = arith.select %eq3A_80, %broadcast_in_dim3A_83, %select_n3A_58 : vector<1000x16xi1>, vector<1000x16xf32>
    %get3A_85 = arith.constant 0 : index
    %get3A_86 = arith.constant 3 : index
    %get3A_87 = arith.constant 0 : index
    %get3A_88 = vector.load %arg3[%get3A_85, %get3A_86, %get3A_87] : memref<1x10x256xf32, #tpu.memory_space<vmem>>, vector<1x1x256xf32>
    %get3A_89 = vector.shape_cast %get3A_88 : vector<1x1x256xf32> to vector<256xf32>
    %broadcast_in_dim3A_90 = vector.shape_cast %get3A_89 : vector<256xf32> to vector<1x256xf32>
    %mul3A_91 = vector.broadcast %broadcast_in_dim3A_90 : vector<1x256xf32> to vector<1000x256xf32>
    %mul3A_92 = arith.mulf %convert_element_type3A_6, %mul3A_91 : vector<1000x256xf32>
    %get3A_93 = arith.constant 0 : index
    %get3A_94 = arith.constant 0 : index
    %get3A_95 = vector.load %arg4[%get3A_93, %get3A_94] : memref<256x1024xf32, #tpu.memory_space<vmem>>, vector<256x1024xf32>
    %dot_general3A_96 = arith.constant dense<0.000000e+00> : vector<1000x1024xf32>
    %dot_general3A_97 = tpu.matmul %mul3A_92, %get3A_95, %dot_general3A_96 {dimension_numbers = #tpu.dot_dimension_numbers<[1], [0], [0], [1], [0, 0, 1, 1], [], []>, transpose_lhs_hint = false} : vector<1000x256xf32>, vector<256x1024xf32>, vector<1000x1024xf32> -> vector<1000x1024xf32>
    %mul3A_98 = arith.mulf %get3A_11, %dot_general3A_97 : vector<1000x1024xf32>
    %max3A_99 = arith.constant 0.000000e+00 : f32
    %max3A_100 = vector.broadcast %max3A_99 : f32 to vector<1000x1024xf32>
    %max3A_101 = arith.maximumf %mul3A_98, %max3A_100 : vector<1000x1024xf32>
    %reduce_sum3A_102 = arith.constant dense<0.000000e+00> : vector<1000xf32>
    %reduce_sum3A_103 = vector.multi_reduction <add>, %max3A_101, %reduce_sum3A_102 [1] : vector<1000x1024xf32> to vector<1000xf32>
    %eq3A_104 = arith.constant 3 : i32
    %eq3A_105 = vector.broadcast %eq3A_104 : i32 to vector<1000x16xi32>
    %eq3A_106 = arith.cmpi eq, %iota3A, %eq3A_105 : vector<1000x16xi32>
    %broadcast_in_dim3A_107 = vector.shape_cast %reduce_sum3A_103 : vector<1000xf32> to vector<1000x1xf32>
    %broadcast_in_dim3A_108 = vector.shape_cast %broadcast_in_dim3A_107 : vector<1000x1xf32> to vector<1000x1xf32>
    %broadcast_in_dim3A_109 = vector.broadcast %broadcast_in_dim3A_108 : vector<1000x1xf32> to vector<1000x16xf32>
    %select_n3A_110 = arith.select %eq3A_106, %broadcast_in_dim3A_109, %select_n3A_84 : vector<1000x16xi1>, vector<1000x16xf32>
    %get3A_111 = arith.constant 0 : index
    %get3A_112 = arith.constant 4 : index
    %get3A_113 = arith.constant 0 : index
    %get3A_114 = vector.load %arg3[%get3A_111, %get3A_112, %get3A_113] : memref<1x10x256xf32, #tpu.memory_space<vmem>>, vector<1x1x256xf32>
    %get3A_115 = vector.shape_cast %get3A_114 : vector<1x1x256xf32> to vector<256xf32>
    %broadcast_in_dim3A_116 = vector.shape_cast %get3A_115 : vector<256xf32> to vector<1x256xf32>
    %mul3A_117 = vector.broadcast %broadcast_in_dim3A_116 : vector<1x256xf32> to vector<1000x256xf32>
    %mul3A_118 = arith.mulf %convert_element_type3A_6, %mul3A_117 : vector<1000x256xf32>
    %get3A_119 = arith.constant 0 : index
    %get3A_120 = arith.constant 0 : index
    %get3A_121 = vector.load %arg4[%get3A_119, %get3A_120] : memref<256x1024xf32, #tpu.memory_space<vmem>>, vector<256x1024xf32>
    %dot_general3A_122 = arith.constant dense<0.000000e+00> : vector<1000x1024xf32>
    %dot_general3A_123 = tpu.matmul %mul3A_118, %get3A_121, %dot_general3A_122 {dimension_numbers = #tpu.dot_dimension_numbers<[1], [0], [0], [1], [0, 0, 1, 1], [], []>, transpose_lhs_hint = false} : vector<1000x256xf32>, vector<256x1024xf32>, vector<1000x1024xf32> -> vector<1000x1024xf32>
    %mul3A_124 = arith.mulf %get3A_11, %dot_general3A_123 : vector<1000x1024xf32>
    %max3A_125 = arith.constant 0.000000e+00 : f32
    %max3A_126 = vector.broadcast %max3A_125 : f32 to vector<1000x1024xf32>
    %max3A_127 = arith.maximumf %mul3A_124, %max3A_126 : vector<1000x1024xf32>
    %reduce_sum3A_128 = arith.constant dense<0.000000e+00> : vector<1000xf32>
    %reduce_sum3A_129 = vector.multi_reduction <add>, %max3A_127, %reduce_sum3A_128 [1] : vector<1000x1024xf32> to vector<1000xf32>
    %eq3A_130 = arith.constant 4 : i32
    %eq3A_131 = vector.broadcast %eq3A_130 : i32 to vector<1000x16xi32>
    %eq3A_132 = arith.cmpi eq, %iota3A, %eq3A_131 : vector<1000x16xi32>
    %broadcast_in_dim3A_133 = vector.shape_cast %reduce_sum3A_129 : vector<1000xf32> to vector<1000x1xf32>
    %broadcast_in_dim3A_134 = vector.shape_cast %broadcast_in_dim3A_133 : vector<1000x1xf32> to vector<1000x1xf32>
    %broadcast_in_dim3A_135 = vector.broadcast %broadcast_in_dim3A_134 : vector<1000x1xf32> to vector<1000x16xf32>
    %select_n3A_136 = arith.select %eq3A_132, %broadcast_in_dim3A_135, %select_n3A_110 : vector<1000x16xi1>, vector<1000x16xf32>
    %get3A_137 = arith.constant 0 : index
    %get3A_138 = arith.constant 5 : index
    %get3A_139 = arith.constant 0 : index
    %get3A_140 = vector.load %arg3[%get3A_137, %get3A_138, %get3A_139] : memref<1x10x256xf32, #tpu.memory_space<vmem>>, vector<1x1x256xf32>
    %get3A_141 = vector.shape_cast %get3A_140 : vector<1x1x256xf32> to vector<256xf32>
    %broadcast_in_dim3A_142 = vector.shape_cast %get3A_141 : vector<256xf32> to vector<1x256xf32>
    %mul3A_143 = vector.broadcast %broadcast_in_dim3A_142 : vector<1x256xf32> to vector<1000x256xf32>
    %mul3A_144 = arith.mulf %convert_element_type3A_6, %mul3A_143 : vector<1000x256xf32>
    %get3A_145 = arith.constant 0 : index
    %get3A_146 = arith.constant 0 : index
    %get3A_147 = vector.load %arg4[%get3A_145, %get3A_146] : memref<256x1024xf32, #tpu.memory_space<vmem>>, vector<256x1024xf32>
    %dot_general3A_148 = arith.constant dense<0.000000e+00> : vector<1000x1024xf32>
    %dot_general3A_149 = tpu.matmul %mul3A_144, %get3A_147, %dot_general3A_148 {dimension_numbers = #tpu.dot_dimension_numbers<[1], [0], [0], [1], [0, 0, 1, 1], [], []>, transpose_lhs_hint = false} : vector<1000x256xf32>, vector<256x1024xf32>, vector<1000x1024xf32> -> vector<1000x1024xf32>
    %mul3A_150 = arith.mulf %get3A_11, %dot_general3A_149 : vector<1000x1024xf32>
    %max3A_151 = arith.constant 0.000000e+00 : f32
    %max3A_152 = vector.broadcast %max3A_151 : f32 to vector<1000x1024xf32>
    %max3A_153 = arith.maximumf %mul3A_150, %max3A_152 : vector<1000x1024xf32>
    %reduce_sum3A_154 = arith.constant dense<0.000000e+00> : vector<1000xf32>
    %reduce_sum3A_155 = vector.multi_reduction <add>, %max3A_153, %reduce_sum3A_154 [1] : vector<1000x1024xf32> to vector<1000xf32>
    %eq3A_156 = arith.constant 5 : i32
    %eq3A_157 = vector.broadcast %eq3A_156 : i32 to vector<1000x16xi32>
    %eq3A_158 = arith.cmpi eq, %iota3A, %eq3A_157 : vector<1000x16xi32>
    %broadcast_in_dim3A_159 = vector.shape_cast %reduce_sum3A_155 : vector<1000xf32> to vector<1000x1xf32>
    %broadcast_in_dim3A_160 = vector.shape_cast %broadcast_in_dim3A_159 : vector<1000x1xf32> to vector<1000x1xf32>
    %broadcast_in_dim3A_161 = vector.broadcast %broadcast_in_dim3A_160 : vector<1000x1xf32> to vector<1000x16xf32>
    %select_n3A_162 = arith.select %eq3A_158, %broadcast_in_dim3A_161, %select_n3A_136 : vector<1000x16xi1>, vector<1000x16xf32>
    %get3A_163 = arith.constant 0 : index
    %get3A_164 = arith.constant 6 : index
    %get3A_165 = arith.constant 0 : index
    %get3A_166 = vector.load %arg3[%get3A_163, %get3A_164, %get3A_165] : memref<1x10x256xf32, #tpu.memory_space<vmem>>, vector<1x1x256xf32>
    %get3A_167 = vector.shape_cast %get3A_166 : vector<1x1x256xf32> to vector<256xf32>
    %broadcast_in_dim3A_168 = vector.shape_cast %get3A_167 : vector<256xf32> to vector<1x256xf32>
    %mul3A_169 = vector.broadcast %broadcast_in_dim3A_168 : vector<1x256xf32> to vector<1000x256xf32>
    %mul3A_170 = arith.mulf %convert_element_type3A_6, %mul3A_169 : vector<1000x256xf32>
    %get3A_171 = arith.constant 0 : index
    %get3A_172 = arith.constant 0 : index
    %get3A_173 = vector.load %arg4[%get3A_171, %get3A_172] : memref<256x1024xf32, #tpu.memory_space<vmem>>, vector<256x1024xf32>
    %dot_general3A_174 = arith.constant dense<0.000000e+00> : vector<1000x1024xf32>
    %dot_general3A_175 = tpu.matmul %mul3A_170, %get3A_173, %dot_general3A_174 {dimension_numbers = #tpu.dot_dimension_numbers<[1], [0], [0], [1], [0, 0, 1, 1], [], []>, transpose_lhs_hint = false} : vector<1000x256xf32>, vector<256x1024xf32>, vector<1000x1024xf32> -> vector<1000x1024xf32>
    %mul3A_176 = arith.mulf %get3A_11, %dot_general3A_175 : vector<1000x1024xf32>
    %max3A_177 = arith.constant 0.000000e+00 : f32
    %max3A_178 = vector.broadcast %max3A_177 : f32 to vector<1000x1024xf32>
    %max3A_179 = arith.maximumf %mul3A_176, %max3A_178 : vector<1000x1024xf32>
    %reduce_sum3A_180 = arith.constant dense<0.000000e+00> : vector<1000xf32>
    %reduce_sum3A_181 = vector.multi_reduction <add>, %max3A_179, %reduce_sum3A_180 [1] : vector<1000x1024xf32> to vector<1000xf32>
    %eq3A_182 = arith.constant 6 : i32
    %eq3A_183 = vector.broadcast %eq3A_182 : i32 to vector<1000x16xi32>
    %eq3A_184 = arith.cmpi eq, %iota3A, %eq3A_183 : vector<1000x16xi32>
    %broadcast_in_dim3A_185 = vector.shape_cast %reduce_sum3A_181 : vector<1000xf32> to vector<1000x1xf32>
    %broadcast_in_dim3A_186 = vector.shape_cast %broadcast_in_dim3A_185 : vector<1000x1xf32> to vector<1000x1xf32>
    %broadcast_in_dim3A_187 = vector.broadcast %broadcast_in_dim3A_186 : vector<1000x1xf32> to vector<1000x16xf32>
    %select_n3A_188 = arith.select %eq3A_184, %broadcast_in_dim3A_187, %select_n3A_162 : vector<1000x16xi1>, vector<1000x16xf32>
    %get3A_189 = arith.constant 0 : index
    %get3A_190 = arith.constant 7 : index
    %get3A_191 = arith.constant 0 : index
    %get3A_192 = vector.load %arg3[%get3A_189, %get3A_190, %get3A_191] : memref<1x10x256xf32, #tpu.memory_space<vmem>>, vector<1x1x256xf32>
    %get3A_193 = vector.shape_cast %get3A_192 : vector<1x1x256xf32> to vector<256xf32>
    %broadcast_in_dim3A_194 = vector.shape_cast %get3A_193 : vector<256xf32> to vector<1x256xf32>
    %mul3A_195 = vector.broadcast %broadcast_in_dim3A_194 : vector<1x256xf32> to vector<1000x256xf32>
    %mul3A_196 = arith.mulf %convert_element_type3A_6, %mul3A_195 : vector<1000x256xf32>
    %get3A_197 = arith.constant 0 : index
    %get3A_198 = arith.constant 0 : index
    %get3A_199 = vector.load %arg4[%get3A_197, %get3A_198] : memref<256x1024xf32, #tpu.memory_space<vmem>>, vector<256x1024xf32>
    %dot_general3A_200 = arith.constant dense<0.000000e+00> : vector<1000x1024xf32>
    %dot_general3A_201 = tpu.matmul %mul3A_196, %get3A_199, %dot_general3A_200 {dimension_numbers = #tpu.dot_dimension_numbers<[1], [0], [0], [1], [0, 0, 1, 1], [], []>, transpose_lhs_hint = false} : vector<1000x256xf32>, vector<256x1024xf32>, vector<1000x1024xf32> -> vector<1000x1024xf32>
    %mul3A_202 = arith.mulf %get3A_11, %dot_general3A_201 : vector<1000x1024xf32>
    %max3A_203 = arith.constant 0.000000e+00 : f32
    %max3A_204 = vector.broadcast %max3A_203 : f32 to vector<1000x1024xf32>
    %max3A_205 = arith.maximumf %mul3A_202, %max3A_204 : vector<1000x1024xf32>
    %reduce_sum3A_206 = arith.constant dense<0.000000e+00> : vector<1000xf32>
    %reduce_sum3A_207 = vector.multi_reduction <add>, %max3A_205, %reduce_sum3A_206 [1] : vector<1000x1024xf32> to vector<1000xf32>
    %eq3A_208 = arith.constant 7 : i32
    %eq3A_209 = vector.broadcast %eq3A_208 : i32 to vector<1000x16xi32>
    %eq3A_210 = arith.cmpi eq, %iota3A, %eq3A_209 : vector<1000x16xi32>
    %broadcast_in_dim3A_211 = vector.shape_cast %reduce_sum3A_207 : vector<1000xf32> to vector<1000x1xf32>
    %broadcast_in_dim3A_212 = vector.shape_cast %broadcast_in_dim3A_211 : vector<1000x1xf32> to vector<1000x1xf32>
    %broadcast_in_dim3A_213 = vector.broadcast %broadcast_in_dim3A_212 : vector<1000x1xf32> to vector<1000x16xf32>
    %select_n3A_214 = arith.select %eq3A_210, %broadcast_in_dim3A_213, %select_n3A_188 : vector<1000x16xi1>, vector<1000x16xf32>
    %get3A_215 = arith.constant 0 : index
    %get3A_216 = arith.constant 8 : index
    %get3A_217 = arith.constant 0 : index
    %get3A_218 = vector.load %arg3[%get3A_215, %get3A_216, %get3A_217] : memref<1x10x256xf32, #tpu.memory_space<vmem>>, vector<1x1x256xf32>
    %get3A_219 = vector.shape_cast %get3A_218 : vector<1x1x256xf32> to vector<256xf32>
    %broadcast_in_dim3A_220 = vector.shape_cast %get3A_219 : vector<256xf32> to vector<1x256xf32>
    %mul3A_221 = vector.broadcast %broadcast_in_dim3A_220 : vector<1x256xf32> to vector<1000x256xf32>
    %mul3A_222 = arith.mulf %convert_element_type3A_6, %mul3A_221 : vector<1000x256xf32>
    %get3A_223 = arith.constant 0 : index
    %get3A_224 = arith.constant 0 : index
    %get3A_225 = vector.load %arg4[%get3A_223, %get3A_224] : memref<256x1024xf32, #tpu.memory_space<vmem>>, vector<256x1024xf32>
    %dot_general3A_226 = arith.constant dense<0.000000e+00> : vector<1000x1024xf32>
    %dot_general3A_227 = tpu.matmul %mul3A_222, %get3A_225, %dot_general3A_226 {dimension_numbers = #tpu.dot_dimension_numbers<[1], [0], [0], [1], [0, 0, 1, 1], [], []>, transpose_lhs_hint = false} : vector<1000x256xf32>, vector<256x1024xf32>, vector<1000x1024xf32> -> vector<1000x1024xf32>
    %mul3A_228 = arith.mulf %get3A_11, %dot_general3A_227 : vector<1000x1024xf32>
    %max3A_229 = arith.constant 0.000000e+00 : f32
    %max3A_230 = vector.broadcast %max3A_229 : f32 to vector<1000x1024xf32>
    %max3A_231 = arith.maximumf %mul3A_228, %max3A_230 : vector<1000x1024xf32>
    %reduce_sum3A_232 = arith.constant dense<0.000000e+00> : vector<1000xf32>
    %reduce_sum3A_233 = vector.multi_reduction <add>, %max3A_231, %reduce_sum3A_232 [1] : vector<1000x1024xf32> to vector<1000xf32>
    %eq3A_234 = arith.constant 8 : i32
    %eq3A_235 = vector.broadcast %eq3A_234 : i32 to vector<1000x16xi32>
    %eq3A_236 = arith.cmpi eq, %iota3A, %eq3A_235 : vector<1000x16xi32>
    %broadcast_in_dim3A_237 = vector.shape_cast %reduce_sum3A_233 : vector<1000xf32> to vector<1000x1xf32>
    %broadcast_in_dim3A_238 = vector.shape_cast %broadcast_in_dim3A_237 : vector<1000x1xf32> to vector<1000x1xf32>
    %broadcast_in_dim3A_239 = vector.broadcast %broadcast_in_dim3A_238 : vector<1000x1xf32> to vector<1000x16xf32>
    %select_n3A_240 = arith.select %eq3A_236, %broadcast_in_dim3A_239, %select_n3A_214 : vector<1000x16xi1>, vector<1000x16xf32>
    %get3A_241 = arith.constant 0 : index
    %get3A_242 = arith.constant 9 : index
    %get3A_243 = arith.constant 0 : index
    %get3A_244 = vector.load %arg3[%get3A_241, %get3A_242, %get3A_243] : memref<1x10x256xf32, #tpu.memory_space<vmem>>, vector<1x1x256xf32>
    %get3A_245 = vector.shape_cast %get3A_244 : vector<1x1x256xf32> to vector<256xf32>
    %broadcast_in_dim3A_246 = vector.shape_cast %get3A_245 : vector<256xf32> to vector<1x256xf32>
    %mul3A_247 = vector.broadcast %broadcast_in_dim3A_246 : vector<1x256xf32> to vector<1000x256xf32>
    %mul3A_248 = arith.mulf %convert_element_type3A_6, %mul3A_247 : vector<1000x256xf32>
    %get3A_249 = arith.constant 0 : index
    %get3A_250 = arith.constant 0 : index
    %get3A_251 = vector.load %arg4[%get3A_249, %get3A_250] : memref<256x1024xf32, #tpu.memory_space<vmem>>, vector<256x1024xf32>
    %dot_general3A_252 = arith.constant dense<0.000000e+00> : vector<1000x1024xf32>
    %dot_general3A_253 = tpu.matmul %mul3A_248, %get3A_251, %dot_general3A_252 {dimension_numbers = #tpu.dot_dimension_numbers<[1], [0], [0], [1], [0, 0, 1, 1], [], []>, transpose_lhs_hint = false} : vector<1000x256xf32>, vector<256x1024xf32>, vector<1000x1024xf32> -> vector<1000x1024xf32>
    %mul3A_254 = arith.mulf %get3A_11, %dot_general3A_253 : vector<1000x1024xf32>
    %max3A_255 = arith.constant 0.000000e+00 : f32
    %max3A_256 = vector.broadcast %max3A_255 : f32 to vector<1000x1024xf32>
    %max3A_257 = arith.maximumf %mul3A_254, %max3A_256 : vector<1000x1024xf32>
    %reduce_sum3A_258 = arith.constant dense<0.000000e+00> : vector<1000xf32>
    %reduce_sum3A_259 = vector.multi_reduction <add>, %max3A_257, %reduce_sum3A_258 [1] : vector<1000x1024xf32> to vector<1000xf32>
    %eq3A_260 = arith.constant 9 : i32
    %eq3A_261 = vector.broadcast %eq3A_260 : i32 to vector<1000x16xi32>
    %eq3A_262 = arith.cmpi eq, %iota3A, %eq3A_261 : vector<1000x16xi32>
    %broadcast_in_dim3A_263 = vector.shape_cast %reduce_sum3A_259 : vector<1000xf32> to vector<1000x1xf32>
    %broadcast_in_dim3A_264 = vector.shape_cast %broadcast_in_dim3A_263 : vector<1000x1xf32> to vector<1000x1xf32>
    %broadcast_in_dim3A_265 = vector.broadcast %broadcast_in_dim3A_264 : vector<1000x1xf32> to vector<1000x16xf32>
    %select_n3A_266 = arith.select %eq3A_262, %broadcast_in_dim3A_265, %select_n3A_240 : vector<1000x16xi1>, vector<1000x16xf32>
    %broadcast_in_dim3A_267 = arith.constant 0.000000e+00 : f32
    %broadcast_in_dim3A_268 = vector.broadcast %broadcast_in_dim3A_267 : f32 to vector<12x16xf32>
    %slice3A = vector.extract_strided_slice %select_n3A_266 {offsets = [0, 0], sizes = [500, 16], strides = [1, 1]} : vector<1000x16xf32> to vector<500x16xf32>
    %swap3A = arith.constant 0 : index
    %swap3A_269 = arith.constant 0 : index
    %swap3A_270 = arith.constant 0 : index
    %swap3A_271 = vector.load %arg5[%swap3A, %swap3A_269, %swap3A_270] : memref<2x512x16xf32, #tpu.memory_space<vmem>>, vector<1x500x16xf32>
    %swap3A_272 = vector.shape_cast %swap3A_271 : vector<1x500x16xf32> to vector<500x16xf32>
    %swap3A_273 = vector.shape_cast %slice3A : vector<500x16xf32> to vector<1x500x16xf32>
    tpu.vector_store %arg5[%swap3A, %swap3A_269, %swap3A_270], %swap3A_273 {strides = array<i32>} : memref<2x512x16xf32, #tpu.memory_space<vmem>>, vector<1x500x16xf32>,
    %swap3A_274 = arith.constant 0 : index
    %swap3A_275 = arith.constant 500 : index
    %swap3A_276 = arith.constant 0 : index
    %swap3A_277 = vector.load %arg5[%swap3A_274, %swap3A_275, %swap3A_276] : memref<2x512x16xf32, #tpu.memory_space<vmem>>, vector<1x12x16xf32>
    %swap3A_278 = vector.shape_cast %swap3A_277 : vector<1x12x16xf32> to vector<12x16xf32>
    %swap3A_279 = vector.shape_cast %broadcast_in_dim3A_268 : vector<12x16xf32> to vector<1x12x16xf32>
    tpu.vector_store %arg5[%swap3A_274, %swap3A_275, %swap3A_276], %swap3A_279 {strides = array<i32>} : memref<2x512x16xf32, #tpu.memory_space<vmem>>, vector<1x12x16xf32>,
    %slice3A_280 = vector.extract_strided_slice %select_n3A_266 {offsets = [500, 0], sizes = [500, 16], strides = [1, 1]} : vector<1000x16xf32> to vector<500x16xf32>
    %swap3A_281 = arith.constant 1 : index
    %swap3A_282 = arith.constant 0 : index
    %swap3A_283 = arith.constant 0 : index
    %swap3A_284 = vector.load %arg5[%swap3A_281, %swap3A_282, %swap3A_283] : memref<2x512x16xf32, #tpu.memory_space<vmem>>, vector<1x500x16xf32>
    %swap3A_285 = vector.shape_cast %swap3A_284 : vector<1x500x16xf32> to vector<500x16xf32>
    %swap3A_286 = vector.shape_cast %slice3A_280 : vector<500x16xf32> to vector<1x500x16xf32>
    tpu.vector_store %arg5[%swap3A_281, %swap3A_282, %swap3A_283], %swap3A_286 {strides = array<i32>} : memref<2x512x16xf32, #tpu.memory_space<vmem>>, vector<1x500x16xf32>,
    %swap3A_287 = arith.constant 1 : index
    %swap3A_288 = arith.constant 500 : index
    %swap3A_289 = arith.constant 0 : index
    %swap3A_290 = vector.load %arg5[%swap3A_287, %swap3A_288, %swap3A_289] : memref<2x512x16xf32, #tpu.memory_space<vmem>>, vector<1x12x16xf32>
    %swap3A_291 = vector.shape_cast %swap3A_290 : vector<1x12x16xf32> to vector<12x16xf32>
    %swap3A_292 = vector.shape_cast %broadcast_in_dim3A_268 : vector<12x16xf32> to vector<1x12x16xf32>
    tpu.vector_store %arg5[%swap3A_287, %swap3A_288, %swap3A_289], %swap3A_292 {strides = array<i32>} : memref<2x512x16xf32, #tpu.memory_space<vmem>>, vector<1x12x16xf32>,
    return
  }
  func.func @transform_0(%arg0: i32) -> (i32, i32, i32) {
    %jit3A = arith.constant 2 : i32
    %div3A = arith.divsi %arg0, %jit3A : i32
    %sign3A = arith.constant 0 : i32
    %sign3A_0 = arith.cmpi sgt, %arg0, %sign3A : i32
    %sign3A_1 = arith.extui %sign3A_0 : i1 to i32
    %sign3A_2 = arith.constant 0 : i32
    %sign3A_3 = arith.cmpi slt, %arg0, %sign3A_2 : i32
    %sign3A_4 = arith.extui %sign3A_3 : i1 to i32
    %sign3A_5 = arith.subi %sign3A_1, %sign3A_4 : i32
    %sign3A_6 = arith.constant 0 : i32
    %sign3A_7 = arith.cmpi sgt, %jit3A, %sign3A_6 : i32
    %sign3A_8 = arith.extui %sign3A_7 : i1 to i32
    %sign3A_9 = arith.constant 0 : i32
    %sign3A_10 = arith.cmpi slt, %jit3A, %sign3A_9 : i32
    %sign3A_11 = arith.extui %sign3A_10 : i1 to i32
    %sign3A_12 = arith.subi %sign3A_8, %sign3A_11 : i32
    %ne3A = arith.cmpi ne, %sign3A_5, %sign3A_12 : i32
    %rem3A = arith.remsi %arg0, %jit3A : i32
    %ne3A_13 = arith.constant 0 : i32
    %ne3A_14 = arith.cmpi ne, %rem3A, %ne3A_13 : i32
    %and3A = arith.andi %ne3A, %ne3A_14 : i1
    %sub3A = arith.constant 1 : i32
    %sub3A_15 = arith.subi %div3A, %sub3A : i32
    %select_n3A = arith.select %and3A, %sub3A_15, %div3A : i32
    %jit3A_16 = arith.constant 2 : i32
    %eq3A = arith.constant 0 : i32
    %eq3A_17 = arith.cmpi eq, %jit3A_16, %eq3A : i32
    %jit3A_18 = arith.constant 1 : i32
    %select_n3A_19 = arith.select %eq3A_17, %jit3A_18, %jit3A_16 : i32
    %rem3A_20 = arith.remsi %arg0, %select_n3A_19 : i32
    %ne3A_21 = arith.constant 0 : i32
    %ne3A_22 = arith.cmpi ne, %rem3A_20, %ne3A_21 : i32
    %lt3A = arith.constant 0 : i32
    %lt3A_23 = arith.cmpi slt, %rem3A_20, %lt3A : i32
    %lt3A_24 = arith.constant 0 : i32
    %lt3A_25 = arith.cmpi slt, %select_n3A_19, %lt3A_24 : i32
    %ne3A_26 = arith.xori %lt3A_23, %lt3A_25 : i1
    %and3A_27 = arith.andi %ne3A_26, %ne3A_22 : i1
    %add3A = arith.addi %rem3A_20, %select_n3A_19 : i32
    %select_n3A_28 = arith.select %and3A_27, %add3A, %rem3A_20 : i32
    %c0_i32 = arith.constant 0 : i32
    %c0_i32_29 = arith.constant 0 : i32
    return %select_n3A, %select_n3A_28, %c0_i32 : i32, i32, i32
  }
  func.func @transform_1(%arg0: i32) -> (i32, i32, i32) {
    %jit3A = arith.constant 2 : i32
    %div3A = arith.divsi %arg0, %jit3A : i32
    %sign3A = arith.constant 0 : i32
    %sign3A_0 = arith.cmpi sgt, %arg0, %sign3A : i32
    %sign3A_1 = arith.extui %sign3A_0 : i1 to i32
    %sign3A_2 = arith.constant 0 : i32
    %sign3A_3 = arith.cmpi slt, %arg0, %sign3A_2 : i32
    %sign3A_4 = arith.extui %sign3A_3 : i1 to i32
    %sign3A_5 = arith.subi %sign3A_1, %sign3A_4 : i32
    %sign3A_6 = arith.constant 0 : i32
    %sign3A_7 = arith.cmpi sgt, %jit3A, %sign3A_6 : i32
    %sign3A_8 = arith.extui %sign3A_7 : i1 to i32
    %sign3A_9 = arith.constant 0 : i32
    %sign3A_10 = arith.cmpi slt, %jit3A, %sign3A_9 : i32
    %sign3A_11 = arith.extui %sign3A_10 : i1 to i32
    %sign3A_12 = arith.subi %sign3A_8, %sign3A_11 : i32
    %ne3A = arith.cmpi ne, %sign3A_5, %sign3A_12 : i32
    %rem3A = arith.remsi %arg0, %jit3A : i32
    %ne3A_13 = arith.constant 0 : i32
    %ne3A_14 = arith.cmpi ne, %rem3A, %ne3A_13 : i32
    %and3A = arith.andi %ne3A, %ne3A_14 : i1
    %sub3A = arith.constant 1 : i32
    %sub3A_15 = arith.subi %div3A, %sub3A : i32
    %select_n3A = arith.select %and3A, %sub3A_15, %div3A : i32
    %jit3A_16 = arith.constant 2 : i32
    %eq3A = arith.constant 0 : i32
    %eq3A_17 = arith.cmpi eq, %jit3A_16, %eq3A : i32
    %jit3A_18 = arith.constant 1 : i32
    %select_n3A_19 = arith.select %eq3A_17, %jit3A_18, %jit3A_16 : i32
    %rem3A_20 = arith.remsi %arg0, %select_n3A_19 : i32
    %ne3A_21 = arith.constant 0 : i32
    %ne3A_22 = arith.cmpi ne, %rem3A_20, %ne3A_21 : i32
    %lt3A = arith.constant 0 : i32
    %lt3A_23 = arith.cmpi slt, %rem3A_20, %lt3A : i32
    %lt3A_24 = arith.constant 0 : i32
    %lt3A_25 = arith.cmpi slt, %select_n3A_19, %lt3A_24 : i32
    %ne3A_26 = arith.xori %lt3A_23, %lt3A_25 : i1
    %and3A_27 = arith.andi %ne3A_26, %ne3A_22 : i1
    %add3A = arith.addi %rem3A_20, %select_n3A_19 : i32
    %select_n3A_28 = arith.select %and3A_27, %add3A, %rem3A_20 : i32
    %c0_i32 = arith.constant 0 : i32
    %c0_i32_29 = arith.constant 0 : i32
    return %select_n3A, %select_n3A_28, %c0_i32 : i32, i32, i32
  }
  func.func @transform_2(%arg0: i32) -> (i32, i32, i32) {
    %jit3A = arith.constant 2 : i32
    %div3A = arith.divsi %arg0, %jit3A : i32
    %sign3A = arith.constant 0 : i32
    %sign3A_0 = arith.cmpi sgt, %arg0, %sign3A : i32
    %sign3A_1 = arith.extui %sign3A_0 : i1 to i32
    %sign3A_2 = arith.constant 0 : i32
    %sign3A_3 = arith.cmpi slt, %arg0, %sign3A_2 : i32
    %sign3A_4 = arith.extui %sign3A_3 : i1 to i32
    %sign3A_5 = arith.subi %sign3A_1, %sign3A_4 : i32
    %sign3A_6 = arith.constant 0 : i32
    %sign3A_7 = arith.cmpi sgt, %jit3A, %sign3A_6 : i32
    %sign3A_8 = arith.extui %sign3A_7 : i1 to i32
    %sign3A_9 = arith.constant 0 : i32
    %sign3A_10 = arith.cmpi slt, %jit3A, %sign3A_9 : i32
    %sign3A_11 = arith.extui %sign3A_10 : i1 to i32
    %sign3A_12 = arith.subi %sign3A_8, %sign3A_11 : i32
    %ne3A = arith.cmpi ne, %sign3A_5, %sign3A_12 : i32
    %rem3A = arith.remsi %arg0, %jit3A : i32
    %ne3A_13 = arith.constant 0 : i32
    %ne3A_14 = arith.cmpi ne, %rem3A, %ne3A_13 : i32
    %and3A = arith.andi %ne3A, %ne3A_14 : i1
    %sub3A = arith.constant 1 : i32
    %sub3A_15 = arith.subi %div3A, %sub3A : i32
    %select_n3A = arith.select %and3A, %sub3A_15, %div3A : i32
    %c0_i32 = arith.constant 0 : i32
    %c0_i32_16 = arith.constant 0 : i32
    %c0_i32_17 = arith.constant 0 : i32
    return %select_n3A, %c0_i32, %c0_i32_16 : i32, i32, i32
  }
  func.func @transform_3(%arg0: i32) -> (i32, i32) {
    %c0_i32 = arith.constant 0 : i32
    %c0_i32_0 = arith.constant 0 : i32
    %c0_i32_1 = arith.constant 0 : i32
    return %c0_i32, %c0_i32_0 : i32, i32
  }
  func.func @transform_4(%arg0: i32) -> (i32, i32, i32) {
    %c0_i32 = arith.constant 0 : i32
    %c0_i32_0 = arith.constant 0 : i32
    %c0_i32_1 = arith.constant 0 : i32
    return %arg0, %c0_i32, %c0_i32_0 : i32, i32, i32
  }
}

module attributes {stable_mosaic.version = 14 : i64} {
  func.func @_topk_body(%arg0: memref<8x20480xf32, #tpu.memory_space<vmem>>, %arg1: memref<8x128xf32, #tpu.memory_space<vmem>>, %arg2: memref<8x128xi32, #tpu.memory_space<vmem>>, %arg3: memref<8x20480xf32, #tpu.memory_space<vmem>>) attributes {dimension_semantics = [], scalar_prefetch = 0 : i64, scratch_operands = 1 : i64, tpu.core_type = #tpu.core_type<tc>} {
    %iota3A = tpu.iota {dimensions = array<i32: 1>} : vector<8x20480xi32>
    %jit3A = arith.constant 5120 : i32
    %eq3A = arith.constant 0 : i32
    %eq3A_0 = arith.cmpi eq, %jit3A, %eq3A : i32
    %jit3A_1 = arith.constant 1 : i32
    %select_n3A = arith.select %eq3A_0, %jit3A_1, %jit3A : i32
    %rem3A = vector.broadcast %select_n3A : i32 to vector<8x20480xi32>
    %rem3A_2 = arith.remsi %iota3A, %rem3A : vector<8x20480xi32>
    %ne3A = arith.constant 0 : i32
    %ne3A_3 = vector.broadcast %ne3A : i32 to vector<8x20480xi32>
    %ne3A_4 = arith.cmpi ne, %rem3A_2, %ne3A_3 : vector<8x20480xi32>
    %lt3A = arith.constant 0 : i32
    %lt3A_5 = vector.broadcast %lt3A : i32 to vector<8x20480xi32>
    %lt3A_6 = arith.cmpi slt, %rem3A_2, %lt3A_5 : vector<8x20480xi32>
    %lt3A_7 = arith.constant 0 : i32
    %lt3A_8 = arith.cmpi slt, %select_n3A, %lt3A_7 : i32
    %ne3A_9 = vector.broadcast %lt3A_8 : i1 to vector<8x20480xi1>
    %ne3A_10 = vector.broadcast %ne3A_9 : vector<8x20480xi1> to vector<8x20480xi1>
    %ne3A_11 = arith.xori %lt3A_6, %ne3A_10 : vector<8x20480xi1>
    %and3A = arith.andi %ne3A_11, %ne3A_4 : vector<8x20480xi1>
    %add3A = vector.broadcast %select_n3A : i32 to vector<8x20480xi32>
    %add3A_12 = arith.addi %rem3A_2, %add3A : vector<8x20480xi32>
    %select_n3A_13 = arith.select %and3A, %add3A_12, %rem3A_2 : vector<8x20480xi1>, vector<8x20480xi32>
    %lt3A_14 = arith.constant 5000 : i32
    %lt3A_15 = vector.broadcast %lt3A_14 : i32 to vector<8x20480xi32>
    %lt3A_16 = arith.cmpi slt, %select_n3A_13, %lt3A_15 : vector<8x20480xi32>
    %get3A = arith.constant 0 : index
    %get3A_17 = arith.constant 0 : index
    %get3A_18 = vector.load %arg0[%get3A, %get3A_17] : memref<8x20480xf32, #tpu.memory_space<vmem>>, vector<8x20480xf32>
    %jit3A_19 = arith.constant 0xFF800000 : f32
    %broadcast_in_dim3A = vector.broadcast %jit3A_19 : f32 to vector<8x20480xf32>
    %select_n3A_20 = arith.select %lt3A_16, %get3A_18, %broadcast_in_dim3A : vector<8x20480xi1>, vector<8x20480xf32>
    %swap3A = arith.constant 0 : index
    %swap3A_21 = arith.constant 0 : index
    %swap3A_22 = vector.load %arg3[%swap3A, %swap3A_21] : memref<8x20480xf32, #tpu.memory_space<vmem>>, vector<8x20480xf32>
    tpu.vector_store %arg3[%swap3A, %swap3A_21], %select_n3A_20 {strides = array<i32>} : memref<8x20480xf32, #tpu.memory_space<vmem>>, vector<8x20480xf32>,
    %iota3A_23 = tpu.iota {dimensions = array<i32: 1>} : vector<8x128xi32>
    %broadcast_in_dim3A_24 = arith.constant 0.000000e+00 : f32
    %broadcast_in_dim3A_25 = vector.broadcast %broadcast_in_dim3A_24 : f32 to vector<8x128xf32>
    %broadcast_in_dim3A_26 = arith.constant 0 : i32
    %broadcast_in_dim3A_27 = vector.broadcast %broadcast_in_dim3A_26 : i32 to vector<8x128xi32>
    %scan3A = arith.constant 0 : i32
    %scan3A_28 = arith.constant 100 : i32
    %scan3A_29 = arith.addi %scan3A, %scan3A_28 : i32
    %scan3A_30 = arith.constant 1 : i32
    %scan3A_31:2 = scf.for %scan3A_39 = %scan3A to %scan3A_29 step %scan3A_30 iter_args(%scan3A_40 = %broadcast_in_dim3A_25, %scan3A_41 = %broadcast_in_dim3A_27) -> (vector<8x128xf32>, vector<8x128xi32>)  : i32 {
      %get3A_42 = arith.constant 0 : index
      %get3A_43 = arith.constant 0 : index
      %get3A_44 = vector.load %arg3[%get3A_42, %get3A_43] : memref<8x20480xf32, #tpu.memory_space<vmem>>, vector<8x20480xf32>
      %reduce_max3A = arith.constant dense<0xFF800000> : vector<8xf32>
      %reduce_max3A_45 = vector.multi_reduction <maximumf>, %get3A_44, %reduce_max3A [1] : vector<8x20480xf32> to vector<8xf32>
      %broadcast_in_dim3A_46 = vector.shape_cast %reduce_max3A_45 : vector<8xf32> to vector<8x1xf32>
      %ge3A = vector.broadcast %broadcast_in_dim3A_46 : vector<8x1xf32> to vector<8x20480xf32>
      %ge3A_47 = arith.cmpf oge, %get3A_44, %ge3A : vector<8x20480xf32>
      %jit3A_48 = arith.constant 20480 : i32
      %broadcast_in_dim3A_49 = vector.broadcast %jit3A_48 : i32 to vector<8x20480xi32>
      %select_n3A_50 = arith.select %ge3A_47, %iota3A, %broadcast_in_dim3A_49 : vector<8x20480xi1>, vector<8x20480xi32>
      %reduce_min3A = arith.constant dense<2147483647> : vector<8xi32>
      %reduce_min3A_51 = vector.multi_reduction <minsi>, %select_n3A_50, %reduce_min3A [1] : vector<8x20480xi32> to vector<8xi32>
      %broadcast_in_dim3A_52 = vector.shape_cast %reduce_min3A_51 : vector<8xi32> to vector<8x1xi32>
      %eq3A_53 = vector.broadcast %broadcast_in_dim3A_52 : vector<8x1xi32> to vector<8x20480xi32>
      %eq3A_54 = arith.cmpi eq, %iota3A, %eq3A_53 : vector<8x20480xi32>
      %jit3A_55 = arith.constant 0xFF800000 : f32
      %broadcast_in_dim3A_56 = vector.broadcast %jit3A_55 : f32 to vector<8x20480xf32>
      %select_n3A_57 = arith.select %eq3A_54, %broadcast_in_dim3A_56, %get3A_44 : vector<8x20480xi1>, vector<8x20480xf32>
      %swap3A_58 = arith.constant 0 : index
      %swap3A_59 = arith.constant 0 : index
      %swap3A_60 = vector.load %arg3[%swap3A_58, %swap3A_59] : memref<8x20480xf32, #tpu.memory_space<vmem>>, vector<8x20480xf32>
      tpu.vector_store %arg3[%swap3A_58, %swap3A_59], %select_n3A_57 {strides = array<i32>} : memref<8x20480xf32, #tpu.memory_space<vmem>>, vector<8x20480xf32>,
      %eq3A_61 = vector.broadcast %scan3A_39 : i32 to vector<8x128xi32>
      %eq3A_62 = arith.cmpi eq, %iota3A_23, %eq3A_61 : vector<8x128xi32>
      %broadcast_in_dim3A_63 = vector.shape_cast %broadcast_in_dim3A_46 : vector<8x1xf32> to vector<8x1xf32>
      %broadcast_in_dim3A_64 = vector.broadcast %broadcast_in_dim3A_63 : vector<8x1xf32> to vector<8x128xf32>
      %select_n3A_65 = arith.select %eq3A_62, %broadcast_in_dim3A_64, %scan3A_40 : vector<8x128xi1>, vector<8x128xf32>
      %eq3A_66 = vector.broadcast %scan3A_39 : i32 to vector<8x128xi32>
      %eq3A_67 = arith.cmpi eq, %iota3A_23, %eq3A_66 : vector<8x128xi32>
      %broadcast_in_dim3A_68 = vector.shape_cast %broadcast_in_dim3A_52 : vector<8x1xi32> to vector<8x1xi32>
      %broadcast_in_dim3A_69 = vector.broadcast %broadcast_in_dim3A_68 : vector<8x1xi32> to vector<8x128xi32>
      %select_n3A_70 = arith.select %eq3A_67, %broadcast_in_dim3A_69, %scan3A_41 : vector<8x128xi1>, vector<8x128xi32>
      scf.yield %select_n3A_65, %select_n3A_70 : vector<8x128xf32>, vector<8x128xi32>
    }
    %scan3A_32 = arith.constant 100 : i32
    %swap3A_33 = arith.constant 0 : index
    %swap3A_34 = arith.constant 0 : index
    %swap3A_35 = vector.load %arg1[%swap3A_33, %swap3A_34] : memref<8x128xf32, #tpu.memory_space<vmem>>, vector<8x128xf32>
    tpu.vector_store %arg1[%swap3A_33, %swap3A_34], %scan3A_31#0 {strides = array<i32>} : memref<8x128xf32, #tpu.memory_space<vmem>>, vector<8x128xf32>,
    %swap3A_36 = arith.constant 0 : index
    %swap3A_37 = arith.constant 0 : index
    %swap3A_38 = vector.load %arg2[%swap3A_36, %swap3A_37] : memref<8x128xi32, #tpu.memory_space<vmem>>, vector<8x128xi32>
    tpu.vector_store %arg2[%swap3A_36, %swap3A_37], %scan3A_31#1 {strides = array<i32>} : memref<8x128xi32, #tpu.memory_space<vmem>>, vector<8x128xi32>,
    return
  }
}

module attributes {stable_mosaic.version = 14 : i64} {
  func.func @_assemble_body(%arg0: i32, %arg1: memref<1x1x128xi32, #tpu.memory_space<vmem>>, %arg2: memref<1x2x2000xf32, #tpu.memory_space<vmem>>, %arg3: memref<1x1x10xf32, #tpu.memory_space<vmem>>, %arg4: memref<1x1x10xf32, #tpu.memory_space<vmem>>, %arg5: memref<1x1x128xi32, #tpu.memory_space<vmem>>, %arg6: memref<1x1x128xi32, #tpu.memory_space<vmem>>, %arg7: memref<1x1x128xf32, #tpu.memory_space<vmem>>, %arg8: memref<1x1x128xi32, #tpu.memory_space<vmem>>) attributes {dimension_semantics = [#tpu.dimension_semantics<arbitrary>], iteration_bounds = array<i64: 8>, scalar_prefetch = 0 : i64, scratch_operands = 0 : i64, tpu.core_type = #tpu.core_type<tc>, window_params = [{transform_indices = @transform_0, window_bounds = array<i64: 1, 1, 128>}, {transform_indices = @transform_1, window_bounds = array<i64: 1, 2, 2000>}, {transform_indices = @transform_2, window_bounds = array<i64: 1, 1, 10>}, {transform_indices = @transform_3, window_bounds = array<i64: 1, 1, 10>}, {transform_indices = @transform_4, window_bounds = array<i64: 1, 1, 128>}, {transform_indices = @transform_5, window_bounds = array<i64: 1, 1, 128>}, {transform_indices = @transform_6, window_bounds = array<i64: 1, 1, 128>}, {transform_indices = @transform_7, window_bounds = array<i64: 1, 1, 128>}]} {
    %get3A = arith.constant 0 : index
    %get3A_0 = arith.constant 0 : index
    %get3A_1 = arith.constant 0 : index
    %get3A_2 = vector.load %arg1[%get3A, %get3A_0, %get3A_1] : memref<1x1x128xi32, #tpu.memory_space<vmem>>, vector<1x1x128xi32>
    %get3A_3 = vector.shape_cast %get3A_2 : vector<1x1x128xi32> to vector<1x128xi32>
    %jit3A = arith.constant 5120 : i32
    %div3A = vector.broadcast %jit3A : i32 to vector<1x128xi32>
    %div3A_4 = arith.divsi %get3A_3, %div3A : vector<1x128xi32>
    %sign3A = arith.constant 0 : i32
    %sign3A_5 = vector.broadcast %sign3A : i32 to vector<1x128xi32>
    %sign3A_6 = arith.cmpi sgt, %get3A_3, %sign3A_5 : vector<1x128xi32>
    %sign3A_7 = arith.extui %sign3A_6 : vector<1x128xi1> to vector<1x128xi32>
    %sign3A_8 = arith.constant 0 : i32
    %sign3A_9 = vector.broadcast %sign3A_8 : i32 to vector<1x128xi32>
    %sign3A_10 = arith.cmpi slt, %get3A_3, %sign3A_9 : vector<1x128xi32>
    %sign3A_11 = arith.extui %sign3A_10 : vector<1x128xi1> to vector<1x128xi32>
    %sign3A_12 = arith.subi %sign3A_7, %sign3A_11 : vector<1x128xi32>
    %sign3A_13 = arith.constant 0 : i32
    %sign3A_14 = arith.cmpi sgt, %jit3A, %sign3A_13 : i32
    %sign3A_15 = arith.extui %sign3A_14 : i1 to i32
    %sign3A_16 = arith.constant 0 : i32
    %sign3A_17 = arith.cmpi slt, %jit3A, %sign3A_16 : i32
    %sign3A_18 = arith.extui %sign3A_17 : i1 to i32
    %sign3A_19 = arith.subi %sign3A_15, %sign3A_18 : i32
    %ne3A = vector.broadcast %sign3A_19 : i32 to vector<1x128xi32>
    %ne3A_20 = arith.cmpi ne, %sign3A_12, %ne3A : vector<1x128xi32>
    %rem3A = vector.broadcast %jit3A : i32 to vector<1x128xi32>
    %rem3A_21 = arith.remsi %get3A_3, %rem3A : vector<1x128xi32>
    %ne3A_22 = arith.constant 0 : i32
    %ne3A_23 = vector.broadcast %ne3A_22 : i32 to vector<1x128xi32>
    %ne3A_24 = arith.cmpi ne, %rem3A_21, %ne3A_23 : vector<1x128xi32>
    %and3A = arith.andi %ne3A_20, %ne3A_24 : vector<1x128xi1>
    %sub3A = arith.constant 1 : i32
    %sub3A_25 = vector.broadcast %sub3A : i32 to vector<1x128xi32>
    %sub3A_26 = arith.subi %div3A_4, %sub3A_25 : vector<1x128xi32>
    %select_n3A = arith.select %and3A, %sub3A_26, %div3A_4 : vector<1x128xi1>, vector<1x128xi32>
    %mul3A = arith.constant 5120 : i32
    %mul3A_27 = vector.broadcast %mul3A : i32 to vector<1x128xi32>
    %mul3A_28 = arith.muli %select_n3A, %mul3A_27 : vector<1x128xi32>
    %sub3A_29 = arith.subi %get3A_3, %mul3A_28 : vector<1x128xi32>
    %jit3A_30 = arith.constant 10 : i32
    %div3A_31 = vector.broadcast %jit3A_30 : i32 to vector<1x128xi32>
    %div3A_32 = arith.divsi %sub3A_29, %div3A_31 : vector<1x128xi32>
    %sign3A_33 = arith.constant 0 : i32
    %sign3A_34 = vector.broadcast %sign3A_33 : i32 to vector<1x128xi32>
    %sign3A_35 = arith.cmpi sgt, %sub3A_29, %sign3A_34 : vector<1x128xi32>
    %sign3A_36 = arith.extui %sign3A_35 : vector<1x128xi1> to vector<1x128xi32>
    %sign3A_37 = arith.constant 0 : i32
    %sign3A_38 = vector.broadcast %sign3A_37 : i32 to vector<1x128xi32>
    %sign3A_39 = arith.cmpi slt, %sub3A_29, %sign3A_38 : vector<1x128xi32>
    %sign3A_40 = arith.extui %sign3A_39 : vector<1x128xi1> to vector<1x128xi32>
    %sign3A_41 = arith.subi %sign3A_36, %sign3A_40 : vector<1x128xi32>
    %sign3A_42 = arith.constant 0 : i32
    %sign3A_43 = arith.cmpi sgt, %jit3A_30, %sign3A_42 : i32
    %sign3A_44 = arith.extui %sign3A_43 : i1 to i32
    %sign3A_45 = arith.constant 0 : i32
    %sign3A_46 = arith.cmpi slt, %jit3A_30, %sign3A_45 : i32
    %sign3A_47 = arith.extui %sign3A_46 : i1 to i32
    %sign3A_48 = arith.subi %sign3A_44, %sign3A_47 : i32
    %ne3A_49 = vector.broadcast %sign3A_48 : i32 to vector<1x128xi32>
    %ne3A_50 = arith.cmpi ne, %sign3A_41, %ne3A_49 : vector<1x128xi32>
    %rem3A_51 = vector.broadcast %jit3A_30 : i32 to vector<1x128xi32>
    %rem3A_52 = arith.remsi %sub3A_29, %rem3A_51 : vector<1x128xi32>
    %ne3A_53 = arith.constant 0 : i32
    %ne3A_54 = vector.broadcast %ne3A_53 : i32 to vector<1x128xi32>
    %ne3A_55 = arith.cmpi ne, %rem3A_52, %ne3A_54 : vector<1x128xi32>
    %and3A_56 = arith.andi %ne3A_50, %ne3A_55 : vector<1x128xi1>
    %sub3A_57 = arith.constant 1 : i32
    %sub3A_58 = vector.broadcast %sub3A_57 : i32 to vector<1x128xi32>
    %sub3A_59 = arith.subi %div3A_32, %sub3A_58 : vector<1x128xi32>
    %select_n3A_60 = arith.select %and3A_56, %sub3A_59, %div3A_32 : vector<1x128xi1>, vector<1x128xi32>
    %mul3A_61 = arith.constant 10 : i32
    %mul3A_62 = vector.broadcast %mul3A_61 : i32 to vector<1x128xi32>
    %mul3A_63 = arith.muli %select_n3A_60, %mul3A_62 : vector<1x128xi32>
    %sub3A_64 = arith.subi %sub3A_29, %mul3A_63 : vector<1x128xi32>
    %mul3A_65 = arith.constant 500 : i32
    %mul3A_66 = vector.broadcast %mul3A_65 : i32 to vector<1x128xi32>
    %mul3A_67 = arith.muli %select_n3A, %mul3A_66 : vector<1x128xi32>
    %add3A = arith.addi %mul3A_67, %select_n3A_60 : vector<1x128xi32>
    %broadcast_in_dim3A = vector.shape_cast %add3A : vector<1x128xi32> to vector<1x128xi32>
    %broadcast_in_dim3A_68 = vector.broadcast %broadcast_in_dim3A : vector<1x128xi32> to vector<2000x128xi32>
    %iota3A = tpu.iota {dimensions = array<i32: 0>} : vector<2000x128xi32>
    %eq3A = arith.cmpi eq, %iota3A, %broadcast_in_dim3A_68 : vector<2000x128xi32>
    %convert_element_type3A = arith.extui %eq3A : vector<2000x128xi1> to vector<2000x128xi32>
    %convert_element_type3A_69 = arith.sitofp %convert_element_type3A : vector<2000x128xi32> to vector<2000x128xf32>
    %get3A_70 = arith.constant 0 : index
    %get3A_71 = arith.constant 0 : index
    %get3A_72 = arith.constant 0 : index
    %get3A_73 = vector.load %arg2[%get3A_70, %get3A_71, %get3A_72] : memref<1x2x2000xf32, #tpu.memory_space<vmem>>, vector<1x1x2000xf32>
    %get3A_74 = vector.shape_cast %get3A_73 : vector<1x1x2000xf32> to vector<1x2000xf32>
    %dot_general3A = arith.constant dense<0.000000e+00> : vector<1x128xf32>
    %dot_general3A_75 = tpu.matmul %get3A_74, %convert_element_type3A_69, %dot_general3A {dimension_numbers = #tpu.dot_dimension_numbers<[1], [0], [0], [1], [0, 0, 1, 1], [], []>, transpose_lhs_hint = false} : vector<1x2000xf32>, vector<2000x128xf32>, vector<1x128xf32> -> vector<1x128xf32>
    %get3A_76 = arith.constant 0 : index
    %get3A_77 = arith.constant 1 : index
    %get3A_78 = arith.constant 0 : index
    %get3A_79 = vector.load %arg2[%get3A_76, %get3A_77, %get3A_78] : memref<1x2x2000xf32, #tpu.memory_space<vmem>>, vector<1x1x2000xf32>
    %get3A_80 = vector.shape_cast %get3A_79 : vector<1x1x2000xf32> to vector<1x2000xf32>
    %dot_general3A_81 = arith.constant dense<0.000000e+00> : vector<1x128xf32>
    %dot_general3A_82 = tpu.matmul %get3A_80, %convert_element_type3A_69, %dot_general3A_81 {dimension_numbers = #tpu.dot_dimension_numbers<[1], [0], [0], [1], [0, 0, 1, 1], [], []>, transpose_lhs_hint = false} : vector<1x2000xf32>, vector<2000x128xf32>, vector<1x128xf32> -> vector<1x128xf32>
    %broadcast_in_dim3A_83 = vector.shape_cast %sub3A_64 : vector<1x128xi32> to vector<1x128xi32>
    %broadcast_in_dim3A_84 = vector.broadcast %broadcast_in_dim3A_83 : vector<1x128xi32> to vector<10x128xi32>
    %iota3A_85 = tpu.iota {dimensions = array<i32: 0>} : vector<10x128xi32>
    %eq3A_86 = arith.cmpi eq, %iota3A_85, %broadcast_in_dim3A_84 : vector<10x128xi32>
    %convert_element_type3A_87 = arith.extui %eq3A_86 : vector<10x128xi1> to vector<10x128xi32>
    %convert_element_type3A_88 = arith.sitofp %convert_element_type3A_87 : vector<10x128xi32> to vector<10x128xf32>
    %get3A_89 = arith.constant 0 : index
    %get3A_90 = arith.constant 0 : index
    %get3A_91 = arith.constant 0 : index
    %get3A_92 = vector.load %arg3[%get3A_89, %get3A_90, %get3A_91] : memref<1x1x10xf32, #tpu.memory_space<vmem>>, vector<1x1x10xf32>
    %get3A_93 = vector.shape_cast %get3A_92 : vector<1x1x10xf32> to vector<1x10xf32>
    %dot_general3A_94 = arith.constant dense<0.000000e+00> : vector<1x128xf32>
    %dot_general3A_95 = tpu.matmul %get3A_93, %convert_element_type3A_88, %dot_general3A_94 {dimension_numbers = #tpu.dot_dimension_numbers<[1], [0], [0], [1], [0, 0, 1, 1], [], []>, transpose_lhs_hint = false} : vector<1x10xf32>, vector<10x128xf32>, vector<1x128xf32> -> vector<1x128xf32>
    %get3A_96 = arith.constant 0 : index
    %get3A_97 = arith.constant 0 : index
    %get3A_98 = arith.constant 0 : index
    %get3A_99 = vector.load %arg4[%get3A_96, %get3A_97, %get3A_98] : memref<1x1x10xf32, #tpu.memory_space<vmem>>, vector<1x1x10xf32>
    %get3A_100 = vector.shape_cast %get3A_99 : vector<1x1x10xf32> to vector<1x10xf32>
    %dot_general3A_101 = arith.constant dense<0.000000e+00> : vector<1x128xf32>
    %dot_general3A_102 = tpu.matmul %get3A_100, %convert_element_type3A_88, %dot_general3A_101 {dimension_numbers = #tpu.dot_dimension_numbers<[1], [0], [0], [1], [0, 0, 1, 1], [], []>, transpose_lhs_hint = false} : vector<1x10xf32>, vector<10x128xf32>, vector<1x128xf32> -> vector<1x128xf32>
    %convert_element_type3A_103 = arith.fptosi %dot_general3A_75 : vector<1x128xf32> to vector<1x128xi32>
    %swap3A = arith.constant 0 : index
    %swap3A_104 = arith.constant 0 : index
    %swap3A_105 = arith.constant 0 : index
    %swap3A_106 = vector.load %arg5[%swap3A, %swap3A_104, %swap3A_105] : memref<1x1x128xi32, #tpu.memory_space<vmem>>, vector<1x1x128xi32>
    %swap3A_107 = vector.shape_cast %swap3A_106 : vector<1x1x128xi32> to vector<1x128xi32>
    %swap3A_108 = vector.shape_cast %convert_element_type3A_103 : vector<1x128xi32> to vector<1x1x128xi32>
    tpu.vector_store %arg5[%swap3A, %swap3A_104, %swap3A_105], %swap3A_108 {strides = array<i32>} : memref<1x1x128xi32, #tpu.memory_space<vmem>>, vector<1x1x128xi32>,
    %convert_element_type3A_109 = arith.fptosi %dot_general3A_82 : vector<1x128xf32> to vector<1x128xi32>
    %swap3A_110 = arith.constant 0 : index
    %swap3A_111 = arith.constant 0 : index
    %swap3A_112 = arith.constant 0 : index
    %swap3A_113 = vector.load %arg6[%swap3A_110, %swap3A_111, %swap3A_112] : memref<1x1x128xi32, #tpu.memory_space<vmem>>, vector<1x1x128xi32>
    %swap3A_114 = vector.shape_cast %swap3A_113 : vector<1x1x128xi32> to vector<1x128xi32>
    %swap3A_115 = vector.shape_cast %convert_element_type3A_109 : vector<1x128xi32> to vector<1x1x128xi32>
    tpu.vector_store %arg6[%swap3A_110, %swap3A_111, %swap3A_112], %swap3A_115 {strides = array<i32>} : memref<1x1x128xi32, #tpu.memory_space<vmem>>, vector<1x1x128xi32>,
    %swap3A_116 = arith.constant 0 : index
    %swap3A_117 = arith.constant 0 : index
    %swap3A_118 = arith.constant 0 : index
    %swap3A_119 = vector.load %arg7[%swap3A_116, %swap3A_117, %swap3A_118] : memref<1x1x128xf32, #tpu.memory_space<vmem>>, vector<1x1x128xf32>
    %swap3A_120 = vector.shape_cast %swap3A_119 : vector<1x1x128xf32> to vector<1x128xf32>
    %swap3A_121 = vector.shape_cast %dot_general3A_95 : vector<1x128xf32> to vector<1x1x128xf32>
    tpu.vector_store %arg7[%swap3A_116, %swap3A_117, %swap3A_118], %swap3A_121 {strides = array<i32>} : memref<1x1x128xf32, #tpu.memory_space<vmem>>, vector<1x1x128xf32>,
    %convert_element_type3A_122 = arith.fptosi %dot_general3A_102 : vector<1x128xf32> to vector<1x128xi32>
    %swap3A_123 = arith.constant 0 : index
    %swap3A_124 = arith.constant 0 : index
    %swap3A_125 = arith.constant 0 : index
    %swap3A_126 = vector.load %arg8[%swap3A_123, %swap3A_124, %swap3A_125] : memref<1x1x128xi32, #tpu.memory_space<vmem>>, vector<1x1x128xi32>
    %swap3A_127 = vector.shape_cast %swap3A_126 : vector<1x1x128xi32> to vector<1x128xi32>
    %swap3A_128 = vector.shape_cast %convert_element_type3A_122 : vector<1x128xi32> to vector<1x1x128xi32>
    tpu.vector_store %arg8[%swap3A_123, %swap3A_124, %swap3A_125], %swap3A_128 {strides = array<i32>} : memref<1x1x128xi32, #tpu.memory_space<vmem>>, vector<1x1x128xi32>,
    return
  }
  func.func @transform_0(%arg0: i32) -> (i32, i32, i32) {
    %c0_i32 = arith.constant 0 : i32
    %c0_i32_0 = arith.constant 0 : i32
    %c0_i32_1 = arith.constant 0 : i32
    return %arg0, %c0_i32, %c0_i32_0 : i32, i32, i32
  }
  func.func @transform_1(%arg0: i32) -> (i32, i32, i32) {
    %c0_i32 = arith.constant 0 : i32
    %c0_i32_0 = arith.constant 0 : i32
    %c0_i32_1 = arith.constant 0 : i32
    return %arg0, %c0_i32, %c0_i32_0 : i32, i32, i32
  }
  func.func @transform_2(%arg0: i32) -> (i32, i32, i32) {
    %c0_i32 = arith.constant 0 : i32
    %c0_i32_0 = arith.constant 0 : i32
    %c0_i32_1 = arith.constant 0 : i32
    return %arg0, %c0_i32, %c0_i32_0 : i32, i32, i32
  }
  func.func @transform_3(%arg0: i32) -> (i32, i32, i32) {
    %c0_i32 = arith.constant 0 : i32
    %c0_i32_0 = arith.constant 0 : i32
    %c0_i32_1 = arith.constant 0 : i32
    return %arg0, %c0_i32, %c0_i32_0 : i32, i32, i32
  }
  func.func @transform_4(%arg0: i32) -> (i32, i32, i32) {
    %c0_i32 = arith.constant 0 : i32
    %c0_i32_0 = arith.constant 0 : i32
    %c0_i32_1 = arith.constant 0 : i32
    return %arg0, %c0_i32, %c0_i32_0 : i32, i32, i32
  }
  func.func @transform_5(%arg0: i32) -> (i32, i32, i32) {
    %c0_i32 = arith.constant 0 : i32
    %c0_i32_0 = arith.constant 0 : i32
    %c0_i32_1 = arith.constant 0 : i32
    return %arg0, %c0_i32, %c0_i32_0 : i32, i32, i32
  }
  func.func @transform_6(%arg0: i32) -> (i32, i32, i32) {
    %c0_i32 = arith.constant 0 : i32
    %c0_i32_0 = arith.constant 0 : i32
    %c0_i32_1 = arith.constant 0 : i32
    return %arg0, %c0_i32, %c0_i32_0 : i32, i32, i32
  }
  func.func @transform_7(%arg0: i32) -> (i32, i32, i32) {
    %c0_i32 = arith.constant 0 : i32
    %c0_i32_0 = arith.constant 0 : i32
    %c0_i32_1 = arith.constant 0 : i32
    return %arg0, %c0_i32, %c0_i32_0 : i32, i32, i32
  }
}

</mosaic_0001>

<sc_bundles>
// kernel: kernel.11.cloned.1.call-start
scs
__scs_entry_jumppad:
0x0: {  	(pc) =	sbr.rel $0x88, $3  }
0x1: {  	(tag) =	ssettag $0x0;
	lr =	simm.s32 $0x1  }
0x2: {  	[smem:$0x3F98] =	sst lr;
	_ =	strace $0xD0000000  }
0x3: {  	_ = 	snop  }
0x4: {  	_ = 	snop  }
0x5: {  	_ = 	snop  }
0x6: {  	_ = 	snop  }
0x7: {  	_ = 	snop  }
__scs_overlays_trampoline_lowered:
0x8: {  	[smem:$0x3FA7] =	sst s0  }
0x9: {  	[smem:$0x3FA8] =	sst s1  }
0xa: {  	[smem:$0x3FA9] =	sst s2  }
0xb: {  	[smem:$0x3FAA] =	sst s3  }
0xc: {  	[smem:$0x3FAB] =	sst s4  }
0xd: {  	[smem:$0x3FAC] =	sst s5  }
0xe: {  	[smem:$0x3FAD] =	sst s6  }
0xf: {  	[smem:$0x3FAE] =	sst s7  }
0x10: {  	[smem:$0x3FAF] =	sst s8  }
0x11: {  	[smem:$0x3FB0] =	sst s9;
	s0 =	simm.s32 @!p0 $0x0  }
0x12: {  	s1 =	sld [smem:$0x3F96];
	s0 =	simm.s32 @p0 $0x1  }
0x13: {  	[smem:$0x3FB1] =	sst s0;
	s0 =	simm.s32 @!p1 $0x0  }
0x14: {  	s2 =	sld [smem:$0x3F95];
	s0 =	simm.s32 @p1 $0x1  }
0x15: {  	[smem:$0x3FB2] =	sst s0;
	s0 =	simm.s32 @!p2 $0x0  }
0x16: {  	s3 =	sld [smem:$0x3FDB];
	s0 =	simm.s32 @p2 $0x1  }
0x17: {  	s4 =	simm.s32 $0x1BF5;
	[smem:$0x3FB4] =	sst s0  }
0x18: {  	s0 =	sld [smem:$0x3F97];
	_ =	swait.ge [sflag:s4], $0x0  }
0x19: {  	s7 =	sld [smem:$0x3F98]  }
0x1a: {  	s8 =	sadd.s32 $0xFFFFE003, lr  }
0x1b: {  	s9 =	sadd.s32 $0xFFFFFEF7, lr;
	s5 =	simm.s32 $0xFFFFFFFF;
	p2 =	slt.u32 s8, $0xFFFFF086  }
0x1c: {  	p1 =	slt.u32 s9, $0xF7A;
	s5 =	simm.s32 @!p2 $0x0  }
0x1d: {  	s5 =	simm.s32 @p1 $0x1;
	p0 =	seq.s32 s7, s2  }
0x1e: {  	s7 =	smul.u32 @!p0 $0xF7A, s2;
	p2 =	seq.s32 @!p0 s5, $0x0  }
0x1f: {  	s9 =	smul.u32 $0xF7A, s1;
	s8 =	simm.s32 @!p0 $0x1BF5;
	p2 =	por !p2, p0  }
0x20: {  	[sflag:s8] =	ssyncset.s32 @!p0 $0xFFFFF086;
	s6 =	sadd.s32 @!p0 s3, s7;
	s7 =	simm.s32 @!p0 $0x108  }
0x21: {  	s3 =	sadd.s32 s3, s9;
	s6 =	sadd.s32 @!p0 $0x88, s6;
	s7 =	simm.s32 @p2 $0x1082  }
0x22: {  	[simem:s7], [sflag:s8] =	dma.local @!p0 [hbm:s6], $0xF7A  }
0x23: {  	s9 =	sor.u32 $0xD0000000, s2;
	s6 =	simm.s32 $0x108;
	_ =	swait.ge @!p0 [sflag:s8], $0x0  }
0x24: {  	s3 =	sadd.s32 $0x88, s3;
	s6 =	simm.s32 @!p1 $0x1082;
	[sflag:s4] =	ssyncset.s32 $0xFFFFF086  }
0x25: {  	[simem:s6], [sflag:s4] =	dma.local [hbm:s3], $0xF7A  }
0x26: {  	[smem:$0x3F98] =	sst s1;
	(tag) =	ssettag s2;
	_ =	strace s9  }
0x27: {  	s1 =	sld [smem:$0x3FA8]  }
0x28: {  	s2 =	sld [smem:$0x3FA9]  }
0x29: {  	s4 =	sld [smem:$0x3FAB]  }
0x2a: {  	p0 =	seq.s32 s5, $0x0;
	s5 =	sld [smem:$0x3FAC]  }
0x2b: {  	s6 =	sld [smem:$0x3FAD]  }
0x2c: {  	s7 =	sld [smem:$0x3FAE]  }
0x2d: {  	s3 =	simm.s32 $0x108;
	s8 =	sld [smem:$0x3FAF]  }
0x2e: {  	s3 =	simm.s32 @!p0 $0x1082;
	s9 =	sld [smem:$0x3FB0]  }
0x2f: {  	lr =	sadd.s32 s0, s3;
	s0 =	sld [smem:$0x3FA7]  }
0x30: {  	s3 =	sld [smem:$0x3FAA]  }
0x31: {  	[smem:$0x3FB3] =	sst s10  }
0x32: {  	s10 =	sld [smem:$0x3FB1];
	_ =	sdelay $0x3  }
0x33: {  	p0 =	seq.s32 s10, $0x1;
	s10 =	sld [smem:$0x3FB3];
	_ =	sdelay $0x3  }
0x34: {  	[smem:$0x3FB3] =	sst s10  }
0x35: {  	s10 =	sld [smem:$0x3FB2];
	_ =	sdelay $0x3  }
0x36: {  	p1 =	seq.s32 s10, $0x1;
	s10 =	sld [smem:$0x3FB3];
	_ =	sdelay $0x3  }
0x37: {  	[smem:$0x3FB3] =	sst s10  }
0x38: {  	s10 =	sld [smem:$0x3FB4]  }
0x39: {  	_ = 	snop;
	(pc) =	sbr.ind lr, $3  }
0x3a: {  	_ = 	snop  }
0x3b: {  	_ = 	snop  }
0x3c: {  	p2 =	seq.s32 s10, $0x1;
	s10 =	sld [smem:$0x3FB3]  }
0x3d: {  	_ =	shalt  }
0x3e: {  	_ =	shalt  }
0x3f: {  	_ =	shalt  }
0x40: {  	_ =	shalt  }
0x41: {  	_ =	shalt  }
0x42: {  	_ =	shalt  }
0x43: {  	_ =	shalt  }
0x44: {  	_ =	shalt  }
0x45: {  	_ =	shalt  }
0x46: {  	_ =	shalt  }
0x47: {  	_ =	shalt  }
0x48: {  	_ =	shalt  }
0x49: {  	_ =	shalt  }
0x4a: {  	_ =	shalt  }
0x4b: {  	_ =	shalt  }
0x4c: {  	_ =	shalt  }
0x4d: {  	_ =	shalt  }
0x4e: {  	_ =	shalt  }
0x4f: {  	_ =	shalt  }
0x50: {  	_ =	shalt  }
0x51: {  	_ =	shalt  }
0x52: {  	_ =	shalt  }
0x53: {  	_ =	shalt  }
0x54: {  	_ =	shalt  }
0x55: {  	_ =	shalt  }
0x56: {  	_ =	shalt  }
0x57: {  	_ =	shalt  }
0x58: {  	_ =	shalt  }
0x59: {  	_ =	shalt  }
0x5a: {  	_ =	shalt  }
0x5b: {  	_ =	shalt  }
0x5c: {  	_ =	shalt  }
0x5d: {  	_ =	shalt  }
0x5e: {  	_ =	shalt  }
0x5f: {  	_ =	shalt  }
0x60: {  	_ =	shalt  }
0x61: {  	_ =	shalt  }
0x62: {  	_ =	shalt  }
0x63: {  	_ =	shalt  }
0x64: {  	_ =	shalt  }
0x65: {  	_ =	shalt  }
0x66: {  	_ =	shalt  }
0x67: {  	_ =	shalt  }
0x68: {  	_ =	shalt  }
0x69: {  	_ =	shalt  }
0x6a: {  	_ =	shalt  }
0x6b: {  	_ =	shalt  }
0x6c: {  	_ =	shalt  }
0x6d: {  	_ =	shalt  }
0x6e: {  	_ =	shalt  }
0x6f: {  	_ =	shalt  }
0x70: {  	_ =	shalt  }
0x71: {  	_ =	shalt  }
0x72: {  	_ =	shalt  }
0x73: {  	_ =	shalt  }
0x74: {  	_ =	shalt  }
0x75: {  	_ =	shalt  }
0x76: {  	_ =	shalt  }
0x77: {  	_ =	shalt  }
0x78: {  	_ =	shalt  }
0x79: {  	_ =	shalt  }
0x7a: {  	_ =	shalt  }
0x7b: {  	_ =	shalt  }
0x7c: {  	_ =	shalt  }
0x7d: {  	_ =	shalt  }
0x7e: {  	_ =	shalt  }
0x7f: {  	_ =	shalt  }
0x80: {  	_ =	shalt  }
0x81: {  	_ =	shalt  }
0x82: {  	_ =	shalt  }
0x83: {  	_ =	shalt  }
0x84: {  	_ =	shalt  }
0x85: {  	_ =	shalt  }
0x86: {  	_ =	shalt  }
0x87: {  	_ =	shalt  }
.Lfunc_end0:
.L_simem_size_0:
called_computation_lowered:
.L_overlay_start_0:
0x88: {  	s2 =	sld [smem:$0x3FD9]  }
0x89: {  	s3 =	sld [smem:$0x3FFE];
	_ =	sdelay $0x1  }
0x8a: {  	s1 =	srdreg.scid  }
0x8b: {  	s0 =	sand.u32 $0x1, s1  }
0x8c: {  	s16 =	sshll.u32 s0, $0xA;
	s2 =	sadd.s32 s3, s2  }
0x8d: {  	s2 =	sadd.s32 s2, s16  }
0x8e: {  	[smem:$0x3FBF] =	sst s2  }
0x8f: {  	_ = 	snop  }
0x90: {  	(tm) =	ssettm $0x1  }
0x91: {  	s17 =	sld [smem:$0x3FFB];
	_ =	sdelay $0x3  }
0x92: {  	_ =	strace s17  }
0x93: {  	s2 =	sld [smem:$0x3FFC];
	_ =	sdelay $0x3  }
0x94: {  	_ =	strace s2  }
0x95: {  	s2 =	sld [smem:$0x3FFD];
	_ =	sdelay $0x3  }
0x96: {  	_ =	strace s2  }
0x97: {  	_ =	strace $0x8FFFFFFF  }
0x98: {  	s18 =	sld [smem:$0x3FDB];
	_ =	sdelay $0x1  }
0x99: {  	s19 =	simm.s32 $_scs_section_size  }
0x9a: {  	s4 =	simm.s32 $_size__tile_overlayer_lowered;
	s5 =	simm.s32 $_tile_overlayer_lowered  }
0x9b: {  	s22 =	simm.s32 $0x1BFF;
	s21 =	sshll.u32 s5, $0x1;
	s2 =	sadd.s32 s19, s18  }
0x9c: {  	s6 =	simm.s32 $0x0;
	s20 =	sshll.u32 s4, $0x1;
	s4 =	sadd.s32 s21, s2  }
0x9d: {  	[timem:s6], [sflag:s22] =	dma.local [hbm:s4], s20  }
0x9e: {  	_ =	swait.ge [sflag:s22], s20  }
0x9f: {  	s3 =	ssub.s32 $0x0, s20;
	[sflag:s22] =	ssyncset.done $0x0  }
0xa0: {  	[sflag:s22] =	ssyncadd.s32 s3;
	_ =	sdelay $0x1  }
0xa1: {  	s23 =	simm.s32 $0x1B8B  }
0xa2: {  	_ =	swait.ge [sflag:s23], $0x1  }
0xa3: {  	[sflag:s23] =	ssyncset.done $0x0  }
0xa4: {  	s25 =	simm.s32 $0x1B8E;
	s24 =	sld [smem:$0x3FFE];
	[sflag:s23] =	ssyncadd.s32 $0xFFFFFFFF  }
0xa5: {  	s26 =	simm.s32 $execute0_lowered;
	[smem:$0x3FD2] =	sst s25  }
0xa6: {  	s4 =	sshll.u32 s26, $0x1;
	_ =	strace $0x80000046;
	[dreg:$0x1] =	wrdreg $0xFFFFFFFF  }
0xa7: {  	s28 =	simm.s32 $_size_execute0_lowered;
	s2 =	sadd.s32 s2, s4;
	[dreg:$0x0] =	wrdreg $0x0  }
0xa8: {  	s4 =	sshll.u32 s28, $0x1;
	[dreg:$0x2] =	wrdreg s2  }
0xa9: {  	[dreg:$0x3] =	wrdreg s4  }
0xaa: {  	[dreg:$0x4] =	wrdreg $0xC0  }
0xab: {  	_ =	task [dreg:s6], $0x5FFFF  }
0xac: {  	[dreg:$0x1] =	wrdreg $0xFFFFFFFF  }
0xad: {  	[dreg:$0x0] =	wrdreg $0x60  }
0xae: {  	[dreg:$0x2] =	wrdreg s24  }
0xaf: {  	[dreg:$0x3] =	wrdreg $0x9  }
0xb0: {  	_ =	task.clear_ibuf [dreg:s6], $0x4FFFF;
	_ =	strace $0x90000046  }
0xb1: {  	s29 =	simm.s32 $0x9;
	_ =	strace $0x80000048  }
0xb2: {  	_ =	swait.ge [sflag:s29], $0x1  }
0xb3: {  	[sflag:s29] =	ssyncadd.s32 $0xFFFFFFFF  }
0xb4: {  	_ =	strace $0x90000048  }
0xb5: {  	_ =	sfence  }
0xb6: {  	s30 =	sld [smem:$0x0];
	_ =	sdelay $0x2  }
0xb7: {  	s31 =	sshll.u32 s1, $0xD;
	s1 =	sshrl.u32 s1, $0x2  }
0xb8: {  	s3 =	sand.u32 $0x4000, s31;
	s1 =	sadd.s32 s1, s30  }
0xb9: {  	s0 =	sor.u32 s3, s0;
	s1 =	sshll.u32 s1, $0x11  }
0xba: {  	s0 =	sor.u32 s1, s0  }
0xbb: {  	s0 =	sadd.s32 $0x8F2B, s0  }
0xbc: {  	[sflag:s0] =	ssyncadd.remote.s32 $0x1  }
0xbd: {  	_ =	sfence.sel $0xFFFF  }
0xbe: {  	[dreg:$0x0] =	wrdreg $0xFFFFFFFF;
	(pc) =	sbr.abs _section_cstart, $3  }
0xbf: {  	[dreg:$0x1] =	wrdreg $0xFFFFFFFF  }
0xc0: {  	_ =	task.clear_ibuf [dreg:s6], $0x2FFFF;
	_ =	strace $0x9FFFFFFF  }
0xc1: {  	(tm) =	ssettm $0x7FFFFFFF  }
tec
execute0_lowered:
.L_overlay_start_1:
0x0: {  	(tag) =	ssettag $0x1  }
0x1: {  	s4 =	rddreg [dreg:$0x0]  }
0x2: {  	s0 =	rddreg [dreg:$0x1]  }
0x3: {  	s3 =	srdreg.scid;
	s1 =	stileid.u32  }
0x4: {  	s2 =	simm.s32 $0x0;
	s10 =	simm.s32 $0x80;
	s11 =	simm.s32 $0x400  }
0x5: {  	s12 =	simm.s32 $0x8100;
	s13 =	simm.s32 $0xA100;
	s14 =	simm.s32 $0x0  }
0x6: {  	s5 =	sand.u32 $0x1, s3;
	s28 =	sshll.u32 s1, $0x8;
	s6 =	sshrl.u32 s1, $0x2  }
0x7: {  	[smem:$0x7FF] =	sst s2;
	s7 =	sshll.u32 s5, $0x7;
	s3 =	sand.u32 $0x300, s28  }
0x8: {  	s29 =	sshll.u32 s6, $0xC;
	_ =	strace $0x80000047;
	s9 =	smul.u32 $0xA000, s6  }
0x9: {  	s6 =	sshll.u32 s6, $0x10;
	s5 =	ssub.s32 $0x2, s5;
	s7 =	sor.u32 s7, s3  }
0xa: {  	s3 =	sadd.s32 $0x7D800, s4;
	s30 =	sshrl.u32 s5, $0x1;
	s8 =	sor.u32 s29, s7  }
0xb: {  	s6 =	sor.u32 s6, s7;
	s7 =	sor.u32 s9, s7;
	s31 =	ssub.s32 s5, s30  }
0xc: {  	s9 =	simm.s32 $0x1;
	s8 =	sshrl.u32 s8, $0x3;
	s6 =	sshrl.u32 s6, $0x3  }
0xd: {  	s7 =	sshrl.u32 s7, $0x3;
	s8 =	sadd.s32 s8, s4;
	s6 =	sadd.s32 s6, s4  }
0xe: {  	s7 =	sadd.s32 s7, s4;
	s4 =	sadd.s32 $0x8800, s8;
	s5 =	sadd.s32 $0x9000, s8  }
0xf: {  	v0 =	vlaneseq.u32;
	s6 =	sadd.s32 $0x800, s6;
	s7 =	sadd.s32 $0x9800, s7;
	s8 =	smax.u32 s31, $0x1  }
.LBB2_1:
0x10: {  	[tilespmem:s2], [sflag:$0x1] =	stream.linear.gather [hbm4b:s3+s2], $0x7D00, $0x38;
	[tilespmem:$0xB500] =	vst v63  }
0x11: {  	_ =	swait.ge [sflag:s9], $0x7D00  }
0x12: {  	[sflag:s9] =	ssyncset.done $0x0  }
0x13: {  	s15 =	simm.s32 $0x7D00;
	[sflag:s9] =	ssyncadd.s32 $0xFFFF8300  }
0x14: {  	[tilespmem:s15], [sflag:$0x1] =	stream.strided.gather [hbm4b:s4+s10], $0x200, s11, s10, $0x38;
	[tilespmem:$0xB500] =	vst v63  }
0x15: {  	_ =	swait.ge [sflag:s9], $0x200  }
0x16: {  	[sflag:s9] =	ssyncset.done $0x0  }
0x17: {  	s16 =	simm.s32 $0x7F00;
	[sflag:s9] =	ssyncadd.s32 $0xFFFFFE00  }
0x18: {  	[tilespmem:s16], [sflag:$0x1] =	stream.strided.gather [hbm4b:s5+s10], $0x200, s11, s10, $0x38;
	[tilespmem:$0xB500] =	vst v63  }
0x19: {  	_ =	swait.ge [sflag:s9], $0x200  }
0x1a: {  	[sflag:s9] =	ssyncset.done $0x0  }
0x1b: {  	[sflag:s9] =	ssyncadd.s32 $0xFFFFFE00  }
0x1c: {  	[tilespmem:s12], [sflag:$0x1] =	stream.strided.gather [hbm4b:s6+s10], $0x2000, s11, s10, $0x38;
	[tilespmem:$0xB500] =	vst v63  }
0x1d: {  	_ =	swait.ge [sflag:s9], $0x2000  }
0x1e: {  	[sflag:s9] =	ssyncset.done $0x0  }
0x1f: {  	[sflag:s9] =	ssyncadd.s32 $0xFFFFE000  }
0x20: {  	v1 =	vld [tilespmem:s15+$0x0]  }
0x21: {  	v2 =	vld [tilespmem:s16+$0x0];
	_ =	sdelay $0x1  }
0x22: {  	v3 =	vor.u32 s2, v0  }
0x23: {  	v4 =	vshll.u32 v3, $0x4  }
0x24: {  	v5 =	vshll.u32 v1, $0x4  }
0x25: {  	v6 =	vshll.u32 v2, $0x4  }
0x26: {  	v1 =	vor.u32 $0xA, v5  }
0x27: {  	v2 =	vor.u32 $0xA, v6  }
0x28: {  	v7 =	vld.idx.msk [tilespmem:v4+s12+$0x0], $0xffff  }
0x29: {  	v8 =	vld.idx.msk [tilespmem:v5+s2+$0x0], $0xffff  }
0x2a: {  	v9 =	vld.idx.msk [tilespmem:v6+s2+$0x0], $0xffff  }
0x2b: {  	v1 =	vld.idx.msk [tilespmem:v1+s2+$0x0], $0xffff  }
0x2c: {  	v10 =	vld.idx.msk [tilespmem:v2+s2+$0x0], $0xffff;
	_ =	sdelay $0x2  }
0x2d: {  	v2 =	vmul.u32 $0xA, v3;
	v3 =	vmul.f32 v9, v8;
	_ =	sdelay $0x1  }
0x2e: {  	v1 =	vmul.f32 v10, v1;
	v3 =	vmul.f32 v7, v3;
	v7 =	vor.u32 $0x1, v5  }
0x2f: {  	v33 =	vor.u32 $0x1, v6  }
0x30: {  	v3 =	vmul.f32 v3, v1  }
0x31: {  	v34 =	vor.u32 $0x1, v4  }
0x32: {  	[tilespmem:v2+s13+$0x0] =	vst.idx.msk $0xffff, v3  }
0x33: {  	v3 =	vld.idx.msk [tilespmem:v7+s2+$0x0], $0xffff  }
0x34: {  	v7 =	vld.idx.msk [tilespmem:v33+s2+$0x0], $0xffff;
	_ =	sdelay $0x1  }
0x35: {  	v35 =	vld.idx.msk [tilespmem:v34+s12+$0x0], $0xffff;
	_ =	sdelay $0x2  }
0x36: {  	v3 =	vmul.f32 v7, v3  }
0x37: {  	v7 =	vor.u32 $0x1, v2  }
0x38: {  	v36 =	vor.u32 $0x2, v5;
	v3 =	vmul.f32 v35, v3  }
0x39: {  	v37 =	vor.u32 $0x2, v6  }
0x3a: {  	v3 =	vmul.f32 v3, v1  }
0x3b: {  	v38 =	vor.u32 $0x2, v4  }
0x3c: {  	[tilespmem:v7+s13+$0x0] =	vst.idx.msk $0xffff, v3  }
0x3d: {  	v3 =	vld.idx.msk [tilespmem:v36+s2+$0x0], $0xffff  }
0x3e: {  	v7 =	vld.idx.msk [tilespmem:v37+s2+$0x0], $0xffff;
	_ =	sdelay $0x1  }
0x3f: {  	v39 =	vld.idx.msk [tilespmem:v38+s12+$0x0], $0xffff;
	_ =	sdelay $0x2  }
0x40: {  	v3 =	vmul.f32 v7, v3  }
0x41: {  	v7 =	vadd.s32 $0x2, v2  }
0x42: {  	v40 =	vor.u32 $0x3, v5;
	v3 =	vmul.f32 v39, v3  }
0x43: {  	v41 =	vor.u32 $0x3, v6  }
0x44: {  	v3 =	vmul.f32 v3, v1  }
0x45: {  	v42 =	vor.u32 $0x3, v4  }
0x46: {  	[tilespmem:v7+s13+$0x0] =	vst.idx.msk $0xffff, v3  }
0x47: {  	v3 =	vld.idx.msk [tilespmem:v40+s2+$0x0], $0xffff  }
0x48: {  	v7 =	vld.idx.msk [tilespmem:v41+s2+$0x0], $0xffff;
	_ =	sdelay $0x1  }
0x49: {  	v43 =	vld.idx.msk [tilespmem:v42+s12+$0x0], $0xffff;
	_ =	sdelay $0x2  }
0x4a: {  	v3 =	vmul.f32 v7, v3  }
0x4b: {  	v7 =	vadd.s32 $0x3, v2  }
0x4c: {  	v44 =	vor.u32 $0x4, v5;
	v3 =	vmul.f32 v43, v3  }
0x4d: {  	v45 =	vor.u32 $0x4, v6  }
0x4e: {  	v3 =	vmul.f32 v3, v1  }
0x4f: {  	v46 =	vor.u32 $0x4, v4  }
0x50: {  	[tilespmem:v7+s13+$0x0] =	vst.idx.msk $0xffff, v3  }
0x51: {  	v3 =	vld.idx.msk [tilespmem:v44+s2+$0x0], $0xffff  }
0x52: {  	v7 =	vld.idx.msk [tilespmem:v45+s2+$0x0], $0xffff;
	_ =	sdelay $0x1  }
0x53: {  	v47 =	vld.idx.msk [tilespmem:v46+s12+$0x0], $0xffff;
	_ =	sdelay $0x2  }
0x54: {  	v3 =	vmul.f32 v7, v3  }
0x55: {  	v7 =	vadd.s32 $0x4, v2  }
0x56: {  	v48 =	vor.u32 $0x5, v5;
	v3 =	vmul.f32 v47, v3  }
0x57: {  	v49 =	vor.u32 $0x5, v6  }
0x58: {  	v3 =	vmul.f32 v3, v1  }
0x59: {  	v50 =	vor.u32 $0x5, v4  }
0x5a: {  	[tilespmem:v7+s13+$0x0] =	vst.idx.msk $0xffff, v3  }
0x5b: {  	v3 =	vld.idx.msk [tilespmem:v48+s2+$0x0], $0xffff  }
0x5c: {  	v7 =	vld.idx.msk [tilespmem:v49+s2+$0x0], $0xffff;
	_ =	sdelay $0x1  }
0x5d: {  	v51 =	vld.idx.msk [tilespmem:v50+s12+$0x0], $0xffff;
	_ =	sdelay $0x2  }
0x5e: {  	v3 =	vmul.f32 v7, v3  }
0x5f: {  	v7 =	vadd.s32 $0x5, v2  }
0x60: {  	v52 =	vor.u32 $0x6, v5;
	v3 =	vmul.f32 v51, v3  }
0x61: {  	v53 =	vor.u32 $0x6, v6  }
0x62: {  	v3 =	vmul.f32 v3, v1  }
0x63: {  	v54 =	vor.u32 $0x6, v4  }
0x64: {  	[tilespmem:v7+s13+$0x0] =	vst.idx.msk $0xffff, v3  }
0x65: {  	v3 =	vld.idx.msk [tilespmem:v52+s2+$0x0], $0xffff  }
0x66: {  	v7 =	vld.idx.msk [tilespmem:v53+s2+$0x0], $0xffff;
	_ =	sdelay $0x1  }
0x67: {  	v55 =	vld.idx.msk [tilespmem:v54+s12+$0x0], $0xffff;
	_ =	sdelay $0x2  }
0x68: {  	v3 =	vmul.f32 v7, v3  }
0x69: {  	v7 =	vadd.s32 $0x6, v2  }
0x6a: {  	v56 =	vor.u32 $0x7, v5;
	v3 =	vmul.f32 v55, v3  }
0x6b: {  	v57 =	vor.u32 $0x7, v6  }
0x6c: {  	v3 =	vmul.f32 v3, v1  }
0x6d: {  	v58 =	vor.u32 $0x7, v4  }
0x6e: {  	[tilespmem:v7+s13+$0x0] =	vst.idx.msk $0xffff, v3  }
0x6f: {  	v3 =	vld.idx.msk [tilespmem:v56+s2+$0x0], $0xffff  }
0x70: {  	v7 =	vld.idx.msk [tilespmem:v57+s2+$0x0], $0xffff;
	_ =	sdelay $0x1  }
0x71: {  	v59 =	vld.idx.msk [tilespmem:v58+s12+$0x0], $0xffff;
	_ =	sdelay $0x2  }
0x72: {  	v3 =	vmul.f32 v7, v3  }
0x73: {  	v7 =	vadd.s32 $0x7, v2  }
0x74: {  	v60 =	vor.u32 $0x8, v5;
	v3 =	vmul.f32 v59, v3  }
0x75: {  	v61 =	vor.u32 $0x8, v6  }
0x76: {  	v3 =	vmul.f32 v3, v1  }
0x77: {  	v62 =	vor.u32 $0x8, v4  }
0x78: {  	[tilespmem:v7+s13+$0x0] =	vst.idx.msk $0xffff, v3  }
0x79: {  	v3 =	vld.idx.msk [tilespmem:v60+s2+$0x0], $0xffff  }
0x7a: {  	v7 =	vld.idx.msk [tilespmem:v61+s2+$0x0], $0xffff;
	_ =	sdelay $0x1  }
0x7b: {  	v63 =	vld.idx.msk [tilespmem:v62+s12+$0x0], $0xffff;
	_ =	sdelay $0x2  }
0x7c: {  	v3 =	vmul.f32 v7, v3  }
0x7d: {  	v7 =	vadd.s32 $0x8, v2  }
0x7e: {  	v5 =	vor.u32 $0x9, v5;
	v3 =	vmul.f32 v63, v3  }
0x7f: {  	v6 =	vor.u32 $0x9, v6  }
0x80: {  	v4 =	vor.u32 $0x9, v4;
	v3 =	vmul.f32 v3, v1;
	_ =	sdelay $0x1  }
0x81: {  	[tilespmem:v7+s13+$0x0] =	vst.idx.msk $0xffff, v3  }
0x82: {  	v3 =	vld.idx.msk [tilespmem:v5+s2+$0x0], $0xffff  }
0x83: {  	v5 =	vld.idx.msk [tilespmem:v6+s2+$0x0], $0xffff  }
0x84: {  	s17 =	simm.s32 $0x10;
	v4 =	vld.idx.msk [tilespmem:v4+s12+$0x0], $0xffff  }
.LBB2_2:
0x85: {  	p0 =	sne.s32 s17, $0x1F0;
	s15 =	sadd.s32 $0x10, s15;
	s16 =	sadd.s32 $0x10, s16  }
0x86: {  	s18 =	smov.u32 s17;
	s17 =	sadd.s32 $0x10, s17;
	_ =	sdelay $0x2  }
0x87: {  	v3 =	vmul.f32 v5, v3  }
0x88: {  	v2 =	vadd.s32 $0x9, v2  }
0x89: {  	v3 =	vmul.f32 v4, v3;
	_ =	sdelay $0x1  }
0x8a: {  	v1 =	vmul.f32 v3, v1;
	_ =	sdelay $0x1  }
0x8b: {  	[tilespmem:v2+s13+$0x0] =	vst.idx.msk $0xffff, v1  }
0x8c: {  	v1 =	vld [tilespmem:s15+$0x0]  }
0x8d: {  	v2 =	vld [tilespmem:s16+$0x0];
	_ =	sdelay $0x1  }
0x8e: {  	v6 =	vor.u32 s18, v0  }
0x8f: {  	v3 =	vshll.u32 v6, $0x4  }
0x90: {  	v4 =	vshll.u32 v1, $0x4  }
0x91: {  	v5 =	vshll.u32 v2, $0x4;
	v1 =	vor.u32 $0xA, v4;
	_ =	sdelay $0x1  }
0x92: {  	v2 =	vor.u32 $0xA, v5  }
0x93: {  	v7 =	vld.idx.msk [tilespmem:v3+s12+$0x0], $0xffff  }
0x94: {  	v8 =	vld.idx.msk [tilespmem:v4+s2+$0x0], $0xffff  }
0x95: {  	v9 =	vld.idx.msk [tilespmem:v5+s2+$0x0], $0xffff  }
0x96: {  	v1 =	vld.idx.msk [tilespmem:v1+s2+$0x0], $0xffff  }
0x97: {  	v10 =	vld.idx.msk [tilespmem:v2+s2+$0x0], $0xffff;
	_ =	sdelay $0x3  }
0x98: {  	v2 =	vmul.u32 $0xA, v6;
	v6 =	vmul.f32 v9, v8;
	_ =	sdelay $0x1  }
0x99: {  	v1 =	vmul.f32 v10, v1;
	v6 =	vmul.f32 v7, v6;
	v7 =	vor.u32 $0x1, v4  }
0x9a: {  	v8 =	vor.u32 $0x1, v5  }
0x9b: {  	v6 =	vmul.f32 v6, v1  }
0x9c: {  	v9 =	vor.u32 $0x1, v3  }
0x9d: {  	[tilespmem:v2+s13+$0x0] =	vst.idx.msk $0xffff, v6  }
0x9e: {  	v6 =	vld.idx.msk [tilespmem:v7+s2+$0x0], $0xffff  }
0x9f: {  	v7 =	vld.idx.msk [tilespmem:v8+s2+$0x0], $0xffff;
	_ =	sdelay $0x1  }
0xa0: {  	v8 =	vld.idx.msk [tilespmem:v9+s12+$0x0], $0xffff;
	_ =	sdelay $0x3  }
0xa1: {  	v6 =	vmul.f32 v7, v6  }
0xa2: {  	v7 =	vor.u32 $0x1, v2  }
0xa3: {  	v6 =	vmul.f32 v8, v6;
	v8 =	vor.u32 $0x2, v4  }
0xa4: {  	v9 =	vor.u32 $0x2, v5  }
0xa5: {  	v6 =	vmul.f32 v6, v1  }
0xa6: {  	v10 =	vor.u32 $0x2, v3  }
0xa7: {  	[tilespmem:v7+s13+$0x0] =	vst.idx.msk $0xffff, v6  }
0xa8: {  	v6 =	vld.idx.msk [tilespmem:v8+s2+$0x0], $0xffff  }
0xa9: {  	v7 =	vld.idx.msk [tilespmem:v9+s2+$0x0], $0xffff;
	_ =	sdelay $0x1  }
0xaa: {  	v8 =	vld.idx.msk [tilespmem:v10+s12+$0x0], $0xffff;
	_ =	sdelay $0x3  }
0xab: {  	v6 =	vmul.f32 v7, v6  }
0xac: {  	v7 =	vadd.s32 $0x2, v2  }
0xad: {  	v6 =	vmul.f32 v8, v6;
	v8 =	vor.u32 $0x3, v4  }
0xae: {  	v9 =	vor.u32 $0x3, v5  }
0xaf: {  	v6 =	vmul.f32 v6, v1  }
0xb0: {  	v10 =	vor.u32 $0x3, v3  }
0xb1: {  	[tilespmem:v7+s13+$0x0] =	vst.idx.msk $0xffff, v6  }
0xb2: {  	v6 =	vld.idx.msk [tilespmem:v8+s2+$0x0], $0xffff  }
0xb3: {  	v7 =	vld.idx.msk [tilespmem:v9+s2+$0x0], $0xffff;
	_ =	sdelay $0x1  }
0xb4: {  	v8 =	vld.idx.msk [tilespmem:v10+s12+$0x0], $0xffff;
	_ =	sdelay $0x3  }
0xb5: {  	v6 =	vmul.f32 v7, v6  }
0xb6: {  	v7 =	vadd.s32 $0x3, v2  }
0xb7: {  	v6 =	vmul.f32 v8, v6;
	v8 =	vor.u32 $0x4, v4  }
0xb8: {  	v9 =	vor.u32 $0x4, v5  }
0xb9: {  	v10 =	vor.u32 $0x4, v3;
	v6 =	vmul.f32 v6, v1;
	_ =	sdelay $0x1  }
0xba: {  	[tilespmem:v7+s13+$0x0] =	vst.idx.msk $0xffff, v6  }
0xbb: {  	v6 =	vld.idx.msk [tilespmem:v8+s2+$0x0], $0xffff  }
0xbc: {  	v7 =	vld.idx.msk [tilespmem:v9+s2+$0x0], $0xffff  }
0xbd: {  	v8 =	vld.idx.msk [tilespmem:v10+s12+$0x0], $0xffff;
	_ =	sdelay $0x4  }
0xbe: {  	v6 =	vmul.f32 v7, v6  }
0xbf: {  	v7 =	vadd.s32 $0x4, v2  }
0xc0: {  	v6 =	vmul.f32 v8, v6;
	v8 =	vor.u32 $0x5, v4  }
0xc1: {  	v9 =	vor.u32 $0x5, v5  }
0xc2: {  	v6 =	vmul.f32 v6, v1  }
0xc3: {  	v10 =	vor.u32 $0x5, v3  }
0xc4: {  	[tilespmem:v7+s13+$0x0] =	vst.idx.msk $0xffff, v6  }
0xc5: {  	v6 =	vld.idx.msk [tilespmem:v8+s2+$0x0], $0xffff  }
0xc6: {  	v7 =	vld.idx.msk [tilespmem:v9+s2+$0x0], $0xffff;
	_ =	sdelay $0x1  }
0xc7: {  	v8 =	vld.idx.msk [tilespmem:v10+s12+$0x0], $0xffff;
	_ =	sdelay $0x3  }
0xc8: {  	v6 =	vmul.f32 v7, v6  }
0xc9: {  	v7 =	vadd.s32 $0x5, v2  }
0xca: {  	v6 =	vmul.f32 v8, v6;
	v8 =	vor.u32 $0x6, v4  }
0xcb: {  	v9 =	vor.u32 $0x6, v5  }
0xcc: {  	v10 =	vor.u32 $0x6, v3;
	v6 =	vmul.f32 v6, v1;
	_ =	sdelay $0x1  }
0xcd: {  	[tilespmem:v7+s13+$0x0] =	vst.idx.msk $0xffff, v6  }
0xce: {  	v6 =	vld.idx.msk [tilespmem:v8+s2+$0x0], $0xffff  }
0xcf: {  	v7 =	vld.idx.msk [tilespmem:v9+s2+$0x0], $0xffff  }
0xd0: {  	v8 =	vld.idx.msk [tilespmem:v10+s12+$0x0], $0xffff;
	_ =	sdelay $0x4  }
0xd1: {  	v6 =	vmul.f32 v7, v6  }
0xd2: {  	v7 =	vadd.s32 $0x6, v2  }
0xd3: {  	v6 =	vmul.f32 v8, v6;
	v8 =	vor.u32 $0x7, v4  }
0xd4: {  	v9 =	vor.u32 $0x7, v5  }
0xd5: {  	v10 =	vor.u32 $0x7, v3;
	v6 =	vmul.f32 v6, v1;
	_ =	sdelay $0x1  }
0xd6: {  	[tilespmem:v7+s13+$0x0] =	vst.idx.msk $0xffff, v6  }
0xd7: {  	v6 =	vld.idx.msk [tilespmem:v8+s2+$0x0], $0xffff  }
0xd8: {  	v7 =	vld.idx.msk [tilespmem:v9+s2+$0x0], $0xffff  }
0xd9: {  	v8 =	vld.idx.msk [tilespmem:v10+s12+$0x0], $0xffff;
	_ =	sdelay $0x4  }
0xda: {  	v6 =	vmul.f32 v7, v6  }
0xdb: {  	v7 =	vadd.s32 $0x7, v2  }
0xdc: {  	v6 =	vmul.f32 v8, v6;
	v8 =	vor.u32 $0x8, v4  }
0xdd: {  	v9 =	vor.u32 $0x8, v5  }
0xde: {  	v10 =	vor.u32 $0x8, v3;
	v6 =	vmul.f32 v6, v1;
	_ =	sdelay $0x1  }
0xdf: {  	[tilespmem:v7+s13+$0x0] =	vst.idx.msk $0xffff, v6  }
0xe0: {  	v6 =	vld.idx.msk [tilespmem:v8+s2+$0x0], $0xffff  }
0xe1: {  	v7 =	vld.idx.msk [tilespmem:v9+s2+$0x0], $0xffff  }
0xe2: {  	v8 =	vld.idx.msk [tilespmem:v10+s12+$0x0], $0xffff;
	_ =	sdelay $0x4  }
0xe3: {  	v6 =	vmul.f32 v7, v6  }
0xe4: {  	v7 =	vadd.s32 $0x8, v2  }
0xe5: {  	v4 =	vor.u32 $0x9, v4;
	v6 =	vmul.f32 v8, v6  }
0xe6: {  	v5 =	vor.u32 $0x9, v5  }
0xe7: {  	v8 =	vor.u32 $0x9, v3;
	v6 =	vmul.f32 v6, v1  }
.Ltmp0:
0xe8: {  	(pc) =	sbr.rel @p0 .LBB2_2-.Ltmp0, $4  }
0xe9: {  	[tilespmem:v7+s13+$0x0] =	vst.idx.msk $0xffff, v6  }
0xea: {  	v3 =	vld.idx.msk [tilespmem:v4+s2+$0x0], $0xffff  }
0xeb: {  	v5 =	vld.idx.msk [tilespmem:v5+s2+$0x0], $0xffff  }
0xec: {  	v4 =	vld.idx.msk [tilespmem:v8+s12+$0x0], $0xffff  }
0xed: {  	_ =	sdelay $0x2  }
0xee: {  	v3 =	vmul.f32 v5, v3  }
0xef: {  	v2 =	vadd.s32 $0x9, v2  }
0xf0: {  	v3 =	vmul.f32 v4, v3;
	_ =	sdelay $0x1  }
0xf1: {  	s14 =	sadd.s32 $0x1, s14;
	v1 =	vmul.f32 v3, v1  }
0xf2: {  	p0 =	sne.s32 s14, s8  }
.Ltmp1:
0xf3: {  	[tilespmem:v2+s13+$0x0] =	vst.idx.msk $0xffff, v1;
	(pc) =	sbr.rel @p0 .LBB2_1-.Ltmp1, $4  }
0xf4: {  	[hbm4b:s7+s10] =	stream.strided.scatter [tilespmem:s13], [sflag:$0x1], $0x1400, s11, s10, $0x38;
	[tilespmem:$0xB500] =	vst v63  }
0xf5: {  	_ =	swait.ge [sflag:s9], $0x1400  }
0xf6: {  	[sflag:s9] =	ssyncset.done $0x0  }
0xf7: {  	[sflag:s9] =	ssyncadd.s32 $0xFFFFEC00  }
0xf8: {  	_ =	sfence.sel $0x180000  }
0xf9: {  	[bflag:$0x0] =	sbarrier.arrive $0xFFFF  }
0xfa: {  	p0 =	sne.s32 s1, $0x0;
	_ =	strace $0x90000047  }
0xfb: {  	s0 =	sadd.s32 @!p0 $0x100000, s0;
	[bflag:$0x2] =	sbarrier.arrive $0xFFFF  }
0xfc: {  	[sflag:s0] =	ssyncadd.tile.s32 @!p0 $0x1;
	_ =	shalt  }
.Lfunc_end2:
_tile_overlayer_lowered:
.L_overlay_start_2:
0xfd: {  	(tag) =	ssettag $0x2  }
0xfe: {  	s0 =	rddreg [dreg:$0x0];
	s2 =	stileid.u32  }
0xff: {  	s1 =	rddreg [dreg:$0x1];
	p0 =	sne.s32 s2, $0x0  }
0x100: {  	s3 =	rddreg [dreg:$0x2];
	[bflag:$0x3] =	sbarrier.arrive $0xFFFF;
	s2 =	simm.s32 @!p0 $0x1C01  }
0x101: {  	[timem:s3], [sflag:s2] =	dma.local @!p0 [hbm:s0], s1  }
0x102: {  	s0 =	simm.s32 @!p0 $0x1  }
0x103: {  	_ =	swait.ge @!p0 [sflag:s0], s1  }
0x104: {  	s1 =	ssub.s32 @!p0 $0x0, s1;
	[sflag:s0] =	ssyncset.done @!p0 $0x0  }
0x105: {  	[sflag:s0] =	ssyncadd.s32 @!p0 s1  }
0x106: {  	[bflag:$0x3] =	sbarrier.arrive $0xFFFF  }
0x107: {  	_ =	shalt  }

</sc_bundles>
